<compile_context>
chip_gen: v7x
topology: tpu7x:2x2x1
jax: 0.10.2.dev20260603
libtpu: 0.0.44.dev20260713+nightly
codegen_flags: <defaults>
</compile_context>

<pallas_src>
import functools

import jax
import jax.numpy as jnp
from jax import lax
from jax.experimental import pallas as pl
from jax.experimental.pallas import tpu as pltpu
from jax.experimental.pallas import tpu_sc as plsc

N = 10000
E = 320000
D = 128

NC = 2
NS = 16
NW = NC * NS
N_PAD = 10240
EPW = 10560
E_PAD = NW * EPW
RPT = N_PAD // NS
ZR = 16


def _chunk_edges(d):
    return 80 if d == 128 else 120


@functools.lru_cache(maxsize=None)
def _make_segsum(d):
    mesh = plsc.VectorSubcoreMesh(core_axis_name="c", subcore_axis_name="s")
    k = _chunk_edges(d)
    nchunk = EPW // k
    halves = 2 if d == 128 else 1
    span = nchunk // halves

    @functools.partial(
        pl.kernel,
        mesh=mesh,
        compiler_params=pltpu.CompilerParams(use_tc_tiling_on_sc=False),
        out_type=jax.ShapeDtypeStruct((NC * N_PAD, d), jnp.float32),
        scratch_types=[
            pltpu.VMEM((span, k), jnp.int32),
            pltpu.VMEM((span, k), jnp.int32),
            pltpu.VMEM((k, d), jnp.float32),
            pltpu.VMEM((k, d), jnp.float32),
            pltpu.VMEM((k, d), jnp.float32),
            pltpu.VMEM((ZR, d), jnp.float32),
            pltpu.VMEM_SHARED((N_PAD, d), jnp.float32),
            pltpu.SemaphoreType.DMA,
            pltpu.SemaphoreType.DMA,
            pltpu.SemaphoreType.DMA,
            pltpu.SemaphoreType.DMA,
        ],
    )
    def segsum(x_hbm, src_hbm, dst_hbm, out_hbm, src_v, dst_v, buf0, buf1,
               buf2, zero_v, acc_sh, gsem0, gsem1, gsem2, isem):
        bufs = (buf0, buf1, buf2)
        gsems = (gsem0, gsem1, gsem2)
        c = lax.axis_index("c")
        s = lax.axis_index("s")
        gw = c * NS + s

        def load_slab(h):
            pltpu.async_copy(src_hbm.at[gw, pl.ds(h * span, span)], src_v, isem)
            pltpu.async_copy(dst_hbm.at[gw, pl.ds(h * span, span)], dst_v, isem)

        def wait_slab():
            pltpu.make_async_copy(src_hbm.at[gw, pl.ds(0, span)], src_v, isem).wait()
            pltpu.make_async_copy(dst_hbm.at[gw, pl.ds(0, span)], dst_v, isem).wait()

        load_slab(0)

        def zrow(i, carry):
            def zcol(j, carry2):
                zero_v[i, pl.ds(j * 16, 16)] = jnp.zeros((16,), jnp.float32)
                return carry2
            return lax.fori_loop(0, d // 16, zcol, carry)
        lax.fori_loop(0, ZR, zrow, 0)

        r0 = s * RPT
        def zacc(i, carry):
            pltpu.sync_copy(zero_v, acc_sh.at[pl.ds(r0 + i * ZR, ZR)])
            return carry
        lax.fori_loop(0, RPT // ZR, zacc, 0)
        wait_slab()
        plsc.subcore_barrier()

        def gather_start(j, q):
            pltpu.async_copy(x_hbm.at[src_v.at[j]], bufs[q], gsems[q])

        def gather_wait(j, q):
            pltpu.make_async_copy(x_hbm.at[src_v.at[j]], bufs[q], gsems[q]).wait()

        def scatter_add(j, q):
            pltpu.sync_copy(bufs[q], acc_sh.at[dst_v.at[j]], add=True)

        def run_span():
            gather_start(0, 0)
            gather_start(1, 1)

            def body(t, carry):
                j0 = 3 * t
                for q in range(3):
                    j = j0 + q
                    gather_wait(j, q)

                    @pl.when(j + 2 < span)
                    def _():
                        gather_start(j + 2, (q + 2) % 3)
                    scatter_add(j, q)
                return carry
            lax.fori_loop(0, span // 3, body, 0)

        assert span % 3 == 0 or halves == 1
        if halves == 1:
            if span % 3 == 0:
                run_span()
            else:
                gather_start(0, 0)

                def body2(i, carry):
                    j0 = 2 * i
                    gather_wait(j0, 0)
                    gather_start(j0 + 1, 1)
                    scatter_add(j0, 0)

                    @pl.when(j0 + 2 < span)
                    def _():
                        gather_start(j0 + 2, 0)
                    gather_wait(j0 + 1, 1)
                    scatter_add(j0 + 1, 1)
                    return carry
                lax.fori_loop(0, span // 2, body2, 0)
        else:
            run_span()
            load_slab(1)
            wait_slab()
            run_span()
        plsc.subcore_barrier()

        pltpu.sync_copy(acc_sh.at[pl.ds(r0, RPT)],
                        out_hbm.at[pl.ds(c * N_PAD + r0, RPT)])

    return segsum


def _bn(h, g, b):
    m = jnp.mean(h, axis=0, keepdims=True)
    v = jnp.mean(h * h, axis=0, keepdims=True) - m * m
    return (h - m) * lax.rsqrt(v + 1e-5) * g + b


def _mlp1_body(x, p, W1a, b1a, W1b, b1b, W1c, b1c, g1, be1, out):
    a = x[...] + p[0:N] + p[N_PAD:N_PAD + N]
    h = jnp.maximum(jnp.dot(a, W1a[...], preferred_element_type=jnp.float32) + b1a[...], 0.0)
    h = jnp.maximum(jnp.dot(h, W1b[...], preferred_element_type=jnp.float32) + b1b[...], 0.0)
    h = jnp.dot(h, W1c[...], preferred_element_type=jnp.float32) + b1c[...]
    h = jnp.maximum(h, 0.0)
    out[...] = _bn(h, g1[...], be1[...])


def _mlp2_body(x, p, W2a, b2a, W2b, b2b, W2c, b2c, g2, be2, out):
    a = x[...] + p[0:N] + p[N_PAD:N_PAD + N]
    h = jnp.maximum(jnp.dot(a, W2a[...], preferred_element_type=jnp.float32) + b2a[...], 0.0)
    h = jnp.maximum(jnp.dot(h, W2b[...], preferred_element_type=jnp.float32) + b2b[...], 0.0)
    h = jnp.dot(h, W2c[...], preferred_element_type=jnp.float32) + b2c[...]
    h = jnp.maximum(h, 0.0)
    out[...] = _bn(h, g2[...], be2[...])


def _mlp3_body(x, p, W3a, b3a, W3b, b3b, g3, be3, Wf1, bf1, Wf2, bf2, out):
    a = x[...] + p[0:N] + p[N_PAD:N_PAD + N]
    h = jnp.maximum(jnp.dot(a, W3a[...], preferred_element_type=jnp.float32) + b3a[...], 0.0)
    h = jnp.dot(h, W3b[...], preferred_element_type=jnp.float32) + b3b[...]
    h = jnp.maximum(h, 0.0)
    h = _bn(h, g3[...], be3[...])
    h = jnp.maximum(jnp.dot(h, Wf1[...], preferred_element_type=jnp.float32) + bf1[...], 0.0)
    h = jnp.dot(h, Wf2[...], preferred_element_type=jnp.float32) + bf2[...]
    out[...] = jnp.tanh(h)


def _tc_call(body, n_out):
    return pl.pallas_call(
        body,
        out_shape=jax.ShapeDtypeStruct((N, n_out), jnp.float32),
    )


def _r(v):
    return v.reshape(1, -1)


def kernel(x, edge_index, batch,
           W1a, b1a, W1b, b1b, W1c, b1c, g1, be1,
           W2a, b2a, W2b, b2b, W2c, b2c, g2, be2,
           W3a, b3a, W3b, b3b, g3, be3,
           Wf1, bf1, Wf2, bf2):
    src = edge_index[0]
    dst = edge_index[1]
    padn = E_PAD - E
    pad_iota = lax.iota(jnp.int32, padn)
    srcp = jnp.concatenate([src, pad_iota % N])
    dstp = jnp.concatenate([dst, N + pad_iota % (N_PAD - N)])

    def shaped(a, d):
        k = _chunk_edges(d)
        return a.reshape(NW, EPW // k, k)

    p1 = _make_segsum(128)(x, shaped(srcp, 128), shaped(dstp, 128))
    h1 = _tc_call(_mlp1_body, 128)(
        x, p1, W1a, _r(b1a), W1b, _r(b1b), W1c, _r(b1c), _r(g1), _r(be1))
    p2 = _make_segsum(128)(h1, shaped(srcp, 128), shaped(dstp, 128))
    h2 = _tc_call(_mlp2_body, 32)(
        h1, p2, W2a, _r(b2a), W2b, _r(b2b), W2c, _r(b2c), _r(g2), _r(be2))
    p3 = _make_segsum(32)(h2, shaped(srcp, 32), shaped(dstp, 32))
    out = _tc_call(_mlp3_body, 10)(
        h2, p3, W3a, _r(b3a), W3b, _r(b3b), _r(g3), _r(be3),
        Wf1, _r(bf1), Wf2, _r(bf2))
    return out

# --- scband reference (transcript-rebuilt; emitter-appended) ---
"""Pipeline reference for scband-nngin-conv-16149077033571 (READ-ONLY COPY).

The authoritative reference and input builder live on the scoring server;
editing this copy changes nothing except your own understanding.
"""

import jax, jax.numpy as jnp
import numpy as np

N = 10000
E = 320000
D = 128
CLASSES = 10

def _lin_init(k, fin, fout):
    s = 1.0 / np.sqrt(fin)
    kw, kb = jax.random.split(k)
    W = jax.random.uniform(kw, (fin, fout), jnp.float32, -s, s)
    b = jax.random.uniform(kb, (fout,), jnp.float32, -s, s)
    return W, b

def _gin_agg(x, src, dst):
    # GINConv with eps=0: (1+eps)*x + sum_{j in N(i)} x_j
    msg = jnp.take(x, src, axis=0)
    agg = jax.ops.segment_sum(msg, dst, num_segments=N)
    return x + agg

def _bn(x, g, b):
    m = jnp.mean(x, axis=0)
    v = jnp.var(x, axis=0)
    return (x - m) / jnp.sqrt(v + 1e-5) * g + b

def setup_inputs(seed: int = 0) -> dict:
    key = jax.random.key(seed)
    ks = jax.random.split(key, 16)
    inp = {}
    inp["x"] = jax.random.normal(ks[0], (N, D), dtype=jnp.float32)
    inp["edge_index"] = jax.random.randint(ks[1], (2, E), 0, N, dtype=jnp.int32)
    inp["batch"] = jnp.zeros((N,), dtype=jnp.int32)
    inp["W1a"], inp["b1a"] = _lin_init(ks[2], D, 32)
    inp["W1b"], inp["b1b"] = _lin_init(ks[3], 32, 64)
    inp["W1c"], inp["b1c"] = _lin_init(ks[4], 64, 128)
    inp["g1"] = jnp.ones((128,), jnp.float32); inp["be1"] = jnp.zeros((128,), jnp.float32)
    inp["W2a"], inp["b2a"] = _lin_init(ks[5], 128, 128)
    inp["W2b"], inp["b2b"] = _lin_init(ks[6], 128, 64)
    inp["W2c"], inp["b2c"] = _lin_init(ks[7], 64, 32)
    inp["g2"] = jnp.ones((32,), jnp.float32); inp["be2"] = jnp.zeros((32,), jnp.float32)
    inp["W3a"], inp["b3a"] = _lin_init(ks[8], 32, 32)
    inp["W3b"], inp["b3b"] = _lin_init(ks[9], 32, 16)
    inp["g3"] = jnp.ones((16,), jnp.float32); inp["be3"] = jnp.zeros((16,), jnp.float32)
    inp["Wf1"], inp["bf1"] = _lin_init(ks[10], 16, 16)
    inp["Wf2"], inp["bf2"] = _lin_init(ks[11], 16, CLASSES)
    return inp

def reference(x, edge_index, batch,
              W1a, b1a, W1b, b1b, W1c, b1c, g1, be1,
              W2a, b2a, W2b, b2b, W2c, b2c, g2, be2,
              W3a, b3a, W3b, b3b, g3, be3,
              Wf1, bf1, Wf2, bf2):
    src = edge_index[0]
    dst = edge_index[1]
    # conv1 + bn1
    h = _gin_agg(x, src, dst)
    h = jax.nn.relu(h @ W1a + b1a)
    h = jax.nn.relu(h @ W1b + b1b)
    h = h @ W1c + b1c
    h = jax.nn.relu(h)
    h = _bn(h, g1, be1)
    # conv2 + bn2
    h = _gin_agg(h, src, dst)
    h = jax.nn.relu(h @ W2a + b2a)
    h = jax.nn.relu(h @ W2b + b2b)
    h = h @ W2c + b2c
    h = jax.nn.relu(h)
    h = _bn(h, g2, be2)
    # conv3 + bn3
    h = _gin_agg(h, src, dst)
    h = jax.nn.relu(h @ W3a + b3a)
    h = h @ W3b + b3b
    h = jax.nn.relu(h)
    h = _bn(h, g3, be3)
    # heads (dropout skipped: eval mode)
    h = jax.nn.relu(h @ Wf1 + bf1)
    h = h @ Wf2 + bf2
    return jnp.tanh(h)

if __name__ == "__main__":
    import jax
    _d = setup_inputs()
    print(jax.jit(kernel)(*tuple(_d.values())))

</pallas_src>

<mosaic_0001>
#map = affine_map<(d0, d1) -> (0, 0)>
#map1 = affine_map<(d0, d1) -> (0, 0, 0)>
module attributes {stable_mosaic.version = 14 : i64} {
  func.func @segsum(%arg0: i32, %arg1: i32, %arg2: memref<10000x128xf32, #tpu.memory_space<hbm>>, %arg3: memref<32x132x80xi32, #tpu.memory_space<hbm>>, %arg4: memref<32x132x80xi32, #tpu.memory_space<hbm>>, %arg5: memref<20480x128xf32, #tpu.memory_space<hbm>>, %arg6: memref<66x80xi32, #tpu.memory_space<vmem>>, %arg7: memref<66x80xi32, #tpu.memory_space<vmem>>, %arg8: memref<80x128xf32, #tpu.memory_space<vmem>>, %arg9: memref<80x128xf32, #tpu.memory_space<vmem>>, %arg10: memref<80x128xf32, #tpu.memory_space<vmem>>, %arg11: memref<16x128xf32, #tpu.memory_space<vmem>>, %arg12: memref<10240x128xf32, #tpu.memory_space<vmem_shared>>, %arg13: memref<!tpu.dma_semaphore, #tpu.memory_space<semaphore_mem>>, %arg14: memref<!tpu.dma_semaphore, #tpu.memory_space<semaphore_mem>>, %arg15: memref<!tpu.dma_semaphore, #tpu.memory_space<semaphore_mem>>, %arg16: memref<!tpu.dma_semaphore, #tpu.memory_space<semaphore_mem>>) attributes {dimension_semantics = [#tpu.dimension_semantics<core_parallel>, #tpu.dimension_semantics<subcore_parallel>], iteration_bounds = array<i64: 2, 16>, scalar_prefetch = 0 : i64, scratch_operands = 11 : i64, tpu.core_type = #tpu.core_type<sc_vector_subcore>, window_params = [{transform_indices = #map}, {transform_indices = #map1}, {transform_indices = #map1}, {transform_indices = #map}]} {
    %mul3A = arith.constant 16 : i32
    %mul3A_0 = arith.muli %arg0, %mul3A : i32
    %add3A = arith.addi %mul3A_0, %arg1 : i32
    %dma_start3A = arith.constant 0 : i32
    %dma_start3A_1 = arith.constant 0 : i32
    %dma_start3A_2 = tpu.memref_slice %arg3[%add3A, %dma_start3A, %dma_start3A_1] : memref<32x132x80xi32, #tpu.memory_space<hbm>> -> memref<1x66x80xi32, #tpu.memory_space<hbm>>
    %dma_start3A_3 = tpu.memref_squeeze %dma_start3A_2 : memref<1x66x80xi32, #tpu.memory_space<hbm>> -> memref<66x80xi32, #tpu.memory_space<hbm>>
    %dma_start3A_4 = arith.constant 0 : i32
    %dma_start3A_5 = arith.constant 0 : i32
    %dma_start3A_6 = tpu.memref_slice %arg3[%add3A, %dma_start3A_4, %dma_start3A_5] : memref<32x132x80xi32, #tpu.memory_space<hbm>> -> memref<1x66x80xi32, #tpu.memory_space<hbm>>
    %dma_start3A_7 = tpu.memref_squeeze %dma_start3A_6 : memref<1x66x80xi32, #tpu.memory_space<hbm>> -> memref<66x80xi32, #tpu.memory_space<hbm>>
    tpu.enqueue_dma source(%dma_start3A_7 : memref<66x80xi32, #tpu.memory_space<hbm>>) target(%arg6 : memref<66x80xi32, #tpu.memory_space<vmem>>) target_semaphore(%arg16 : memref<!tpu.dma_semaphore, #tpu.memory_space<semaphore_mem>>)
    %dma_start3A_8 = arith.constant 0 : i32
    %dma_start3A_9 = arith.constant 0 : i32
    %dma_start3A_10 = tpu.memref_slice %arg4[%add3A, %dma_start3A_8, %dma_start3A_9] : memref<32x132x80xi32, #tpu.memory_space<hbm>> -> memref<1x66x80xi32, #tpu.memory_space<hbm>>
    %dma_start3A_11 = tpu.memref_squeeze %dma_start3A_10 : memref<1x66x80xi32, #tpu.memory_space<hbm>> -> memref<66x80xi32, #tpu.memory_space<hbm>>
    %dma_start3A_12 = arith.constant 0 : i32
    %dma_start3A_13 = arith.constant 0 : i32
    %dma_start3A_14 = tpu.memref_slice %arg4[%add3A, %dma_start3A_12, %dma_start3A_13] : memref<32x132x80xi32, #tpu.memory_space<hbm>> -> memref<1x66x80xi32, #tpu.memory_space<hbm>>
    %dma_start3A_15 = tpu.memref_squeeze %dma_start3A_14 : memref<1x66x80xi32, #tpu.memory_space<hbm>> -> memref<66x80xi32, #tpu.memory_space<hbm>>
    tpu.enqueue_dma source(%dma_start3A_15 : memref<66x80xi32, #tpu.memory_space<hbm>>) target(%arg7 : memref<66x80xi32, #tpu.memory_space<vmem>>) target_semaphore(%arg16 : memref<!tpu.dma_semaphore, #tpu.memory_space<semaphore_mem>>)
    %scan3A = arith.constant 0 : i32
    %scan3A_16 = arith.constant 0 : i32
    %scan3A_17 = arith.constant 16 : i32
    %scan3A_18 = arith.addi %scan3A_16, %scan3A_17 : i32
    %scan3A_19 = arith.constant 1 : i32
    scf.for %scan3A_120 = %scan3A_16 to %scan3A_18 step %scan3A_19  : i32 {
      %scan3A_121 = arith.constant 0 : i32
      %scan3A_122 = arith.constant 8 : i32
      %scan3A_123 = arith.addi %scan3A_121, %scan3A_122 : i32
      %scan3A_124 = arith.constant 1 : i32
      scf.for %scan3A_126 = %scan3A_121 to %scan3A_123 step %scan3A_124  : i32 {
        %broadcast_in_dim3A = arith.constant 0.000000e+00 : f32
        %broadcast_in_dim3A_127 = vector.broadcast %broadcast_in_dim3A : f32 to vector<16xf32>
        %mul3A_128 = arith.constant 16 : i32
        %mul3A_129 = arith.muli %scan3A_126, %mul3A_128 : i32
        %swap3A = arith.index_cast %scan3A_120 : i32 to index
        %swap3A_130 = arith.index_cast %mul3A_129 : i32 to index
        %swap3A_131 = tpu.vector_load %arg11[%swap3A, %swap3A_130] {strides = array<i32>} : memref<16x128xf32, #tpu.memory_space<vmem>>, vector<1x16xf32>,
        %swap3A_132 = vector.shape_cast %swap3A_131 : vector<1x16xf32> to vector<16xf32>
        %swap3A_133 = vector.shape_cast %broadcast_in_dim3A_127 : vector<16xf32> to vector<1x16xf32>
        tpu.vector_store %arg11[%swap3A, %swap3A_130], %swap3A_133 {strides = array<i32>} : memref<16x128xf32, #tpu.memory_space<vmem>>, vector<1x16xf32>,
      }
      %scan3A_125 = arith.constant 8 : i32
    }
    %scan3A_20 = arith.constant 16 : i32
    %mul3A_21 = arith.constant 640 : i32
    %mul3A_22 = arith.muli %arg1, %mul3A_21 : i32
    %scan3A_23 = arith.constant 0 : i32
    %scan3A_24 = arith.constant 0 : i32
    %scan3A_25 = arith.constant 40 : i32
    %scan3A_26 = arith.addi %scan3A_24, %scan3A_25 : i32
    %scan3A_27 = arith.constant 1 : i32
    scf.for %scan3A_120 = %scan3A_24 to %scan3A_26 step %scan3A_27  : i32 {
      %mul3A_121 = arith.constant 16 : i32
      %mul3A_122 = arith.muli %scan3A_120, %mul3A_121 : i32
      %add3A_123 = arith.addi %mul3A_22, %mul3A_122 : i32
      "tpu.region"() ({
        %run_scoped3A = tpu.sem_alloc : memref<!tpu.dma_semaphore, #tpu.memory_space<semaphore_mem>>
        %dma_start3A_124 = arith.constant 0 : i32
        %dma_start3A_125 = tpu.memref_slice %arg12[%add3A_123, %dma_start3A_124] : memref<10240x128xf32, #tpu.memory_space<vmem_shared>> -> memref<16x128xf32, #tpu.memory_space<vmem_shared>>
        %dma_start3A_126 = arith.constant 0 : i32
        %dma_start3A_127 = tpu.memref_slice %arg12[%add3A_123, %dma_start3A_126] : memref<10240x128xf32, #tpu.memory_space<vmem_shared>> -> memref<16x128xf32, #tpu.memory_space<vmem_shared>>
        tpu.enqueue_dma source(%arg11 : memref<16x128xf32, #tpu.memory_space<vmem>>) target(%dma_start3A_127 : memref<16x128xf32, #tpu.memory_space<vmem_shared>>) target_semaphore(%run_scoped3A : memref<!tpu.dma_semaphore, #tpu.memory_space<semaphore_mem>>)
        %dma_wait3A_128 = arith.constant 0 : i32
        %dma_wait3A_129 = tpu.memref_slice %arg12[%add3A_123, %dma_wait3A_128] : memref<10240x128xf32, #tpu.memory_space<vmem_shared>> -> memref<16x128xf32, #tpu.memory_space<vmem_shared>>
        %dma_wait3A_130 = arith.constant 0 : i32
        %dma_wait3A_131 = tpu.memref_slice %arg12[%add3A_123, %dma_wait3A_130] : memref<10240x128xf32, #tpu.memory_space<vmem_shared>> -> memref<16x128xf32, #tpu.memory_space<vmem_shared>>
        tpu.wait_dma2 semaphore(%run_scoped3A : memref<!tpu.dma_semaphore, #tpu.memory_space<semaphore_mem>>) src(%arg11 : memref<16x128xf32, #tpu.memory_space<vmem>>) dst(%dma_wait3A_131 : memref<16x128xf32, #tpu.memory_space<vmem_shared>>)
        tpu.yield
      }) : () -> ()
    }
    %scan3A_28 = arith.constant 40 : i32
    %dma_wait3A = arith.constant 0 : i32
    %dma_wait3A_29 = arith.constant 0 : i32
    %dma_wait3A_30 = tpu.memref_slice %arg3[%add3A, %dma_wait3A, %dma_wait3A_29] : memref<32x132x80xi32, #tpu.memory_space<hbm>> -> memref<1x66x80xi32, #tpu.memory_space<hbm>>
    %dma_wait3A_31 = tpu.memref_squeeze %dma_wait3A_30 : memref<1x66x80xi32, #tpu.memory_space<hbm>> -> memref<66x80xi32, #tpu.memory_space<hbm>>
    %dma_wait3A_32 = arith.constant 0 : i32
    %dma_wait3A_33 = arith.constant 0 : i32
    %dma_wait3A_34 = tpu.memref_slice %arg3[%add3A, %dma_wait3A_32, %dma_wait3A_33] : memref<32x132x80xi32, #tpu.memory_space<hbm>> -> memref<1x66x80xi32, #tpu.memory_space<hbm>>
    %dma_wait3A_35 = tpu.memref_squeeze %dma_wait3A_34 : memref<1x66x80xi32, #tpu.memory_space<hbm>> -> memref<66x80xi32, #tpu.memory_space<hbm>>
    tpu.wait_dma2 semaphore(%arg16 : memref<!tpu.dma_semaphore, #tpu.memory_space<semaphore_mem>>) src(%dma_wait3A_35 : memref<66x80xi32, #tpu.memory_space<hbm>>) dst(%arg6 : memref<66x80xi32, #tpu.memory_space<vmem>>)
    %dma_wait3A_36 = arith.constant 0 : i32
    %dma_wait3A_37 = arith.constant 0 : i32
    %dma_wait3A_38 = tpu.memref_slice %arg4[%add3A, %dma_wait3A_36, %dma_wait3A_37] : memref<32x132x80xi32, #tpu.memory_space<hbm>> -> memref<1x66x80xi32, #tpu.memory_space<hbm>>
    %dma_wait3A_39 = tpu.memref_squeeze %dma_wait3A_38 : memref<1x66x80xi32, #tpu.memory_space<hbm>> -> memref<66x80xi32, #tpu.memory_space<hbm>>
    %dma_wait3A_40 = arith.constant 0 : i32
    %dma_wait3A_41 = arith.constant 0 : i32
    %dma_wait3A_42 = tpu.memref_slice %arg4[%add3A, %dma_wait3A_40, %dma_wait3A_41] : memref<32x132x80xi32, #tpu.memory_space<hbm>> -> memref<1x66x80xi32, #tpu.memory_space<hbm>>
    %dma_wait3A_43 = tpu.memref_squeeze %dma_wait3A_42 : memref<1x66x80xi32, #tpu.memory_space<hbm>> -> memref<66x80xi32, #tpu.memory_space<hbm>>
    tpu.wait_dma2 semaphore(%arg16 : memref<!tpu.dma_semaphore, #tpu.memory_space<semaphore_mem>>) src(%dma_wait3A_43 : memref<66x80xi32, #tpu.memory_space<hbm>>) dst(%arg7 : memref<66x80xi32, #tpu.memory_space<vmem>>)
    %barrier3A = arith.constant 0 : index
    tpu.barrier barrier_id(%barrier3A)
    %dma_start3A_44 = arith.constant 0 : i32
    %dma_start3A_45 = arith.constant 0 : i32
    %dma_start3A_46 = tpu.memref_slice %arg6[%dma_start3A_44, %dma_start3A_45] : memref<66x80xi32, #tpu.memory_space<vmem>> -> memref<1x80xi32, #tpu.memory_space<vmem>>
    %dma_start3A_47 = tpu.memref_squeeze %dma_start3A_46 : memref<1x80xi32, #tpu.memory_space<vmem>> -> memref<80xi32, #tpu.memory_space<vmem>>
    %dma_start3A_48 = arith.constant 0 : i32
    %dma_start3A_49 = arith.constant 0 : i32
    %dma_start3A_50 = tpu.memref_slice %arg2[%dma_start3A_48, %dma_start3A_49] : memref<10000x128xf32, #tpu.memory_space<hbm>> -> memref<10000x128xf32, #tpu.memory_space<hbm>>
    tpu.enqueue_indirect_dma source(%dma_start3A_50 : memref<10000x128xf32, #tpu.memory_space<hbm>>) target(%arg8 : memref<80x128xf32, #tpu.memory_space<vmem>>) offsets(%dma_start3A_47 : memref<80xi32, #tpu.memory_space<vmem>>) semaphore(%arg13 : memref<!tpu.dma_semaphore, #tpu.memory_space<semaphore_mem>>)
    %dma_start3A_51 = arith.constant 1 : i32
    %dma_start3A_52 = arith.constant 0 : i32
    %dma_start3A_53 = tpu.memref_slice %arg6[%dma_start3A_51, %dma_start3A_52] : memref<66x80xi32, #tpu.memory_space<vmem>> -> memref<1x80xi32, #tpu.memory_space<vmem>>
    %dma_start3A_54 = tpu.memref_squeeze %dma_start3A_53 : memref<1x80xi32, #tpu.memory_space<vmem>> -> memref<80xi32, #tpu.memory_space<vmem>>
    %dma_start3A_55 = arith.constant 0 : i32
    %dma_start3A_56 = arith.constant 0 : i32
    %dma_start3A_57 = tpu.memref_slice %arg2[%dma_start3A_55, %dma_start3A_56] : memref<10000x128xf32, #tpu.memory_space<hbm>> -> memref<10000x128xf32, #tpu.memory_space<hbm>>
    tpu.enqueue_indirect_dma source(%dma_start3A_57 : memref<10000x128xf32, #tpu.memory_space<hbm>>) target(%arg9 : memref<80x128xf32, #tpu.memory_space<vmem>>) offsets(%dma_start3A_54 : memref<80xi32, #tpu.memory_space<vmem>>) semaphore(%arg14 : memref<!tpu.dma_semaphore, #tpu.memory_space<semaphore_mem>>)
    %scan3A_58 = arith.constant 0 : i32
    %scan3A_59 = arith.constant 0 : i32
    %scan3A_60 = arith.constant 22 : i32
    %scan3A_61 = arith.addi %scan3A_59, %scan3A_60 : i32
    %scan3A_62 = arith.constant 1 : i32
    scf.for %scan3A_120 = %scan3A_59 to %scan3A_61 step %scan3A_62  : i32 {
      %mul3A_121 = arith.constant 3 : i32
      %mul3A_122 = arith.muli %mul3A_121, %scan3A_120 : i32
      %add3A_123 = arith.constant 0 : i32
      %add3A_124 = arith.addi %mul3A_122, %add3A_123 : i32
      %dma_wait3A_125 = arith.constant 0 : i32
      %dma_wait3A_126 = tpu.memref_slice %arg6[%add3A_124, %dma_wait3A_125] : memref<66x80xi32, #tpu.memory_space<vmem>> -> memref<1x80xi32, #tpu.memory_space<vmem>>
      %dma_wait3A_127 = tpu.memref_squeeze %dma_wait3A_126 : memref<1x80xi32, #tpu.memory_space<vmem>> -> memref<80xi32, #tpu.memory_space<vmem>>
      %dma_wait3A_128 = arith.constant 0 : i32
      %dma_wait3A_129 = arith.constant 0 : i32
      %dma_wait3A_130 = tpu.memref_slice %arg2[%dma_wait3A_128, %dma_wait3A_129] : memref<10000x128xf32, #tpu.memory_space<hbm>> -> memref<10000x128xf32, #tpu.memory_space<hbm>>
      tpu.wait_indirect_dma semaphore(%arg13 : memref<!tpu.dma_semaphore, #tpu.memory_space<semaphore_mem>>) src(%dma_wait3A_130 : memref<10000x128xf32, #tpu.memory_space<hbm>>) dst(%arg8 : memref<80x128xf32, #tpu.memory_space<vmem>>)
      %add3A_131 = arith.constant 2 : i32
      %add3A_132 = arith.addi %add3A_124, %add3A_131 : i32
      %lt3A = arith.constant 66 : i32
      %lt3A_133 = arith.cmpi slt, %add3A_132, %lt3A : i32
      %convert_element_type3A = arith.extui %lt3A_133 : i1 to i32
      %cond3A = arith.constant 0 : i32
      %cond3A_134 = arith.cmpi ne, %convert_element_type3A, %cond3A : i32
      scf.if %cond3A_134 {
        %add3A_165 = arith.constant 2 : i32
        %add3A_166 = arith.addi %add3A_124, %add3A_165 : i32
        %dma_start3A_167 = arith.constant 0 : i32
        %dma_start3A_168 = tpu.memref_slice %arg6[%add3A_166, %dma_start3A_167] : memref<66x80xi32, #tpu.memory_space<vmem>> -> memref<1x80xi32, #tpu.memory_space<vmem>>
        %dma_start3A_169 = tpu.memref_squeeze %dma_start3A_168 : memref<1x80xi32, #tpu.memory_space<vmem>> -> memref<80xi32, #tpu.memory_space<vmem>>
        %dma_start3A_170 = arith.constant 0 : i32
        %dma_start3A_171 = arith.constant 0 : i32
        %dma_start3A_172 = tpu.memref_slice %arg2[%dma_start3A_170, %dma_start3A_171] : memref<10000x128xf32, #tpu.memory_space<hbm>> -> memref<10000x128xf32, #tpu.memory_space<hbm>>
        tpu.enqueue_indirect_dma source(%dma_start3A_172 : memref<10000x128xf32, #tpu.memory_space<hbm>>) target(%arg10 : memref<80x128xf32, #tpu.memory_space<vmem>>) offsets(%dma_start3A_169 : memref<80xi32, #tpu.memory_space<vmem>>) semaphore(%arg15 : memref<!tpu.dma_semaphore, #tpu.memory_space<semaphore_mem>>)
      } else {
      }
      "tpu.region"() ({
        %run_scoped3A = tpu.sem_alloc : memref<!tpu.dma_semaphore, #tpu.memory_space<semaphore_mem>>
        %dma_start3A_165 = arith.constant 0 : i32
        %dma_start3A_166 = tpu.memref_slice %arg7[%add3A_124, %dma_start3A_165] : memref<66x80xi32, #tpu.memory_space<vmem>> -> memref<1x80xi32, #tpu.memory_space<vmem>>
        %dma_start3A_167 = tpu.memref_squeeze %dma_start3A_166 : memref<1x80xi32, #tpu.memory_space<vmem>> -> memref<80xi32, #tpu.memory_space<vmem>>
        %dma_start3A_168 = arith.constant 0 : i32
        %dma_start3A_169 = arith.constant 0 : i32
        %dma_start3A_170 = tpu.memref_slice %arg12[%dma_start3A_168, %dma_start3A_169] : memref<10240x128xf32, #tpu.memory_space<vmem_shared>> -> memref<10240x128xf32, #tpu.memory_space<vmem_shared>>
        tpu.enqueue_indirect_dma source(%arg8 : memref<80x128xf32, #tpu.memory_space<vmem>>) target(%dma_start3A_170 : memref<10240x128xf32, #tpu.memory_space<vmem_shared>>) offsets(%dma_start3A_167 : memref<80xi32, #tpu.memory_space<vmem>>) semaphore(%run_scoped3A : memref<!tpu.dma_semaphore, #tpu.memory_space<semaphore_mem>>) {add = true}
        %dma_wait3A_171 = arith.constant 0 : i32
        %dma_wait3A_172 = tpu.memref_slice %arg7[%add3A_124, %dma_wait3A_171] : memref<66x80xi32, #tpu.memory_space<vmem>> -> memref<1x80xi32, #tpu.memory_space<vmem>>
        %dma_wait3A_173 = tpu.memref_squeeze %dma_wait3A_172 : memref<1x80xi32, #tpu.memory_space<vmem>> -> memref<80xi32, #tpu.memory_space<vmem>>
        %dma_wait3A_174 = arith.constant 0 : i32
        %dma_wait3A_175 = arith.constant 0 : i32
        %dma_wait3A_176 = tpu.memref_slice %arg12[%dma_wait3A_174, %dma_wait3A_175] : memref<10240x128xf32, #tpu.memory_space<vmem_shared>> -> memref<10240x128xf32, #tpu.memory_space<vmem_shared>>
        tpu.wait_indirect_dma semaphore(%run_scoped3A : memref<!tpu.dma_semaphore, #tpu.memory_space<semaphore_mem>>) src(%arg8 : memref<80x128xf32, #tpu.memory_space<vmem>>) dst(%dma_wait3A_176 : memref<10240x128xf32, #tpu.memory_space<vmem_shared>>)
        tpu.yield
      }) : () -> ()
      %add3A_135 = arith.constant 1 : i32
      %add3A_136 = arith.addi %mul3A_122, %add3A_135 : i32
      %dma_wait3A_137 = arith.constant 0 : i32
      %dma_wait3A_138 = tpu.memref_slice %arg6[%add3A_136, %dma_wait3A_137] : memref<66x80xi32, #tpu.memory_space<vmem>> -> memref<1x80xi32, #tpu.memory_space<vmem>>
      %dma_wait3A_139 = tpu.memref_squeeze %dma_wait3A_138 : memref<1x80xi32, #tpu.memory_space<vmem>> -> memref<80xi32, #tpu.memory_space<vmem>>
      %dma_wait3A_140 = arith.constant 0 : i32
      %dma_wait3A_141 = arith.constant 0 : i32
      %dma_wait3A_142 = tpu.memref_slice %arg2[%dma_wait3A_140, %dma_wait3A_141] : memref<10000x128xf32, #tpu.memory_space<hbm>> -> memref<10000x128xf32, #tpu.memory_space<hbm>>
      tpu.wait_indirect_dma semaphore(%arg14 : memref<!tpu.dma_semaphore, #tpu.memory_space<semaphore_mem>>) src(%dma_wait3A_142 : memref<10000x128xf32, #tpu.memory_space<hbm>>) dst(%arg9 : memref<80x128xf32, #tpu.memory_space<vmem>>)
      %add3A_143 = arith.constant 2 : i32
      %add3A_144 = arith.addi %add3A_136, %add3A_143 : i32
      %lt3A_145 = arith.constant 66 : i32
      %lt3A_146 = arith.cmpi slt, %add3A_144, %lt3A_145 : i32
      %convert_element_type3A_147 = arith.extui %lt3A_146 : i1 to i32
      %cond3A_148 = arith.constant 0 : i32
      %cond3A_149 = arith.cmpi ne, %convert_element_type3A_147, %cond3A_148 : i32
      scf.if %cond3A_149 {
        %add3A_165 = arith.constant 2 : i32
        %add3A_166 = arith.addi %add3A_136, %add3A_165 : i32
        %dma_start3A_167 = arith.constant 0 : i32
        %dma_start3A_168 = tpu.memref_slice %arg6[%add3A_166, %dma_start3A_167] : memref<66x80xi32, #tpu.memory_space<vmem>> -> memref<1x80xi32, #tpu.memory_space<vmem>>
        %dma_start3A_169 = tpu.memref_squeeze %dma_start3A_168 : memref<1x80xi32, #tpu.memory_space<vmem>> -> memref<80xi32, #tpu.memory_space<vmem>>
        %dma_start3A_170 = arith.constant 0 : i32
        %dma_start3A_171 = arith.constant 0 : i32
        %dma_start3A_172 = tpu.memref_slice %arg2[%dma_start3A_170, %dma_start3A_171] : memref<10000x128xf32, #tpu.memory_space<hbm>> -> memref<10000x128xf32, #tpu.memory_space<hbm>>
        tpu.enqueue_indirect_dma source(%dma_start3A_172 : memref<10000x128xf32, #tpu.memory_space<hbm>>) target(%arg8 : memref<80x128xf32, #tpu.memory_space<vmem>>) offsets(%dma_start3A_169 : memref<80xi32, #tpu.memory_space<vmem>>) semaphore(%arg13 : memref<!tpu.dma_semaphore, #tpu.memory_space<semaphore_mem>>)
      } else {
      }
      "tpu.region"() ({
        %run_scoped3A = tpu.sem_alloc : memref<!tpu.dma_semaphore, #tpu.memory_space<semaphore_mem>>
        %dma_start3A_165 = arith.constant 0 : i32
        %dma_start3A_166 = tpu.memref_slice %arg7[%add3A_136, %dma_start3A_165] : memref<66x80xi32, #tpu.memory_space<vmem>> -> memref<1x80xi32, #tpu.memory_space<vmem>>
        %dma_start3A_167 = tpu.memref_squeeze %dma_start3A_166 : memref<1x80xi32, #tpu.memory_space<vmem>> -> memref<80xi32, #tpu.memory_space<vmem>>
        %dma_start3A_168 = arith.constant 0 : i32
        %dma_start3A_169 = arith.constant 0 : i32
        %dma_start3A_170 = tpu.memref_slice %arg12[%dma_start3A_168, %dma_start3A_169] : memref<10240x128xf32, #tpu.memory_space<vmem_shared>> -> memref<10240x128xf32, #tpu.memory_space<vmem_shared>>
        tpu.enqueue_indirect_dma source(%arg9 : memref<80x128xf32, #tpu.memory_space<vmem>>) target(%dma_start3A_170 : memref<10240x128xf32, #tpu.memory_space<vmem_shared>>) offsets(%dma_start3A_167 : memref<80xi32, #tpu.memory_space<vmem>>) semaphore(%run_scoped3A : memref<!tpu.dma_semaphore, #tpu.memory_space<semaphore_mem>>) {add = true}
        %dma_wait3A_171 = arith.constant 0 : i32
        %dma_wait3A_172 = tpu.memref_slice %arg7[%add3A_136, %dma_wait3A_171] : memref<66x80xi32, #tpu.memory_space<vmem>> -> memref<1x80xi32, #tpu.memory_space<vmem>>
        %dma_wait3A_173 = tpu.memref_squeeze %dma_wait3A_172 : memref<1x80xi32, #tpu.memory_space<vmem>> -> memref<80xi32, #tpu.memory_space<vmem>>
        %dma_wait3A_174 = arith.constant 0 : i32
        %dma_wait3A_175 = arith.constant 0 : i32
        %dma_wait3A_176 = tpu.memref_slice %arg12[%dma_wait3A_174, %dma_wait3A_175] : memref<10240x128xf32, #tpu.memory_space<vmem_shared>> -> memref<10240x128xf32, #tpu.memory_space<vmem_shared>>
        tpu.wait_indirect_dma semaphore(%run_scoped3A : memref<!tpu.dma_semaphore, #tpu.memory_space<semaphore_mem>>) src(%arg9 : memref<80x128xf32, #tpu.memory_space<vmem>>) dst(%dma_wait3A_176 : memref<10240x128xf32, #tpu.memory_space<vmem_shared>>)
        tpu.yield
      }) : () -> ()
      %add3A_150 = arith.constant 2 : i32
      %add3A_151 = arith.addi %mul3A_122, %add3A_150 : i32
      %dma_wait3A_152 = arith.constant 0 : i32
      %dma_wait3A_153 = tpu.memref_slice %arg6[%add3A_151, %dma_wait3A_152] : memref<66x80xi32, #tpu.memory_space<vmem>> -> memref<1x80xi32, #tpu.memory_space<vmem>>
      %dma_wait3A_154 = tpu.memref_squeeze %dma_wait3A_153 : memref<1x80xi32, #tpu.memory_space<vmem>> -> memref<80xi32, #tpu.memory_space<vmem>>
      %dma_wait3A_155 = arith.constant 0 : i32
      %dma_wait3A_156 = arith.constant 0 : i32
      %dma_wait3A_157 = tpu.memref_slice %arg2[%dma_wait3A_155, %dma_wait3A_156] : memref<10000x128xf32, #tpu.memory_space<hbm>> -> memref<10000x128xf32, #tpu.memory_space<hbm>>
      tpu.wait_indirect_dma semaphore(%arg15 : memref<!tpu.dma_semaphore, #tpu.memory_space<semaphore_mem>>) src(%dma_wait3A_157 : memref<10000x128xf32, #tpu.memory_space<hbm>>) dst(%arg10 : memref<80x128xf32, #tpu.memory_space<vmem>>)
      %add3A_158 = arith.constant 2 : i32
      %add3A_159 = arith.addi %add3A_151, %add3A_158 : i32
      %lt3A_160 = arith.constant 66 : i32
      %lt3A_161 = arith.cmpi slt, %add3A_159, %lt3A_160 : i32
      %convert_element_type3A_162 = arith.extui %lt3A_161 : i1 to i32
      %cond3A_163 = arith.constant 0 : i32
      %cond3A_164 = arith.cmpi ne, %convert_element_type3A_162, %cond3A_163 : i32
      scf.if %cond3A_164 {
        %add3A_165 = arith.constant 2 : i32
        %add3A_166 = arith.addi %add3A_151, %add3A_165 : i32
        %dma_start3A_167 = arith.constant 0 : i32
        %dma_start3A_168 = tpu.memref_slice %arg6[%add3A_166, %dma_start3A_167] : memref<66x80xi32, #tpu.memory_space<vmem>> -> memref<1x80xi32, #tpu.memory_space<vmem>>
        %dma_start3A_169 = tpu.memref_squeeze %dma_start3A_168 : memref<1x80xi32, #tpu.memory_space<vmem>> -> memref<80xi32, #tpu.memory_space<vmem>>
        %dma_start3A_170 = arith.constant 0 : i32
        %dma_start3A_171 = arith.constant 0 : i32
        %dma_start3A_172 = tpu.memref_slice %arg2[%dma_start3A_170, %dma_start3A_171] : memref<10000x128xf32, #tpu.memory_space<hbm>> -> memref<10000x128xf32, #tpu.memory_space<hbm>>
        tpu.enqueue_indirect_dma source(%dma_start3A_172 : memref<10000x128xf32, #tpu.memory_space<hbm>>) target(%arg9 : memref<80x128xf32, #tpu.memory_space<vmem>>) offsets(%dma_start3A_169 : memref<80xi32, #tpu.memory_space<vmem>>) semaphore(%arg14 : memref<!tpu.dma_semaphore, #tpu.memory_space<semaphore_mem>>)
      } else {
      }
      "tpu.region"() ({
        %run_scoped3A = tpu.sem_alloc : memref<!tpu.dma_semaphore, #tpu.memory_space<semaphore_mem>>
        %dma_start3A_165 = arith.constant 0 : i32
        %dma_start3A_166 = tpu.memref_slice %arg7[%add3A_151, %dma_start3A_165] : memref<66x80xi32, #tpu.memory_space<vmem>> -> memref<1x80xi32, #tpu.memory_space<vmem>>
        %dma_start3A_167 = tpu.memref_squeeze %dma_start3A_166 : memref<1x80xi32, #tpu.memory_space<vmem>> -> memref<80xi32, #tpu.memory_space<vmem>>
        %dma_start3A_168 = arith.constant 0 : i32
        %dma_start3A_169 = arith.constant 0 : i32
        %dma_start3A_170 = tpu.memref_slice %arg12[%dma_start3A_168, %dma_start3A_169] : memref<10240x128xf32, #tpu.memory_space<vmem_shared>> -> memref<10240x128xf32, #tpu.memory_space<vmem_shared>>
        tpu.enqueue_indirect_dma source(%arg10 : memref<80x128xf32, #tpu.memory_space<vmem>>) target(%dma_start3A_170 : memref<10240x128xf32, #tpu.memory_space<vmem_shared>>) offsets(%dma_start3A_167 : memref<80xi32, #tpu.memory_space<vmem>>) semaphore(%run_scoped3A : memref<!tpu.dma_semaphore, #tpu.memory_space<semaphore_mem>>) {add = true}
        %dma_wait3A_171 = arith.constant 0 : i32
        %dma_wait3A_172 = tpu.memref_slice %arg7[%add3A_151, %dma_wait3A_171] : memref<66x80xi32, #tpu.memory_space<vmem>> -> memref<1x80xi32, #tpu.memory_space<vmem>>
        %dma_wait3A_173 = tpu.memref_squeeze %dma_wait3A_172 : memref<1x80xi32, #tpu.memory_space<vmem>> -> memref<80xi32, #tpu.memory_space<vmem>>
        %dma_wait3A_174 = arith.constant 0 : i32
        %dma_wait3A_175 = arith.constant 0 : i32
        %dma_wait3A_176 = tpu.memref_slice %arg12[%dma_wait3A_174, %dma_wait3A_175] : memref<10240x128xf32, #tpu.memory_space<vmem_shared>> -> memref<10240x128xf32, #tpu.memory_space<vmem_shared>>
        tpu.wait_indirect_dma semaphore(%run_scoped3A : memref<!tpu.dma_semaphore, #tpu.memory_space<semaphore_mem>>) src(%arg10 : memref<80x128xf32, #tpu.memory_space<vmem>>) dst(%dma_wait3A_176 : memref<10240x128xf32, #tpu.memory_space<vmem_shared>>)
        tpu.yield
      }) : () -> ()
    }
    %scan3A_63 = arith.constant 22 : i32
    %dma_start3A_64 = arith.constant 66 : i32
    %dma_start3A_65 = arith.constant 0 : i32
    %dma_start3A_66 = tpu.memref_slice %arg3[%add3A, %dma_start3A_64, %dma_start3A_65] : memref<32x132x80xi32, #tpu.memory_space<hbm>> -> memref<1x66x80xi32, #tpu.memory_space<hbm>>
    %dma_start3A_67 = tpu.memref_squeeze %dma_start3A_66 : memref<1x66x80xi32, #tpu.memory_space<hbm>> -> memref<66x80xi32, #tpu.memory_space<hbm>>
    %dma_start3A_68 = arith.constant 66 : i32
    %dma_start3A_69 = arith.constant 0 : i32
    %dma_start3A_70 = tpu.memref_slice %arg3[%add3A, %dma_start3A_68, %dma_start3A_69] : memref<32x132x80xi32, #tpu.memory_space<hbm>> -> memref<1x66x80xi32, #tpu.memory_space<hbm>>
    %dma_start3A_71 = tpu.memref_squeeze %dma_start3A_70 : memref<1x66x80xi32, #tpu.memory_space<hbm>> -> memref<66x80xi32, #tpu.memory_space<hbm>>
    tpu.enqueue_dma source(%dma_start3A_71 : memref<66x80xi32, #tpu.memory_space<hbm>>) target(%arg6 : memref<66x80xi32, #tpu.memory_space<vmem>>) target_semaphore(%arg16 : memref<!tpu.dma_semaphore, #tpu.memory_space<semaphore_mem>>)
    %dma_start3A_72 = arith.constant 66 : i32
    %dma_start3A_73 = arith.constant 0 : i32
    %dma_start3A_74 = tpu.memref_slice %arg4[%add3A, %dma_start3A_72, %dma_start3A_73] : memref<32x132x80xi32, #tpu.memory_space<hbm>> -> memref<1x66x80xi32, #tpu.memory_space<hbm>>
    %dma_start3A_75 = tpu.memref_squeeze %dma_start3A_74 : memref<1x66x80xi32, #tpu.memory_space<hbm>> -> memref<66x80xi32, #tpu.memory_space<hbm>>
    %dma_start3A_76 = arith.constant 66 : i32
    %dma_start3A_77 = arith.constant 0 : i32
    %dma_start3A_78 = tpu.memref_slice %arg4[%add3A, %dma_start3A_76, %dma_start3A_77] : memref<32x132x80xi32, #tpu.memory_space<hbm>> -> memref<1x66x80xi32, #tpu.memory_space<hbm>>
    %dma_start3A_79 = tpu.memref_squeeze %dma_start3A_78 : memref<1x66x80xi32, #tpu.memory_space<hbm>> -> memref<66x80xi32, #tpu.memory_space<hbm>>
    tpu.enqueue_dma source(%dma_start3A_79 : memref<66x80xi32, #tpu.memory_space<hbm>>) target(%arg7 : memref<66x80xi32, #tpu.memory_space<vmem>>) target_semaphore(%arg16 : memref<!tpu.dma_semaphore, #tpu.memory_space<semaphore_mem>>)
    %dma_wait3A_80 = arith.constant 0 : i32
    %dma_wait3A_81 = arith.constant 0 : i32
    %dma_wait3A_82 = tpu.memref_slice %arg3[%add3A, %dma_wait3A_80, %dma_wait3A_81] : memref<32x132x80xi32, #tpu.memory_space<hbm>> -> memref<1x66x80xi32, #tpu.memory_space<hbm>>
    %dma_wait3A_83 = tpu.memref_squeeze %dma_wait3A_82 : memref<1x66x80xi32, #tpu.memory_space<hbm>> -> memref<66x80xi32, #tpu.memory_space<hbm>>
    %dma_wait3A_84 = arith.constant 0 : i32
    %dma_wait3A_85 = arith.constant 0 : i32
    %dma_wait3A_86 = tpu.memref_slice %arg3[%add3A, %dma_wait3A_84, %dma_wait3A_85] : memref<32x132x80xi32, #tpu.memory_space<hbm>> -> memref<1x66x80xi32, #tpu.memory_space<hbm>>
    %dma_wait3A_87 = tpu.memref_squeeze %dma_wait3A_86 : memref<1x66x80xi32, #tpu.memory_space<hbm>> -> memref<66x80xi32, #tpu.memory_space<hbm>>
    tpu.wait_dma2 semaphore(%arg16 : memref<!tpu.dma_semaphore, #tpu.memory_space<semaphore_mem>>) src(%dma_wait3A_87 : memref<66x80xi32, #tpu.memory_space<hbm>>) dst(%arg6 : memref<66x80xi32, #tpu.memory_space<vmem>>)
    %dma_wait3A_88 = arith.constant 0 : i32
    %dma_wait3A_89 = arith.constant 0 : i32
    %dma_wait3A_90 = tpu.memref_slice %arg4[%add3A, %dma_wait3A_88, %dma_wait3A_89] : memref<32x132x80xi32, #tpu.memory_space<hbm>> -> memref<1x66x80xi32, #tpu.memory_space<hbm>>
    %dma_wait3A_91 = tpu.memref_squeeze %dma_wait3A_90 : memref<1x66x80xi32, #tpu.memory_space<hbm>> -> memref<66x80xi32, #tpu.memory_space<hbm>>
    %dma_wait3A_92 = arith.constant 0 : i32
    %dma_wait3A_93 = arith.constant 0 : i32
    %dma_wait3A_94 = tpu.memref_slice %arg4[%add3A, %dma_wait3A_92, %dma_wait3A_93] : memref<32x132x80xi32, #tpu.memory_space<hbm>> -> memref<1x66x80xi32, #tpu.memory_space<hbm>>
    %dma_wait3A_95 = tpu.memref_squeeze %dma_wait3A_94 : memref<1x66x80xi32, #tpu.memory_space<hbm>> -> memref<66x80xi32, #tpu.memory_space<hbm>>
    tpu.wait_dma2 semaphore(%arg16 : memref<!tpu.dma_semaphore, #tpu.memory_space<semaphore_mem>>) src(%dma_wait3A_95 : memref<66x80xi32, #tpu.memory_space<hbm>>) dst(%arg7 : memref<66x80xi32, #tpu.memory_space<vmem>>)
    %dma_start3A_96 = arith.constant 0 : i32
    %dma_start3A_97 = arith.constant 0 : i32
    %dma_start3A_98 = tpu.memref_slice %arg6[%dma_start3A_96, %dma_start3A_97] : memref<66x80xi32, #tpu.memory_space<vmem>> -> memref<1x80xi32, #tpu.memory_space<vmem>>
    %dma_start3A_99 = tpu.memref_squeeze %dma_start3A_98 : memref<1x80xi32, #tpu.memory_space<vmem>> -> memref<80xi32, #tpu.memory_space<vmem>>
    %dma_start3A_100 = arith.constant 0 : i32
    %dma_start3A_101 = arith.constant 0 : i32
    %dma_start3A_102 = tpu.memref_slice %arg2[%dma_start3A_100, %dma_start3A_101] : memref<10000x128xf32, #tpu.memory_space<hbm>> -> memref<10000x128xf32, #tpu.memory_space<hbm>>
    tpu.enqueue_indirect_dma source(%dma_start3A_102 : memref<10000x128xf32, #tpu.memory_space<hbm>>) target(%arg8 : memref<80x128xf32, #tpu.memory_space<vmem>>) offsets(%dma_start3A_99 : memref<80xi32, #tpu.memory_space<vmem>>) semaphore(%arg13 : memref<!tpu.dma_semaphore, #tpu.memory_space<semaphore_mem>>)
    %dma_start3A_103 = arith.constant 1 : i32
    %dma_start3A_104 = arith.constant 0 : i32
    %dma_start3A_105 = tpu.memref_slice %arg6[%dma_start3A_103, %dma_start3A_104] : memref<66x80xi32, #tpu.memory_space<vmem>> -> memref<1x80xi32, #tpu.memory_space<vmem>>
    %dma_start3A_106 = tpu.memref_squeeze %dma_start3A_105 : memref<1x80xi32, #tpu.memory_space<vmem>> -> memref<80xi32, #tpu.memory_space<vmem>>
    %dma_start3A_107 = arith.constant 0 : i32
    %dma_start3A_108 = arith.constant 0 : i32
    %dma_start3A_109 = tpu.memref_slice %arg2[%dma_start3A_107, %dma_start3A_108] : memref<10000x128xf32, #tpu.memory_space<hbm>> -> memref<10000x128xf32, #tpu.memory_space<hbm>>
    tpu.enqueue_indirect_dma source(%dma_start3A_109 : memref<10000x128xf32, #tpu.memory_space<hbm>>) target(%arg9 : memref<80x128xf32, #tpu.memory_space<vmem>>) offsets(%dma_start3A_106 : memref<80xi32, #tpu.memory_space<vmem>>) semaphore(%arg14 : memref<!tpu.dma_semaphore, #tpu.memory_space<semaphore_mem>>)
    %scan3A_110 = arith.constant 0 : i32
    %scan3A_111 = arith.constant 0 : i32
    %scan3A_112 = arith.constant 22 : i32
    %scan3A_113 = arith.addi %scan3A_111, %scan3A_112 : i32
    %scan3A_114 = arith.constant 1 : i32
    scf.for %scan3A_120 = %scan3A_111 to %scan3A_113 step %scan3A_114  : i32 {
      %mul3A_121 = arith.constant 3 : i32
      %mul3A_122 = arith.muli %mul3A_121, %scan3A_120 : i32
      %add3A_123 = arith.constant 0 : i32
      %add3A_124 = arith.addi %mul3A_122, %add3A_123 : i32
      %dma_wait3A_125 = arith.constant 0 : i32
      %dma_wait3A_126 = tpu.memref_slice %arg6[%add3A_124, %dma_wait3A_125] : memref<66x80xi32, #tpu.memory_space<vmem>> -> memref<1x80xi32, #tpu.memory_space<vmem>>
      %dma_wait3A_127 = tpu.memref_squeeze %dma_wait3A_126 : memref<1x80xi32, #tpu.memory_space<vmem>> -> memref<80xi32, #tpu.memory_space<vmem>>
      %dma_wait3A_128 = arith.constant 0 : i32
      %dma_wait3A_129 = arith.constant 0 : i32
      %dma_wait3A_130 = tpu.memref_slice %arg2[%dma_wait3A_128, %dma_wait3A_129] : memref<10000x128xf32, #tpu.memory_space<hbm>> -> memref<10000x128xf32, #tpu.memory_space<hbm>>
      tpu.wait_indirect_dma semaphore(%arg13 : memref<!tpu.dma_semaphore, #tpu.memory_space<semaphore_mem>>) src(%dma_wait3A_130 : memref<10000x128xf32, #tpu.memory_space<hbm>>) dst(%arg8 : memref<80x128xf32, #tpu.memory_space<vmem>>)
      %add3A_131 = arith.constant 2 : i32
      %add3A_132 = arith.addi %add3A_124, %add3A_131 : i32
      %lt3A = arith.constant 66 : i32
      %lt3A_133 = arith.cmpi slt, %add3A_132, %lt3A : i32
      %convert_element_type3A = arith.extui %lt3A_133 : i1 to i32
      %cond3A = arith.constant 0 : i32
      %cond3A_134 = arith.cmpi ne, %convert_element_type3A, %cond3A : i32
      scf.if %cond3A_134 {
        %add3A_165 = arith.constant 2 : i32
        %add3A_166 = arith.addi %add3A_124, %add3A_165 : i32
        %dma_start3A_167 = arith.constant 0 : i32
        %dma_start3A_168 = tpu.memref_slice %arg6[%add3A_166, %dma_start3A_167] : memref<66x80xi32, #tpu.memory_space<vmem>> -> memref<1x80xi32, #tpu.memory_space<vmem>>
        %dma_start3A_169 = tpu.memref_squeeze %dma_start3A_168 : memref<1x80xi32, #tpu.memory_space<vmem>> -> memref<80xi32, #tpu.memory_space<vmem>>
        %dma_start3A_170 = arith.constant 0 : i32
        %dma_start3A_171 = arith.constant 0 : i32
        %dma_start3A_172 = tpu.memref_slice %arg2[%dma_start3A_170, %dma_start3A_171] : memref<10000x128xf32, #tpu.memory_space<hbm>> -> memref<10000x128xf32, #tpu.memory_space<hbm>>
        tpu.enqueue_indirect_dma source(%dma_start3A_172 : memref<10000x128xf32, #tpu.memory_space<hbm>>) target(%arg10 : memref<80x128xf32, #tpu.memory_space<vmem>>) offsets(%dma_start3A_169 : memref<80xi32, #tpu.memory_space<vmem>>) semaphore(%arg15 : memref<!tpu.dma_semaphore, #tpu.memory_space<semaphore_mem>>)
      } else {
      }
      "tpu.region"() ({
        %run_scoped3A = tpu.sem_alloc : memref<!tpu.dma_semaphore, #tpu.memory_space<semaphore_mem>>
        %dma_start3A_165 = arith.constant 0 : i32
        %dma_start3A_166 = tpu.memref_slice %arg7[%add3A_124, %dma_start3A_165] : memref<66x80xi32, #tpu.memory_space<vmem>> -> memref<1x80xi32, #tpu.memory_space<vmem>>
        %dma_start3A_167 = tpu.memref_squeeze %dma_start3A_166 : memref<1x80xi32, #tpu.memory_space<vmem>> -> memref<80xi32, #tpu.memory_space<vmem>>
        %dma_start3A_168 = arith.constant 0 : i32
        %dma_start3A_169 = arith.constant 0 : i32
        %dma_start3A_170 = tpu.memref_slice %arg12[%dma_start3A_168, %dma_start3A_169] : memref<10240x128xf32, #tpu.memory_space<vmem_shared>> -> memref<10240x128xf32, #tpu.memory_space<vmem_shared>>
        tpu.enqueue_indirect_dma source(%arg8 : memref<80x128xf32, #tpu.memory_space<vmem>>) target(%dma_start3A_170 : memref<10240x128xf32, #tpu.memory_space<vmem_shared>>) offsets(%dma_start3A_167 : memref<80xi32, #tpu.memory_space<vmem>>) semaphore(%run_scoped3A : memref<!tpu.dma_semaphore, #tpu.memory_space<semaphore_mem>>) {add = true}
        %dma_wait3A_171 = arith.constant 0 : i32
        %dma_wait3A_172 = tpu.memref_slice %arg7[%add3A_124, %dma_wait3A_171] : memref<66x80xi32, #tpu.memory_space<vmem>> -> memref<1x80xi32, #tpu.memory_space<vmem>>
        %dma_wait3A_173 = tpu.memref_squeeze %dma_wait3A_172 : memref<1x80xi32, #tpu.memory_space<vmem>> -> memref<80xi32, #tpu.memory_space<vmem>>
        %dma_wait3A_174 = arith.constant 0 : i32
        %dma_wait3A_175 = arith.constant 0 : i32
        %dma_wait3A_176 = tpu.memref_slice %arg12[%dma_wait3A_174, %dma_wait3A_175] : memref<10240x128xf32, #tpu.memory_space<vmem_shared>> -> memref<10240x128xf32, #tpu.memory_space<vmem_shared>>
        tpu.wait_indirect_dma semaphore(%run_scoped3A : memref<!tpu.dma_semaphore, #tpu.memory_space<semaphore_mem>>) src(%arg8 : memref<80x128xf32, #tpu.memory_space<vmem>>) dst(%dma_wait3A_176 : memref<10240x128xf32, #tpu.memory_space<vmem_shared>>)
        tpu.yield
      }) : () -> ()
      %add3A_135 = arith.constant 1 : i32
      %add3A_136 = arith.addi %mul3A_122, %add3A_135 : i32
      %dma_wait3A_137 = arith.constant 0 : i32
      %dma_wait3A_138 = tpu.memref_slice %arg6[%add3A_136, %dma_wait3A_137] : memref<66x80xi32, #tpu.memory_space<vmem>> -> memref<1x80xi32, #tpu.memory_space<vmem>>
      %dma_wait3A_139 = tpu.memref_squeeze %dma_wait3A_138 : memref<1x80xi32, #tpu.memory_space<vmem>> -> memref<80xi32, #tpu.memory_space<vmem>>
      %dma_wait3A_140 = arith.constant 0 : i32
      %dma_wait3A_141 = arith.constant 0 : i32
      %dma_wait3A_142 = tpu.memref_slice %arg2[%dma_wait3A_140, %dma_wait3A_141] : memref<10000x128xf32, #tpu.memory_space<hbm>> -> memref<10000x128xf32, #tpu.memory_space<hbm>>
      tpu.wait_indirect_dma semaphore(%arg14 : memref<!tpu.dma_semaphore, #tpu.memory_space<semaphore_mem>>) src(%dma_wait3A_142 : memref<10000x128xf32, #tpu.memory_space<hbm>>) dst(%arg9 : memref<80x128xf32, #tpu.memory_space<vmem>>)
      %add3A_143 = arith.constant 2 : i32
      %add3A_144 = arith.addi %add3A_136, %add3A_143 : i32
      %lt3A_145 = arith.constant 66 : i32
      %lt3A_146 = arith.cmpi slt, %add3A_144, %lt3A_145 : i32
      %convert_element_type3A_147 = arith.extui %lt3A_146 : i1 to i32
      %cond3A_148 = arith.constant 0 : i32
      %cond3A_149 = arith.cmpi ne, %convert_element_type3A_147, %cond3A_148 : i32
      scf.if %cond3A_149 {
        %add3A_165 = arith.constant 2 : i32
        %add3A_166 = arith.addi %add3A_136, %add3A_165 : i32
        %dma_start3A_167 = arith.constant 0 : i32
        %dma_start3A_168 = tpu.memref_slice %arg6[%add3A_166, %dma_start3A_167] : memref<66x80xi32, #tpu.memory_space<vmem>> -> memref<1x80xi32, #tpu.memory_space<vmem>>
        %dma_start3A_169 = tpu.memref_squeeze %dma_start3A_168 : memref<1x80xi32, #tpu.memory_space<vmem>> -> memref<80xi32, #tpu.memory_space<vmem>>
        %dma_start3A_170 = arith.constant 0 : i32
        %dma_start3A_171 = arith.constant 0 : i32
        %dma_start3A_172 = tpu.memref_slice %arg2[%dma_start3A_170, %dma_start3A_171] : memref<10000x128xf32, #tpu.memory_space<hbm>> -> memref<10000x128xf32, #tpu.memory_space<hbm>>
        tpu.enqueue_indirect_dma source(%dma_start3A_172 : memref<10000x128xf32, #tpu.memory_space<hbm>>) target(%arg8 : memref<80x128xf32, #tpu.memory_space<vmem>>) offsets(%dma_start3A_169 : memref<80xi32, #tpu.memory_space<vmem>>) semaphore(%arg13 : memref<!tpu.dma_semaphore, #tpu.memory_space<semaphore_mem>>)
      } else {
      }
      "tpu.region"() ({
        %run_scoped3A = tpu.sem_alloc : memref<!tpu.dma_semaphore, #tpu.memory_space<semaphore_mem>>
        %dma_start3A_165 = arith.constant 0 : i32
        %dma_start3A_166 = tpu.memref_slice %arg7[%add3A_136, %dma_start3A_165] : memref<66x80xi32, #tpu.memory_space<vmem>> -> memref<1x80xi32, #tpu.memory_space<vmem>>
        %dma_start3A_167 = tpu.memref_squeeze %dma_start3A_166 : memref<1x80xi32, #tpu.memory_space<vmem>> -> memref<80xi32, #tpu.memory_space<vmem>>
        %dma_start3A_168 = arith.constant 0 : i32
        %dma_start3A_169 = arith.constant 0 : i32
        %dma_start3A_170 = tpu.memref_slice %arg12[%dma_start3A_168, %dma_start3A_169] : memref<10240x128xf32, #tpu.memory_space<vmem_shared>> -> memref<10240x128xf32, #tpu.memory_space<vmem_shared>>
        tpu.enqueue_indirect_dma source(%arg9 : memref<80x128xf32, #tpu.memory_space<vmem>>) target(%dma_start3A_170 : memref<10240x128xf32, #tpu.memory_space<vmem_shared>>) offsets(%dma_start3A_167 : memref<80xi32, #tpu.memory_space<vmem>>) semaphore(%run_scoped3A : memref<!tpu.dma_semaphore, #tpu.memory_space<semaphore_mem>>) {add = true}
        %dma_wait3A_171 = arith.constant 0 : i32
        %dma_wait3A_172 = tpu.memref_slice %arg7[%add3A_136, %dma_wait3A_171] : memref<66x80xi32, #tpu.memory_space<vmem>> -> memref<1x80xi32, #tpu.memory_space<vmem>>
        %dma_wait3A_173 = tpu.memref_squeeze %dma_wait3A_172 : memref<1x80xi32, #tpu.memory_space<vmem>> -> memref<80xi32, #tpu.memory_space<vmem>>
        %dma_wait3A_174 = arith.constant 0 : i32
        %dma_wait3A_175 = arith.constant 0 : i32
        %dma_wait3A_176 = tpu.memref_slice %arg12[%dma_wait3A_174, %dma_wait3A_175] : memref<10240x128xf32, #tpu.memory_space<vmem_shared>> -> memref<10240x128xf32, #tpu.memory_space<vmem_shared>>
        tpu.wait_indirect_dma semaphore(%run_scoped3A : memref<!tpu.dma_semaphore, #tpu.memory_space<semaphore_mem>>) src(%arg9 : memref<80x128xf32, #tpu.memory_space<vmem>>) dst(%dma_wait3A_176 : memref<10240x128xf32, #tpu.memory_space<vmem_shared>>)
        tpu.yield
      }) : () -> ()
      %add3A_150 = arith.constant 2 : i32
      %add3A_151 = arith.addi %mul3A_122, %add3A_150 : i32
      %dma_wait3A_152 = arith.constant 0 : i32
      %dma_wait3A_153 = tpu.memref_slice %arg6[%add3A_151, %dma_wait3A_152] : memref<66x80xi32, #tpu.memory_space<vmem>> -> memref<1x80xi32, #tpu.memory_space<vmem>>
      %dma_wait3A_154 = tpu.memref_squeeze %dma_wait3A_153 : memref<1x80xi32, #tpu.memory_space<vmem>> -> memref<80xi32, #tpu.memory_space<vmem>>
      %dma_wait3A_155 = arith.constant 0 : i32
      %dma_wait3A_156 = arith.constant 0 : i32
      %dma_wait3A_157 = tpu.memref_slice %arg2[%dma_wait3A_155, %dma_wait3A_156] : memref<10000x128xf32, #tpu.memory_space<hbm>> -> memref<10000x128xf32, #tpu.memory_space<hbm>>
      tpu.wait_indirect_dma semaphore(%arg15 : memref<!tpu.dma_semaphore, #tpu.memory_space<semaphore_mem>>) src(%dma_wait3A_157 : memref<10000x128xf32, #tpu.memory_space<hbm>>) dst(%arg10 : memref<80x128xf32, #tpu.memory_space<vmem>>)
      %add3A_158 = arith.constant 2 : i32
      %add3A_159 = arith.addi %add3A_151, %add3A_158 : i32
      %lt3A_160 = arith.constant 66 : i32
      %lt3A_161 = arith.cmpi slt, %add3A_159, %lt3A_160 : i32
      %convert_element_type3A_162 = arith.extui %lt3A_161 : i1 to i32
      %cond3A_163 = arith.constant 0 : i32
      %cond3A_164 = arith.cmpi ne, %convert_element_type3A_162, %cond3A_163 : i32
      scf.if %cond3A_164 {
        %add3A_165 = arith.constant 2 : i32
        %add3A_166 = arith.addi %add3A_151, %add3A_165 : i32
        %dma_start3A_167 = arith.constant 0 : i32
        %dma_start3A_168 = tpu.memref_slice %arg6[%add3A_166, %dma_start3A_167] : memref<66x80xi32, #tpu.memory_space<vmem>> -> memref<1x80xi32, #tpu.memory_space<vmem>>
        %dma_start3A_169 = tpu.memref_squeeze %dma_start3A_168 : memref<1x80xi32, #tpu.memory_space<vmem>> -> memref<80xi32, #tpu.memory_space<vmem>>
        %dma_start3A_170 = arith.constant 0 : i32
        %dma_start3A_171 = arith.constant 0 : i32
        %dma_start3A_172 = tpu.memref_slice %arg2[%dma_start3A_170, %dma_start3A_171] : memref<10000x128xf32, #tpu.memory_space<hbm>> -> memref<10000x128xf32, #tpu.memory_space<hbm>>
        tpu.enqueue_indirect_dma source(%dma_start3A_172 : memref<10000x128xf32, #tpu.memory_space<hbm>>) target(%arg9 : memref<80x128xf32, #tpu.memory_space<vmem>>) offsets(%dma_start3A_169 : memref<80xi32, #tpu.memory_space<vmem>>) semaphore(%arg14 : memref<!tpu.dma_semaphore, #tpu.memory_space<semaphore_mem>>)
      } else {
      }
      "tpu.region"() ({
        %run_scoped3A = tpu.sem_alloc : memref<!tpu.dma_semaphore, #tpu.memory_space<semaphore_mem>>
        %dma_start3A_165 = arith.constant 0 : i32
        %dma_start3A_166 = tpu.memref_slice %arg7[%add3A_151, %dma_start3A_165] : memref<66x80xi32, #tpu.memory_space<vmem>> -> memref<1x80xi32, #tpu.memory_space<vmem>>
        %dma_start3A_167 = tpu.memref_squeeze %dma_start3A_166 : memref<1x80xi32, #tpu.memory_space<vmem>> -> memref<80xi32, #tpu.memory_space<vmem>>
        %dma_start3A_168 = arith.constant 0 : i32
        %dma_start3A_169 = arith.constant 0 : i32
        %dma_start3A_170 = tpu.memref_slice %arg12[%dma_start3A_168, %dma_start3A_169] : memref<10240x128xf32, #tpu.memory_space<vmem_shared>> -> memref<10240x128xf32, #tpu.memory_space<vmem_shared>>
        tpu.enqueue_indirect_dma source(%arg10 : memref<80x128xf32, #tpu.memory_space<vmem>>) target(%dma_start3A_170 : memref<10240x128xf32, #tpu.memory_space<vmem_shared>>) offsets(%dma_start3A_167 : memref<80xi32, #tpu.memory_space<vmem>>) semaphore(%run_scoped3A : memref<!tpu.dma_semaphore, #tpu.memory_space<semaphore_mem>>) {add = true}
        %dma_wait3A_171 = arith.constant 0 : i32
        %dma_wait3A_172 = tpu.memref_slice %arg7[%add3A_151, %dma_wait3A_171] : memref<66x80xi32, #tpu.memory_space<vmem>> -> memref<1x80xi32, #tpu.memory_space<vmem>>
        %dma_wait3A_173 = tpu.memref_squeeze %dma_wait3A_172 : memref<1x80xi32, #tpu.memory_space<vmem>> -> memref<80xi32, #tpu.memory_space<vmem>>
        %dma_wait3A_174 = arith.constant 0 : i32
        %dma_wait3A_175 = arith.constant 0 : i32
        %dma_wait3A_176 = tpu.memref_slice %arg12[%dma_wait3A_174, %dma_wait3A_175] : memref<10240x128xf32, #tpu.memory_space<vmem_shared>> -> memref<10240x128xf32, #tpu.memory_space<vmem_shared>>
        tpu.wait_indirect_dma semaphore(%run_scoped3A : memref<!tpu.dma_semaphore, #tpu.memory_space<semaphore_mem>>) src(%arg10 : memref<80x128xf32, #tpu.memory_space<vmem>>) dst(%dma_wait3A_176 : memref<10240x128xf32, #tpu.memory_space<vmem_shared>>)
        tpu.yield
      }) : () -> ()
    }
    %scan3A_115 = arith.constant 22 : i32
    %barrier3A_116 = arith.constant 0 : index
    tpu.barrier barrier_id(%barrier3A_116)
    %mul3A_117 = arith.constant 10240 : i32
    %mul3A_118 = arith.muli %arg0, %mul3A_117 : i32
    %add3A_119 = arith.addi %mul3A_118, %mul3A_22 : i32
    "tpu.region"() ({
      %run_scoped3A = tpu.sem_alloc : memref<!tpu.dma_semaphore, #tpu.memory_space<semaphore_mem>>
      %dma_start3A_120 = arith.constant 0 : i32
      %dma_start3A_121 = tpu.memref_slice %arg5[%add3A_119, %dma_start3A_120] : memref<20480x128xf32, #tpu.memory_space<hbm>> -> memref<640x128xf32, #tpu.memory_space<hbm>>
      %dma_start3A_122 = arith.constant 0 : i32
      %dma_start3A_123 = tpu.memref_slice %arg12[%mul3A_22, %dma_start3A_122] : memref<10240x128xf32, #tpu.memory_space<vmem_shared>> -> memref<640x128xf32, #tpu.memory_space<vmem_shared>>
      tpu.enqueue_dma source(%dma_start3A_123 : memref<640x128xf32, #tpu.memory_space<vmem_shared>>) target(%dma_start3A_121 : memref<640x128xf32, #tpu.memory_space<hbm>>) target_semaphore(%run_scoped3A : memref<!tpu.dma_semaphore, #tpu.memory_space<semaphore_mem>>)
      %dma_wait3A_124 = arith.constant 0 : i32
      %dma_wait3A_125 = tpu.memref_slice %arg5[%add3A_119, %dma_wait3A_124] : memref<20480x128xf32, #tpu.memory_space<hbm>> -> memref<640x128xf32, #tpu.memory_space<hbm>>
      %dma_wait3A_126 = arith.constant 0 : i32
      %dma_wait3A_127 = tpu.memref_slice %arg12[%mul3A_22, %dma_wait3A_126] : memref<10240x128xf32, #tpu.memory_space<vmem_shared>> -> memref<640x128xf32, #tpu.memory_space<vmem_shared>>
      tpu.wait_dma2 semaphore(%run_scoped3A : memref<!tpu.dma_semaphore, #tpu.memory_space<semaphore_mem>>) src(%dma_wait3A_127 : memref<640x128xf32, #tpu.memory_space<vmem_shared>>) dst(%dma_wait3A_125 : memref<640x128xf32, #tpu.memory_space<hbm>>)
      tpu.yield
    }) : () -> ()
    return
  }
}

#map = affine_map<(d0, d1) -> (0, 0)>
#map1 = affine_map<(d0, d1) -> (0, 0, 0)>
module attributes {stable_mosaic.version = 14 : i64} {
  func.func @segsum(%arg0: i32, %arg1: i32, %arg2: memref<10000x128xf32, #tpu.memory_space<hbm>>, %arg3: memref<32x132x80xi32, #tpu.memory_space<hbm>>, %arg4: memref<32x132x80xi32, #tpu.memory_space<hbm>>, %arg5: memref<20480x128xf32, #tpu.memory_space<hbm>>, %arg6: memref<66x80xi32, #tpu.memory_space<vmem>>, %arg7: memref<66x80xi32, #tpu.memory_space<vmem>>, %arg8: memref<80x128xf32, #tpu.memory_space<vmem>>, %arg9: memref<80x128xf32, #tpu.memory_space<vmem>>, %arg10: memref<80x128xf32, #tpu.memory_space<vmem>>, %arg11: memref<16x128xf32, #tpu.memory_space<vmem>>, %arg12: memref<10240x128xf32, #tpu.memory_space<vmem_shared>>, %arg13: memref<!tpu.dma_semaphore, #tpu.memory_space<semaphore_mem>>, %arg14: memref<!tpu.dma_semaphore, #tpu.memory_space<semaphore_mem>>, %arg15: memref<!tpu.dma_semaphore, #tpu.memory_space<semaphore_mem>>, %arg16: memref<!tpu.dma_semaphore, #tpu.memory_space<semaphore_mem>>) attributes {dimension_semantics = [#tpu.dimension_semantics<core_parallel>, #tpu.dimension_semantics<subcore_parallel>], iteration_bounds = array<i64: 2, 16>, scalar_prefetch = 0 : i64, scratch_operands = 11 : i64, tpu.core_type = #tpu.core_type<sc_vector_subcore>, window_params = [{transform_indices = #map}, {transform_indices = #map1}, {transform_indices = #map1}, {transform_indices = #map}]} {
    %mul3A = arith.constant 16 : i32
    %mul3A_0 = arith.muli %arg0, %mul3A : i32
    %add3A = arith.addi %mul3A_0, %arg1 : i32
    %dma_start3A = arith.constant 0 : i32
    %dma_start3A_1 = arith.constant 0 : i32
    %dma_start3A_2 = tpu.memref_slice %arg3[%add3A, %dma_start3A, %dma_start3A_1] : memref<32x132x80xi32, #tpu.memory_space<hbm>> -> memref<1x66x80xi32, #tpu.memory_space<hbm>>
    %dma_start3A_3 = tpu.memref_squeeze %dma_start3A_2 : memref<1x66x80xi32, #tpu.memory_space<hbm>> -> memref<66x80xi32, #tpu.memory_space<hbm>>
    %dma_start3A_4 = arith.constant 0 : i32
    %dma_start3A_5 = arith.constant 0 : i32
    %dma_start3A_6 = tpu.memref_slice %arg3[%add3A, %dma_start3A_4, %dma_start3A_5] : memref<32x132x80xi32, #tpu.memory_space<hbm>> -> memref<1x66x80xi32, #tpu.memory_space<hbm>>
    %dma_start3A_7 = tpu.memref_squeeze %dma_start3A_6 : memref<1x66x80xi32, #tpu.memory_space<hbm>> -> memref<66x80xi32, #tpu.memory_space<hbm>>
    tpu.enqueue_dma source(%dma_start3A_7 : memref<66x80xi32, #tpu.memory_space<hbm>>) target(%arg6 : memref<66x80xi32, #tpu.memory_space<vmem>>) target_semaphore(%arg16 : memref<!tpu.dma_semaphore, #tpu.memory_space<semaphore_mem>>)
    %dma_start3A_8 = arith.constant 0 : i32
    %dma_start3A_9 = arith.constant 0 : i32
    %dma_start3A_10 = tpu.memref_slice %arg4[%add3A, %dma_start3A_8, %dma_start3A_9] : memref<32x132x80xi32, #tpu.memory_space<hbm>> -> memref<1x66x80xi32, #tpu.memory_space<hbm>>
    %dma_start3A_11 = tpu.memref_squeeze %dma_start3A_10 : memref<1x66x80xi32, #tpu.memory_space<hbm>> -> memref<66x80xi32, #tpu.memory_space<hbm>>
    %dma_start3A_12 = arith.constant 0 : i32
    %dma_start3A_13 = arith.constant 0 : i32
    %dma_start3A_14 = tpu.memref_slice %arg4[%add3A, %dma_start3A_12, %dma_start3A_13] : memref<32x132x80xi32, #tpu.memory_space<hbm>> -> memref<1x66x80xi32, #tpu.memory_space<hbm>>
    %dma_start3A_15 = tpu.memref_squeeze %dma_start3A_14 : memref<1x66x80xi32, #tpu.memory_space<hbm>> -> memref<66x80xi32, #tpu.memory_space<hbm>>
    tpu.enqueue_dma source(%dma_start3A_15 : memref<66x80xi32, #tpu.memory_space<hbm>>) target(%arg7 : memref<66x80xi32, #tpu.memory_space<vmem>>) target_semaphore(%arg16 : memref<!tpu.dma_semaphore, #tpu.memory_space<semaphore_mem>>)
    %scan3A = arith.constant 0 : i32
    %scan3A_16 = arith.constant 0 : i32
    %scan3A_17 = arith.constant 16 : i32
    %scan3A_18 = arith.addi %scan3A_16, %scan3A_17 : i32
    %scan3A_19 = arith.constant 1 : i32
    scf.for %scan3A_120 = %scan3A_16 to %scan3A_18 step %scan3A_19  : i32 {
      %scan3A_121 = arith.constant 0 : i32
      %scan3A_122 = arith.constant 8 : i32
      %scan3A_123 = arith.addi %scan3A_121, %scan3A_122 : i32
      %scan3A_124 = arith.constant 1 : i32
      scf.for %scan3A_126 = %scan3A_121 to %scan3A_123 step %scan3A_124  : i32 {
        %broadcast_in_dim3A = arith.constant 0.000000e+00 : f32
        %broadcast_in_dim3A_127 = vector.broadcast %broadcast_in_dim3A : f32 to vector<16xf32>
        %mul3A_128 = arith.constant 16 : i32
        %mul3A_129 = arith.muli %scan3A_126, %mul3A_128 : i32
        %swap3A = arith.index_cast %scan3A_120 : i32 to index
        %swap3A_130 = arith.index_cast %mul3A_129 : i32 to index
        %swap3A_131 = tpu.vector_load %arg11[%swap3A, %swap3A_130] {strides = array<i32>} : memref<16x128xf32, #tpu.memory_space<vmem>>, vector<1x16xf32>,
        %swap3A_132 = vector.shape_cast %swap3A_131 : vector<1x16xf32> to vector<16xf32>
        %swap3A_133 = vector.shape_cast %broadcast_in_dim3A_127 : vector<16xf32> to vector<1x16xf32>
        tpu.vector_store %arg11[%swap3A, %swap3A_130], %swap3A_133 {strides = array<i32>} : memref<16x128xf32, #tpu.memory_space<vmem>>, vector<1x16xf32>,
      }
      %scan3A_125 = arith.constant 8 : i32
    }
    %scan3A_20 = arith.constant 16 : i32
    %mul3A_21 = arith.constant 640 : i32
    %mul3A_22 = arith.muli %arg1, %mul3A_21 : i32
    %scan3A_23 = arith.constant 0 : i32
    %scan3A_24 = arith.constant 0 : i32
    %scan3A_25 = arith.constant 40 : i32
    %scan3A_26 = arith.addi %scan3A_24, %scan3A_25 : i32
    %scan3A_27 = arith.constant 1 : i32
    scf.for %scan3A_120 = %scan3A_24 to %scan3A_26 step %scan3A_27  : i32 {
      %mul3A_121 = arith.constant 16 : i32
      %mul3A_122 = arith.muli %scan3A_120, %mul3A_121 : i32
      %add3A_123 = arith.addi %mul3A_22, %mul3A_122 : i32
      "tpu.region"() ({
        %run_scoped3A = tpu.sem_alloc : memref<!tpu.dma_semaphore, #tpu.memory_space<semaphore_mem>>
        %dma_start3A_124 = arith.constant 0 : i32
        %dma_start3A_125 = tpu.memref_slice %arg12[%add3A_123, %dma_start3A_124] : memref<10240x128xf32, #tpu.memory_space<vmem_shared>> -> memref<16x128xf32, #tpu.memory_space<vmem_shared>>
        %dma_start3A_126 = arith.constant 0 : i32
        %dma_start3A_127 = tpu.memref_slice %arg12[%add3A_123, %dma_start3A_126] : memref<10240x128xf32, #tpu.memory_space<vmem_shared>> -> memref<16x128xf32, #tpu.memory_space<vmem_shared>>
        tpu.enqueue_dma source(%arg11 : memref<16x128xf32, #tpu.memory_space<vmem>>) target(%dma_start3A_127 : memref<16x128xf32, #tpu.memory_space<vmem_shared>>) target_semaphore(%run_scoped3A : memref<!tpu.dma_semaphore, #tpu.memory_space<semaphore_mem>>)
        %dma_wait3A_128 = arith.constant 0 : i32
        %dma_wait3A_129 = tpu.memref_slice %arg12[%add3A_123, %dma_wait3A_128] : memref<10240x128xf32, #tpu.memory_space<vmem_shared>> -> memref<16x128xf32, #tpu.memory_space<vmem_shared>>
        %dma_wait3A_130 = arith.constant 0 : i32
        %dma_wait3A_131 = tpu.memref_slice %arg12[%add3A_123, %dma_wait3A_130] : memref<10240x128xf32, #tpu.memory_space<vmem_shared>> -> memref<16x128xf32, #tpu.memory_space<vmem_shared>>
        tpu.wait_dma2 semaphore(%run_scoped3A : memref<!tpu.dma_semaphore, #tpu.memory_space<semaphore_mem>>) src(%arg11 : memref<16x128xf32, #tpu.memory_space<vmem>>) dst(%dma_wait3A_131 : memref<16x128xf32, #tpu.memory_space<vmem_shared>>)
        tpu.yield
      }) : () -> ()
    }
    %scan3A_28 = arith.constant 40 : i32
    %dma_wait3A = arith.constant 0 : i32
    %dma_wait3A_29 = arith.constant 0 : i32
    %dma_wait3A_30 = tpu.memref_slice %arg3[%add3A, %dma_wait3A, %dma_wait3A_29] : memref<32x132x80xi32, #tpu.memory_space<hbm>> -> memref<1x66x80xi32, #tpu.memory_space<hbm>>
    %dma_wait3A_31 = tpu.memref_squeeze %dma_wait3A_30 : memref<1x66x80xi32, #tpu.memory_space<hbm>> -> memref<66x80xi32, #tpu.memory_space<hbm>>
    %dma_wait3A_32 = arith.constant 0 : i32
    %dma_wait3A_33 = arith.constant 0 : i32
    %dma_wait3A_34 = tpu.memref_slice %arg3[%add3A, %dma_wait3A_32, %dma_wait3A_33] : memref<32x132x80xi32, #tpu.memory_space<hbm>> -> memref<1x66x80xi32, #tpu.memory_space<hbm>>
    %dma_wait3A_35 = tpu.memref_squeeze %dma_wait3A_34 : memref<1x66x80xi32, #tpu.memory_space<hbm>> -> memref<66x80xi32, #tpu.memory_space<hbm>>
    tpu.wait_dma2 semaphore(%arg16 : memref<!tpu.dma_semaphore, #tpu.memory_space<semaphore_mem>>) src(%dma_wait3A_35 : memref<66x80xi32, #tpu.memory_space<hbm>>) dst(%arg6 : memref<66x80xi32, #tpu.memory_space<vmem>>)
    %dma_wait3A_36 = arith.constant 0 : i32
    %dma_wait3A_37 = arith.constant 0 : i32
    %dma_wait3A_38 = tpu.memref_slice %arg4[%add3A, %dma_wait3A_36, %dma_wait3A_37] : memref<32x132x80xi32, #tpu.memory_space<hbm>> -> memref<1x66x80xi32, #tpu.memory_space<hbm>>
    %dma_wait3A_39 = tpu.memref_squeeze %dma_wait3A_38 : memref<1x66x80xi32, #tpu.memory_space<hbm>> -> memref<66x80xi32, #tpu.memory_space<hbm>>
    %dma_wait3A_40 = arith.constant 0 : i32
    %dma_wait3A_41 = arith.constant 0 : i32
    %dma_wait3A_42 = tpu.memref_slice %arg4[%add3A, %dma_wait3A_40, %dma_wait3A_41] : memref<32x132x80xi32, #tpu.memory_space<hbm>> -> memref<1x66x80xi32, #tpu.memory_space<hbm>>
    %dma_wait3A_43 = tpu.memref_squeeze %dma_wait3A_42 : memref<1x66x80xi32, #tpu.memory_space<hbm>> -> memref<66x80xi32, #tpu.memory_space<hbm>>
    tpu.wait_dma2 semaphore(%arg16 : memref<!tpu.dma_semaphore, #tpu.memory_space<semaphore_mem>>) src(%dma_wait3A_43 : memref<66x80xi32, #tpu.memory_space<hbm>>) dst(%arg7 : memref<66x80xi32, #tpu.memory_space<vmem>>)
    %barrier3A = arith.constant 0 : index
    tpu.barrier barrier_id(%barrier3A)
    %dma_start3A_44 = arith.constant 0 : i32
    %dma_start3A_45 = arith.constant 0 : i32
    %dma_start3A_46 = tpu.memref_slice %arg6[%dma_start3A_44, %dma_start3A_45] : memref<66x80xi32, #tpu.memory_space<vmem>> -> memref<1x80xi32, #tpu.memory_space<vmem>>
    %dma_start3A_47 = tpu.memref_squeeze %dma_start3A_46 : memref<1x80xi32, #tpu.memory_space<vmem>> -> memref<80xi32, #tpu.memory_space<vmem>>
    %dma_start3A_48 = arith.constant 0 : i32
    %dma_start3A_49 = arith.constant 0 : i32
    %dma_start3A_50 = tpu.memref_slice %arg2[%dma_start3A_48, %dma_start3A_49] : memref<10000x128xf32, #tpu.memory_space<hbm>> -> memref<10000x128xf32, #tpu.memory_space<hbm>>
    tpu.enqueue_indirect_dma source(%dma_start3A_50 : memref<10000x128xf32, #tpu.memory_space<hbm>>) target(%arg8 : memref<80x128xf32, #tpu.memory_space<vmem>>) offsets(%dma_start3A_47 : memref<80xi32, #tpu.memory_space<vmem>>) semaphore(%arg13 : memref<!tpu.dma_semaphore, #tpu.memory_space<semaphore_mem>>)
    %dma_start3A_51 = arith.constant 1 : i32
    %dma_start3A_52 = arith.constant 0 : i32
    %dma_start3A_53 = tpu.memref_slice %arg6[%dma_start3A_51, %dma_start3A_52] : memref<66x80xi32, #tpu.memory_space<vmem>> -> memref<1x80xi32, #tpu.memory_space<vmem>>
    %dma_start3A_54 = tpu.memref_squeeze %dma_start3A_53 : memref<1x80xi32, #tpu.memory_space<vmem>> -> memref<80xi32, #tpu.memory_space<vmem>>
    %dma_start3A_55 = arith.constant 0 : i32
    %dma_start3A_56 = arith.constant 0 : i32
    %dma_start3A_57 = tpu.memref_slice %arg2[%dma_start3A_55, %dma_start3A_56] : memref<10000x128xf32, #tpu.memory_space<hbm>> -> memref<10000x128xf32, #tpu.memory_space<hbm>>
    tpu.enqueue_indirect_dma source(%dma_start3A_57 : memref<10000x128xf32, #tpu.memory_space<hbm>>) target(%arg9 : memref<80x128xf32, #tpu.memory_space<vmem>>) offsets(%dma_start3A_54 : memref<80xi32, #tpu.memory_space<vmem>>) semaphore(%arg14 : memref<!tpu.dma_semaphore, #tpu.memory_space<semaphore_mem>>)
    %scan3A_58 = arith.constant 0 : i32
    %scan3A_59 = arith.constant 0 : i32
    %scan3A_60 = arith.constant 22 : i32
    %scan3A_61 = arith.addi %scan3A_59, %scan3A_60 : i32
    %scan3A_62 = arith.constant 1 : i32
    scf.for %scan3A_120 = %scan3A_59 to %scan3A_61 step %scan3A_62  : i32 {
      %mul3A_121 = arith.constant 3 : i32
      %mul3A_122 = arith.muli %mul3A_121, %scan3A_120 : i32
      %add3A_123 = arith.constant 0 : i32
      %add3A_124 = arith.addi %mul3A_122, %add3A_123 : i32
      %dma_wait3A_125 = arith.constant 0 : i32
      %dma_wait3A_126 = tpu.memref_slice %arg6[%add3A_124, %dma_wait3A_125] : memref<66x80xi32, #tpu.memory_space<vmem>> -> memref<1x80xi32, #tpu.memory_space<vmem>>
      %dma_wait3A_127 = tpu.memref_squeeze %dma_wait3A_126 : memref<1x80xi32, #tpu.memory_space<vmem>> -> memref<80xi32, #tpu.memory_space<vmem>>
      %dma_wait3A_128 = arith.constant 0 : i32
      %dma_wait3A_129 = arith.constant 0 : i32
      %dma_wait3A_130 = tpu.memref_slice %arg2[%dma_wait3A_128, %dma_wait3A_129] : memref<10000x128xf32, #tpu.memory_space<hbm>> -> memref<10000x128xf32, #tpu.memory_space<hbm>>
      tpu.wait_indirect_dma semaphore(%arg13 : memref<!tpu.dma_semaphore, #tpu.memory_space<semaphore_mem>>) src(%dma_wait3A_130 : memref<10000x128xf32, #tpu.memory_space<hbm>>) dst(%arg8 : memref<80x128xf32, #tpu.memory_space<vmem>>)
      %add3A_131 = arith.constant 2 : i32
      %add3A_132 = arith.addi %add3A_124, %add3A_131 : i32
      %lt3A = arith.constant 66 : i32
      %lt3A_133 = arith.cmpi slt, %add3A_132, %lt3A : i32
      %convert_element_type3A = arith.extui %lt3A_133 : i1 to i32
      %cond3A = arith.constant 0 : i32
      %cond3A_134 = arith.cmpi ne, %convert_element_type3A, %cond3A : i32
      scf.if %cond3A_134 {
        %add3A_165 = arith.constant 2 : i32
        %add3A_166 = arith.addi %add3A_124, %add3A_165 : i32
        %dma_start3A_167 = arith.constant 0 : i32
        %dma_start3A_168 = tpu.memref_slice %arg6[%add3A_166, %dma_start3A_167] : memref<66x80xi32, #tpu.memory_space<vmem>> -> memref<1x80xi32, #tpu.memory_space<vmem>>
        %dma_start3A_169 = tpu.memref_squeeze %dma_start3A_168 : memref<1x80xi32, #tpu.memory_space<vmem>> -> memref<80xi32, #tpu.memory_space<vmem>>
        %dma_start3A_170 = arith.constant 0 : i32
        %dma_start3A_171 = arith.constant 0 : i32
        %dma_start3A_172 = tpu.memref_slice %arg2[%dma_start3A_170, %dma_start3A_171] : memref<10000x128xf32, #tpu.memory_space<hbm>> -> memref<10000x128xf32, #tpu.memory_space<hbm>>
        tpu.enqueue_indirect_dma source(%dma_start3A_172 : memref<10000x128xf32, #tpu.memory_space<hbm>>) target(%arg10 : memref<80x128xf32, #tpu.memory_space<vmem>>) offsets(%dma_start3A_169 : memref<80xi32, #tpu.memory_space<vmem>>) semaphore(%arg15 : memref<!tpu.dma_semaphore, #tpu.memory_space<semaphore_mem>>)
      } else {
      }
      "tpu.region"() ({
        %run_scoped3A = tpu.sem_alloc : memref<!tpu.dma_semaphore, #tpu.memory_space<semaphore_mem>>
        %dma_start3A_165 = arith.constant 0 : i32
        %dma_start3A_166 = tpu.memref_slice %arg7[%add3A_124, %dma_start3A_165] : memref<66x80xi32, #tpu.memory_space<vmem>> -> memref<1x80xi32, #tpu.memory_space<vmem>>
        %dma_start3A_167 = tpu.memref_squeeze %dma_start3A_166 : memref<1x80xi32, #tpu.memory_space<vmem>> -> memref<80xi32, #tpu.memory_space<vmem>>
        %dma_start3A_168 = arith.constant 0 : i32
        %dma_start3A_169 = arith.constant 0 : i32
        %dma_start3A_170 = tpu.memref_slice %arg12[%dma_start3A_168, %dma_start3A_169] : memref<10240x128xf32, #tpu.memory_space<vmem_shared>> -> memref<10240x128xf32, #tpu.memory_space<vmem_shared>>
        tpu.enqueue_indirect_dma source(%arg8 : memref<80x128xf32, #tpu.memory_space<vmem>>) target(%dma_start3A_170 : memref<10240x128xf32, #tpu.memory_space<vmem_shared>>) offsets(%dma_start3A_167 : memref<80xi32, #tpu.memory_space<vmem>>) semaphore(%run_scoped3A : memref<!tpu.dma_semaphore, #tpu.memory_space<semaphore_mem>>) {add = true}
        %dma_wait3A_171 = arith.constant 0 : i32
        %dma_wait3A_172 = tpu.memref_slice %arg7[%add3A_124, %dma_wait3A_171] : memref<66x80xi32, #tpu.memory_space<vmem>> -> memref<1x80xi32, #tpu.memory_space<vmem>>
        %dma_wait3A_173 = tpu.memref_squeeze %dma_wait3A_172 : memref<1x80xi32, #tpu.memory_space<vmem>> -> memref<80xi32, #tpu.memory_space<vmem>>
        %dma_wait3A_174 = arith.constant 0 : i32
        %dma_wait3A_175 = arith.constant 0 : i32
        %dma_wait3A_176 = tpu.memref_slice %arg12[%dma_wait3A_174, %dma_wait3A_175] : memref<10240x128xf32, #tpu.memory_space<vmem_shared>> -> memref<10240x128xf32, #tpu.memory_space<vmem_shared>>
        tpu.wait_indirect_dma semaphore(%run_scoped3A : memref<!tpu.dma_semaphore, #tpu.memory_space<semaphore_mem>>) src(%arg8 : memref<80x128xf32, #tpu.memory_space<vmem>>) dst(%dma_wait3A_176 : memref<10240x128xf32, #tpu.memory_space<vmem_shared>>)
        tpu.yield
      }) : () -> ()
      %add3A_135 = arith.constant 1 : i32
      %add3A_136 = arith.addi %mul3A_122, %add3A_135 : i32
      %dma_wait3A_137 = arith.constant 0 : i32
      %dma_wait3A_138 = tpu.memref_slice %arg6[%add3A_136, %dma_wait3A_137] : memref<66x80xi32, #tpu.memory_space<vmem>> -> memref<1x80xi32, #tpu.memory_space<vmem>>
      %dma_wait3A_139 = tpu.memref_squeeze %dma_wait3A_138 : memref<1x80xi32, #tpu.memory_space<vmem>> -> memref<80xi32, #tpu.memory_space<vmem>>
      %dma_wait3A_140 = arith.constant 0 : i32
      %dma_wait3A_141 = arith.constant 0 : i32
      %dma_wait3A_142 = tpu.memref_slice %arg2[%dma_wait3A_140, %dma_wait3A_141] : memref<10000x128xf32, #tpu.memory_space<hbm>> -> memref<10000x128xf32, #tpu.memory_space<hbm>>
      tpu.wait_indirect_dma semaphore(%arg14 : memref<!tpu.dma_semaphore, #tpu.memory_space<semaphore_mem>>) src(%dma_wait3A_142 : memref<10000x128xf32, #tpu.memory_space<hbm>>) dst(%arg9 : memref<80x128xf32, #tpu.memory_space<vmem>>)
      %add3A_143 = arith.constant 2 : i32
      %add3A_144 = arith.addi %add3A_136, %add3A_143 : i32
      %lt3A_145 = arith.constant 66 : i32
      %lt3A_146 = arith.cmpi slt, %add3A_144, %lt3A_145 : i32
      %convert_element_type3A_147 = arith.extui %lt3A_146 : i1 to i32
      %cond3A_148 = arith.constant 0 : i32
      %cond3A_149 = arith.cmpi ne, %convert_element_type3A_147, %cond3A_148 : i32
      scf.if %cond3A_149 {
        %add3A_165 = arith.constant 2 : i32
        %add3A_166 = arith.addi %add3A_136, %add3A_165 : i32
        %dma_start3A_167 = arith.constant 0 : i32
        %dma_start3A_168 = tpu.memref_slice %arg6[%add3A_166, %dma_start3A_167] : memref<66x80xi32, #tpu.memory_space<vmem>> -> memref<1x80xi32, #tpu.memory_space<vmem>>
        %dma_start3A_169 = tpu.memref_squeeze %dma_start3A_168 : memref<1x80xi32, #tpu.memory_space<vmem>> -> memref<80xi32, #tpu.memory_space<vmem>>
        %dma_start3A_170 = arith.constant 0 : i32
        %dma_start3A_171 = arith.constant 0 : i32
        %dma_start3A_172 = tpu.memref_slice %arg2[%dma_start3A_170, %dma_start3A_171] : memref<10000x128xf32, #tpu.memory_space<hbm>> -> memref<10000x128xf32, #tpu.memory_space<hbm>>
        tpu.enqueue_indirect_dma source(%dma_start3A_172 : memref<10000x128xf32, #tpu.memory_space<hbm>>) target(%arg8 : memref<80x128xf32, #tpu.memory_space<vmem>>) offsets(%dma_start3A_169 : memref<80xi32, #tpu.memory_space<vmem>>) semaphore(%arg13 : memref<!tpu.dma_semaphore, #tpu.memory_space<semaphore_mem>>)
      } else {
      }
      "tpu.region"() ({
        %run_scoped3A = tpu.sem_alloc : memref<!tpu.dma_semaphore, #tpu.memory_space<semaphore_mem>>
        %dma_start3A_165 = arith.constant 0 : i32
        %dma_start3A_166 = tpu.memref_slice %arg7[%add3A_136, %dma_start3A_165] : memref<66x80xi32, #tpu.memory_space<vmem>> -> memref<1x80xi32, #tpu.memory_space<vmem>>
        %dma_start3A_167 = tpu.memref_squeeze %dma_start3A_166 : memref<1x80xi32, #tpu.memory_space<vmem>> -> memref<80xi32, #tpu.memory_space<vmem>>
        %dma_start3A_168 = arith.constant 0 : i32
        %dma_start3A_169 = arith.constant 0 : i32
        %dma_start3A_170 = tpu.memref_slice %arg12[%dma_start3A_168, %dma_start3A_169] : memref<10240x128xf32, #tpu.memory_space<vmem_shared>> -> memref<10240x128xf32, #tpu.memory_space<vmem_shared>>
        tpu.enqueue_indirect_dma source(%arg9 : memref<80x128xf32, #tpu.memory_space<vmem>>) target(%dma_start3A_170 : memref<10240x128xf32, #tpu.memory_space<vmem_shared>>) offsets(%dma_start3A_167 : memref<80xi32, #tpu.memory_space<vmem>>) semaphore(%run_scoped3A : memref<!tpu.dma_semaphore, #tpu.memory_space<semaphore_mem>>) {add = true}
        %dma_wait3A_171 = arith.constant 0 : i32
        %dma_wait3A_172 = tpu.memref_slice %arg7[%add3A_136, %dma_wait3A_171] : memref<66x80xi32, #tpu.memory_space<vmem>> -> memref<1x80xi32, #tpu.memory_space<vmem>>
        %dma_wait3A_173 = tpu.memref_squeeze %dma_wait3A_172 : memref<1x80xi32, #tpu.memory_space<vmem>> -> memref<80xi32, #tpu.memory_space<vmem>>
        %dma_wait3A_174 = arith.constant 0 : i32
        %dma_wait3A_175 = arith.constant 0 : i32
        %dma_wait3A_176 = tpu.memref_slice %arg12[%dma_wait3A_174, %dma_wait3A_175] : memref<10240x128xf32, #tpu.memory_space<vmem_shared>> -> memref<10240x128xf32, #tpu.memory_space<vmem_shared>>
        tpu.wait_indirect_dma semaphore(%run_scoped3A : memref<!tpu.dma_semaphore, #tpu.memory_space<semaphore_mem>>) src(%arg9 : memref<80x128xf32, #tpu.memory_space<vmem>>) dst(%dma_wait3A_176 : memref<10240x128xf32, #tpu.memory_space<vmem_shared>>)
        tpu.yield
      }) : () -> ()
      %add3A_150 = arith.constant 2 : i32
      %add3A_151 = arith.addi %mul3A_122, %add3A_150 : i32
      %dma_wait3A_152 = arith.constant 0 : i32
      %dma_wait3A_153 = tpu.memref_slice %arg6[%add3A_151, %dma_wait3A_152] : memref<66x80xi32, #tpu.memory_space<vmem>> -> memref<1x80xi32, #tpu.memory_space<vmem>>
      %dma_wait3A_154 = tpu.memref_squeeze %dma_wait3A_153 : memref<1x80xi32, #tpu.memory_space<vmem>> -> memref<80xi32, #tpu.memory_space<vmem>>
      %dma_wait3A_155 = arith.constant 0 : i32
      %dma_wait3A_156 = arith.constant 0 : i32
      %dma_wait3A_157 = tpu.memref_slice %arg2[%dma_wait3A_155, %dma_wait3A_156] : memref<10000x128xf32, #tpu.memory_space<hbm>> -> memref<10000x128xf32, #tpu.memory_space<hbm>>
      tpu.wait_indirect_dma semaphore(%arg15 : memref<!tpu.dma_semaphore, #tpu.memory_space<semaphore_mem>>) src(%dma_wait3A_157 : memref<10000x128xf32, #tpu.memory_space<hbm>>) dst(%arg10 : memref<80x128xf32, #tpu.memory_space<vmem>>)
      %add3A_158 = arith.constant 2 : i32
      %add3A_159 = arith.addi %add3A_151, %add3A_158 : i32
      %lt3A_160 = arith.constant 66 : i32
      %lt3A_161 = arith.cmpi slt, %add3A_159, %lt3A_160 : i32
      %convert_element_type3A_162 = arith.extui %lt3A_161 : i1 to i32
      %cond3A_163 = arith.constant 0 : i32
      %cond3A_164 = arith.cmpi ne, %convert_element_type3A_162, %cond3A_163 : i32
      scf.if %cond3A_164 {
        %add3A_165 = arith.constant 2 : i32
        %add3A_166 = arith.addi %add3A_151, %add3A_165 : i32
        %dma_start3A_167 = arith.constant 0 : i32
        %dma_start3A_168 = tpu.memref_slice %arg6[%add3A_166, %dma_start3A_167] : memref<66x80xi32, #tpu.memory_space<vmem>> -> memref<1x80xi32, #tpu.memory_space<vmem>>
        %dma_start3A_169 = tpu.memref_squeeze %dma_start3A_168 : memref<1x80xi32, #tpu.memory_space<vmem>> -> memref<80xi32, #tpu.memory_space<vmem>>
        %dma_start3A_170 = arith.constant 0 : i32
        %dma_start3A_171 = arith.constant 0 : i32
        %dma_start3A_172 = tpu.memref_slice %arg2[%dma_start3A_170, %dma_start3A_171] : memref<10000x128xf32, #tpu.memory_space<hbm>> -> memref<10000x128xf32, #tpu.memory_space<hbm>>
        tpu.enqueue_indirect_dma source(%dma_start3A_172 : memref<10000x128xf32, #tpu.memory_space<hbm>>) target(%arg9 : memref<80x128xf32, #tpu.memory_space<vmem>>) offsets(%dma_start3A_169 : memref<80xi32, #tpu.memory_space<vmem>>) semaphore(%arg14 : memref<!tpu.dma_semaphore, #tpu.memory_space<semaphore_mem>>)
      } else {
      }
      "tpu.region"() ({
        %run_scoped3A = tpu.sem_alloc : memref<!tpu.dma_semaphore, #tpu.memory_space<semaphore_mem>>
        %dma_start3A_165 = arith.constant 0 : i32
        %dma_start3A_166 = tpu.memref_slice %arg7[%add3A_151, %dma_start3A_165] : memref<66x80xi32, #tpu.memory_space<vmem>> -> memref<1x80xi32, #tpu.memory_space<vmem>>
        %dma_start3A_167 = tpu.memref_squeeze %dma_start3A_166 : memref<1x80xi32, #tpu.memory_space<vmem>> -> memref<80xi32, #tpu.memory_space<vmem>>
        %dma_start3A_168 = arith.constant 0 : i32
        %dma_start3A_169 = arith.constant 0 : i32
        %dma_start3A_170 = tpu.memref_slice %arg12[%dma_start3A_168, %dma_start3A_169] : memref<10240x128xf32, #tpu.memory_space<vmem_shared>> -> memref<10240x128xf32, #tpu.memory_space<vmem_shared>>
        tpu.enqueue_indirect_dma source(%arg10 : memref<80x128xf32, #tpu.memory_space<vmem>>) target(%dma_start3A_170 : memref<10240x128xf32, #tpu.memory_space<vmem_shared>>) offsets(%dma_start3A_167 : memref<80xi32, #tpu.memory_space<vmem>>) semaphore(%run_scoped3A : memref<!tpu.dma_semaphore, #tpu.memory_space<semaphore_mem>>) {add = true}
        %dma_wait3A_171 = arith.constant 0 : i32
        %dma_wait3A_172 = tpu.memref_slice %arg7[%add3A_151, %dma_wait3A_171] : memref<66x80xi32, #tpu.memory_space<vmem>> -> memref<1x80xi32, #tpu.memory_space<vmem>>
        %dma_wait3A_173 = tpu.memref_squeeze %dma_wait3A_172 : memref<1x80xi32, #tpu.memory_space<vmem>> -> memref<80xi32, #tpu.memory_space<vmem>>
        %dma_wait3A_174 = arith.constant 0 : i32
        %dma_wait3A_175 = arith.constant 0 : i32
        %dma_wait3A_176 = tpu.memref_slice %arg12[%dma_wait3A_174, %dma_wait3A_175] : memref<10240x128xf32, #tpu.memory_space<vmem_shared>> -> memref<10240x128xf32, #tpu.memory_space<vmem_shared>>
        tpu.wait_indirect_dma semaphore(%run_scoped3A : memref<!tpu.dma_semaphore, #tpu.memory_space<semaphore_mem>>) src(%arg10 : memref<80x128xf32, #tpu.memory_space<vmem>>) dst(%dma_wait3A_176 : memref<10240x128xf32, #tpu.memory_space<vmem_shared>>)
        tpu.yield
      }) : () -> ()
    }
    %scan3A_63 = arith.constant 22 : i32
    %dma_start3A_64 = arith.constant 66 : i32
    %dma_start3A_65 = arith.constant 0 : i32
    %dma_start3A_66 = tpu.memref_slice %arg3[%add3A, %dma_start3A_64, %dma_start3A_65] : memref<32x132x80xi32, #tpu.memory_space<hbm>> -> memref<1x66x80xi32, #tpu.memory_space<hbm>>
    %dma_start3A_67 = tpu.memref_squeeze %dma_start3A_66 : memref<1x66x80xi32, #tpu.memory_space<hbm>> -> memref<66x80xi32, #tpu.memory_space<hbm>>
    %dma_start3A_68 = arith.constant 66 : i32
    %dma_start3A_69 = arith.constant 0 : i32
    %dma_start3A_70 = tpu.memref_slice %arg3[%add3A, %dma_start3A_68, %dma_start3A_69] : memref<32x132x80xi32, #tpu.memory_space<hbm>> -> memref<1x66x80xi32, #tpu.memory_space<hbm>>
    %dma_start3A_71 = tpu.memref_squeeze %dma_start3A_70 : memref<1x66x80xi32, #tpu.memory_space<hbm>> -> memref<66x80xi32, #tpu.memory_space<hbm>>
    tpu.enqueue_dma source(%dma_start3A_71 : memref<66x80xi32, #tpu.memory_space<hbm>>) target(%arg6 : memref<66x80xi32, #tpu.memory_space<vmem>>) target_semaphore(%arg16 : memref<!tpu.dma_semaphore, #tpu.memory_space<semaphore_mem>>)
    %dma_start3A_72 = arith.constant 66 : i32
    %dma_start3A_73 = arith.constant 0 : i32
    %dma_start3A_74 = tpu.memref_slice %arg4[%add3A, %dma_start3A_72, %dma_start3A_73] : memref<32x132x80xi32, #tpu.memory_space<hbm>> -> memref<1x66x80xi32, #tpu.memory_space<hbm>>
    %dma_start3A_75 = tpu.memref_squeeze %dma_start3A_74 : memref<1x66x80xi32, #tpu.memory_space<hbm>> -> memref<66x80xi32, #tpu.memory_space<hbm>>
    %dma_start3A_76 = arith.constant 66 : i32
    %dma_start3A_77 = arith.constant 0 : i32
    %dma_start3A_78 = tpu.memref_slice %arg4[%add3A, %dma_start3A_76, %dma_start3A_77] : memref<32x132x80xi32, #tpu.memory_space<hbm>> -> memref<1x66x80xi32, #tpu.memory_space<hbm>>
    %dma_start3A_79 = tpu.memref_squeeze %dma_start3A_78 : memref<1x66x80xi32, #tpu.memory_space<hbm>> -> memref<66x80xi32, #tpu.memory_space<hbm>>
    tpu.enqueue_dma source(%dma_start3A_79 : memref<66x80xi32, #tpu.memory_space<hbm>>) target(%arg7 : memref<66x80xi32, #tpu.memory_space<vmem>>) target_semaphore(%arg16 : memref<!tpu.dma_semaphore, #tpu.memory_space<semaphore_mem>>)
    %dma_wait3A_80 = arith.constant 0 : i32
    %dma_wait3A_81 = arith.constant 0 : i32
    %dma_wait3A_82 = tpu.memref_slice %arg3[%add3A, %dma_wait3A_80, %dma_wait3A_81] : memref<32x132x80xi32, #tpu.memory_space<hbm>> -> memref<1x66x80xi32, #tpu.memory_space<hbm>>
    %dma_wait3A_83 = tpu.memref_squeeze %dma_wait3A_82 : memref<1x66x80xi32, #tpu.memory_space<hbm>> -> memref<66x80xi32, #tpu.memory_space<hbm>>
    %dma_wait3A_84 = arith.constant 0 : i32
    %dma_wait3A_85 = arith.constant 0 : i32
    %dma_wait3A_86 = tpu.memref_slice %arg3[%add3A, %dma_wait3A_84, %dma_wait3A_85] : memref<32x132x80xi32, #tpu.memory_space<hbm>> -> memref<1x66x80xi32, #tpu.memory_space<hbm>>
    %dma_wait3A_87 = tpu.memref_squeeze %dma_wait3A_86 : memref<1x66x80xi32, #tpu.memory_space<hbm>> -> memref<66x80xi32, #tpu.memory_space<hbm>>
    tpu.wait_dma2 semaphore(%arg16 : memref<!tpu.dma_semaphore, #tpu.memory_space<semaphore_mem>>) src(%dma_wait3A_87 : memref<66x80xi32, #tpu.memory_space<hbm>>) dst(%arg6 : memref<66x80xi32, #tpu.memory_space<vmem>>)
    %dma_wait3A_88 = arith.constant 0 : i32
    %dma_wait3A_89 = arith.constant 0 : i32
    %dma_wait3A_90 = tpu.memref_slice %arg4[%add3A, %dma_wait3A_88, %dma_wait3A_89] : memref<32x132x80xi32, #tpu.memory_space<hbm>> -> memref<1x66x80xi32, #tpu.memory_space<hbm>>
    %dma_wait3A_91 = tpu.memref_squeeze %dma_wait3A_90 : memref<1x66x80xi32, #tpu.memory_space<hbm>> -> memref<66x80xi32, #tpu.memory_space<hbm>>
    %dma_wait3A_92 = arith.constant 0 : i32
    %dma_wait3A_93 = arith.constant 0 : i32
    %dma_wait3A_94 = tpu.memref_slice %arg4[%add3A, %dma_wait3A_92, %dma_wait3A_93] : memref<32x132x80xi32, #tpu.memory_space<hbm>> -> memref<1x66x80xi32, #tpu.memory_space<hbm>>
    %dma_wait3A_95 = tpu.memref_squeeze %dma_wait3A_94 : memref<1x66x80xi32, #tpu.memory_space<hbm>> -> memref<66x80xi32, #tpu.memory_space<hbm>>
    tpu.wait_dma2 semaphore(%arg16 : memref<!tpu.dma_semaphore, #tpu.memory_space<semaphore_mem>>) src(%dma_wait3A_95 : memref<66x80xi32, #tpu.memory_space<hbm>>) dst(%arg7 : memref<66x80xi32, #tpu.memory_space<vmem>>)
    %dma_start3A_96 = arith.constant 0 : i32
    %dma_start3A_97 = arith.constant 0 : i32
    %dma_start3A_98 = tpu.memref_slice %arg6[%dma_start3A_96, %dma_start3A_97] : memref<66x80xi32, #tpu.memory_space<vmem>> -> memref<1x80xi32, #tpu.memory_space<vmem>>
    %dma_start3A_99 = tpu.memref_squeeze %dma_start3A_98 : memref<1x80xi32, #tpu.memory_space<vmem>> -> memref<80xi32, #tpu.memory_space<vmem>>
    %dma_start3A_100 = arith.constant 0 : i32
    %dma_start3A_101 = arith.constant 0 : i32
    %dma_start3A_102 = tpu.memref_slice %arg2[%dma_start3A_100, %dma_start3A_101] : memref<10000x128xf32, #tpu.memory_space<hbm>> -> memref<10000x128xf32, #tpu.memory_space<hbm>>
    tpu.enqueue_indirect_dma source(%dma_start3A_102 : memref<10000x128xf32, #tpu.memory_space<hbm>>) target(%arg8 : memref<80x128xf32, #tpu.memory_space<vmem>>) offsets(%dma_start3A_99 : memref<80xi32, #tpu.memory_space<vmem>>) semaphore(%arg13 : memref<!tpu.dma_semaphore, #tpu.memory_space<semaphore_mem>>)
    %dma_start3A_103 = arith.constant 1 : i32
    %dma_start3A_104 = arith.constant 0 : i32
    %dma_start3A_105 = tpu.memref_slice %arg6[%dma_start3A_103, %dma_start3A_104] : memref<66x80xi32, #tpu.memory_space<vmem>> -> memref<1x80xi32, #tpu.memory_space<vmem>>
    %dma_start3A_106 = tpu.memref_squeeze %dma_start3A_105 : memref<1x80xi32, #tpu.memory_space<vmem>> -> memref<80xi32, #tpu.memory_space<vmem>>
    %dma_start3A_107 = arith.constant 0 : i32
    %dma_start3A_108 = arith.constant 0 : i32
    %dma_start3A_109 = tpu.memref_slice %arg2[%dma_start3A_107, %dma_start3A_108] : memref<10000x128xf32, #tpu.memory_space<hbm>> -> memref<10000x128xf32, #tpu.memory_space<hbm>>
    tpu.enqueue_indirect_dma source(%dma_start3A_109 : memref<10000x128xf32, #tpu.memory_space<hbm>>) target(%arg9 : memref<80x128xf32, #tpu.memory_space<vmem>>) offsets(%dma_start3A_106 : memref<80xi32, #tpu.memory_space<vmem>>) semaphore(%arg14 : memref<!tpu.dma_semaphore, #tpu.memory_space<semaphore_mem>>)
    %scan3A_110 = arith.constant 0 : i32
    %scan3A_111 = arith.constant 0 : i32
    %scan3A_112 = arith.constant 22 : i32
    %scan3A_113 = arith.addi %scan3A_111, %scan3A_112 : i32
    %scan3A_114 = arith.constant 1 : i32
    scf.for %scan3A_120 = %scan3A_111 to %scan3A_113 step %scan3A_114  : i32 {
      %mul3A_121 = arith.constant 3 : i32
      %mul3A_122 = arith.muli %mul3A_121, %scan3A_120 : i32
      %add3A_123 = arith.constant 0 : i32
      %add3A_124 = arith.addi %mul3A_122, %add3A_123 : i32
      %dma_wait3A_125 = arith.constant 0 : i32
      %dma_wait3A_126 = tpu.memref_slice %arg6[%add3A_124, %dma_wait3A_125] : memref<66x80xi32, #tpu.memory_space<vmem>> -> memref<1x80xi32, #tpu.memory_space<vmem>>
      %dma_wait3A_127 = tpu.memref_squeeze %dma_wait3A_126 : memref<1x80xi32, #tpu.memory_space<vmem>> -> memref<80xi32, #tpu.memory_space<vmem>>
      %dma_wait3A_128 = arith.constant 0 : i32
      %dma_wait3A_129 = arith.constant 0 : i32
      %dma_wait3A_130 = tpu.memref_slice %arg2[%dma_wait3A_128, %dma_wait3A_129] : memref<10000x128xf32, #tpu.memory_space<hbm>> -> memref<10000x128xf32, #tpu.memory_space<hbm>>
      tpu.wait_indirect_dma semaphore(%arg13 : memref<!tpu.dma_semaphore, #tpu.memory_space<semaphore_mem>>) src(%dma_wait3A_130 : memref<10000x128xf32, #tpu.memory_space<hbm>>) dst(%arg8 : memref<80x128xf32, #tpu.memory_space<vmem>>)
      %add3A_131 = arith.constant 2 : i32
      %add3A_132 = arith.addi %add3A_124, %add3A_131 : i32
      %lt3A = arith.constant 66 : i32
      %lt3A_133 = arith.cmpi slt, %add3A_132, %lt3A : i32
      %convert_element_type3A = arith.extui %lt3A_133 : i1 to i32
      %cond3A = arith.constant 0 : i32
      %cond3A_134 = arith.cmpi ne, %convert_element_type3A, %cond3A : i32
      scf.if %cond3A_134 {
        %add3A_165 = arith.constant 2 : i32
        %add3A_166 = arith.addi %add3A_124, %add3A_165 : i32
        %dma_start3A_167 = arith.constant 0 : i32
        %dma_start3A_168 = tpu.memref_slice %arg6[%add3A_166, %dma_start3A_167] : memref<66x80xi32, #tpu.memory_space<vmem>> -> memref<1x80xi32, #tpu.memory_space<vmem>>
        %dma_start3A_169 = tpu.memref_squeeze %dma_start3A_168 : memref<1x80xi32, #tpu.memory_space<vmem>> -> memref<80xi32, #tpu.memory_space<vmem>>
        %dma_start3A_170 = arith.constant 0 : i32
        %dma_start3A_171 = arith.constant 0 : i32
        %dma_start3A_172 = tpu.memref_slice %arg2[%dma_start3A_170, %dma_start3A_171] : memref<10000x128xf32, #tpu.memory_space<hbm>> -> memref<10000x128xf32, #tpu.memory_space<hbm>>
        tpu.enqueue_indirect_dma source(%dma_start3A_172 : memref<10000x128xf32, #tpu.memory_space<hbm>>) target(%arg10 : memref<80x128xf32, #tpu.memory_space<vmem>>) offsets(%dma_start3A_169 : memref<80xi32, #tpu.memory_space<vmem>>) semaphore(%arg15 : memref<!tpu.dma_semaphore, #tpu.memory_space<semaphore_mem>>)
      } else {
      }
      "tpu.region"() ({
        %run_scoped3A = tpu.sem_alloc : memref<!tpu.dma_semaphore, #tpu.memory_space<semaphore_mem>>
        %dma_start3A_165 = arith.constant 0 : i32
        %dma_start3A_166 = tpu.memref_slice %arg7[%add3A_124, %dma_start3A_165] : memref<66x80xi32, #tpu.memory_space<vmem>> -> memref<1x80xi32, #tpu.memory_space<vmem>>
        %dma_start3A_167 = tpu.memref_squeeze %dma_start3A_166 : memref<1x80xi32, #tpu.memory_space<vmem>> -> memref<80xi32, #tpu.memory_space<vmem>>
        %dma_start3A_168 = arith.constant 0 : i32
        %dma_start3A_169 = arith.constant 0 : i32
        %dma_start3A_170 = tpu.memref_slice %arg12[%dma_start3A_168, %dma_start3A_169] : memref<10240x128xf32, #tpu.memory_space<vmem_shared>> -> memref<10240x128xf32, #tpu.memory_space<vmem_shared>>
        tpu.enqueue_indirect_dma source(%arg8 : memref<80x128xf32, #tpu.memory_space<vmem>>) target(%dma_start3A_170 : memref<10240x128xf32, #tpu.memory_space<vmem_shared>>) offsets(%dma_start3A_167 : memref<80xi32, #tpu.memory_space<vmem>>) semaphore(%run_scoped3A : memref<!tpu.dma_semaphore, #tpu.memory_space<semaphore_mem>>) {add = true}
        %dma_wait3A_171 = arith.constant 0 : i32
        %dma_wait3A_172 = tpu.memref_slice %arg7[%add3A_124, %dma_wait3A_171] : memref<66x80xi32, #tpu.memory_space<vmem>> -> memref<1x80xi32, #tpu.memory_space<vmem>>
        %dma_wait3A_173 = tpu.memref_squeeze %dma_wait3A_172 : memref<1x80xi32, #tpu.memory_space<vmem>> -> memref<80xi32, #tpu.memory_space<vmem>>
        %dma_wait3A_174 = arith.constant 0 : i32
        %dma_wait3A_175 = arith.constant 0 : i32
        %dma_wait3A_176 = tpu.memref_slice %arg12[%dma_wait3A_174, %dma_wait3A_175] : memref<10240x128xf32, #tpu.memory_space<vmem_shared>> -> memref<10240x128xf32, #tpu.memory_space<vmem_shared>>
        tpu.wait_indirect_dma semaphore(%run_scoped3A : memref<!tpu.dma_semaphore, #tpu.memory_space<semaphore_mem>>) src(%arg8 : memref<80x128xf32, #tpu.memory_space<vmem>>) dst(%dma_wait3A_176 : memref<10240x128xf32, #tpu.memory_space<vmem_shared>>)
        tpu.yield
      }) : () -> ()
      %add3A_135 = arith.constant 1 : i32
      %add3A_136 = arith.addi %mul3A_122, %add3A_135 : i32
      %dma_wait3A_137 = arith.constant 0 : i32
      %dma_wait3A_138 = tpu.memref_slice %arg6[%add3A_136, %dma_wait3A_137] : memref<66x80xi32, #tpu.memory_space<vmem>> -> memref<1x80xi32, #tpu.memory_space<vmem>>
      %dma_wait3A_139 = tpu.memref_squeeze %dma_wait3A_138 : memref<1x80xi32, #tpu.memory_space<vmem>> -> memref<80xi32, #tpu.memory_space<vmem>>
      %dma_wait3A_140 = arith.constant 0 : i32
      %dma_wait3A_141 = arith.constant 0 : i32
      %dma_wait3A_142 = tpu.memref_slice %arg2[%dma_wait3A_140, %dma_wait3A_141] : memref<10000x128xf32, #tpu.memory_space<hbm>> -> memref<10000x128xf32, #tpu.memory_space<hbm>>
      tpu.wait_indirect_dma semaphore(%arg14 : memref<!tpu.dma_semaphore, #tpu.memory_space<semaphore_mem>>) src(%dma_wait3A_142 : memref<10000x128xf32, #tpu.memory_space<hbm>>) dst(%arg9 : memref<80x128xf32, #tpu.memory_space<vmem>>)
      %add3A_143 = arith.constant 2 : i32
      %add3A_144 = arith.addi %add3A_136, %add3A_143 : i32
      %lt3A_145 = arith.constant 66 : i32
      %lt3A_146 = arith.cmpi slt, %add3A_144, %lt3A_145 : i32
      %convert_element_type3A_147 = arith.extui %lt3A_146 : i1 to i32
      %cond3A_148 = arith.constant 0 : i32
      %cond3A_149 = arith.cmpi ne, %convert_element_type3A_147, %cond3A_148 : i32
      scf.if %cond3A_149 {
        %add3A_165 = arith.constant 2 : i32
        %add3A_166 = arith.addi %add3A_136, %add3A_165 : i32
        %dma_start3A_167 = arith.constant 0 : i32
        %dma_start3A_168 = tpu.memref_slice %arg6[%add3A_166, %dma_start3A_167] : memref<66x80xi32, #tpu.memory_space<vmem>> -> memref<1x80xi32, #tpu.memory_space<vmem>>
        %dma_start3A_169 = tpu.memref_squeeze %dma_start3A_168 : memref<1x80xi32, #tpu.memory_space<vmem>> -> memref<80xi32, #tpu.memory_space<vmem>>
        %dma_start3A_170 = arith.constant 0 : i32
        %dma_start3A_171 = arith.constant 0 : i32
        %dma_start3A_172 = tpu.memref_slice %arg2[%dma_start3A_170, %dma_start3A_171] : memref<10000x128xf32, #tpu.memory_space<hbm>> -> memref<10000x128xf32, #tpu.memory_space<hbm>>
        tpu.enqueue_indirect_dma source(%dma_start3A_172 : memref<10000x128xf32, #tpu.memory_space<hbm>>) target(%arg8 : memref<80x128xf32, #tpu.memory_space<vmem>>) offsets(%dma_start3A_169 : memref<80xi32, #tpu.memory_space<vmem>>) semaphore(%arg13 : memref<!tpu.dma_semaphore, #tpu.memory_space<semaphore_mem>>)
      } else {
      }
      "tpu.region"() ({
        %run_scoped3A = tpu.sem_alloc : memref<!tpu.dma_semaphore, #tpu.memory_space<semaphore_mem>>
        %dma_start3A_165 = arith.constant 0 : i32
        %dma_start3A_166 = tpu.memref_slice %arg7[%add3A_136, %dma_start3A_165] : memref<66x80xi32, #tpu.memory_space<vmem>> -> memref<1x80xi32, #tpu.memory_space<vmem>>
        %dma_start3A_167 = tpu.memref_squeeze %dma_start3A_166 : memref<1x80xi32, #tpu.memory_space<vmem>> -> memref<80xi32, #tpu.memory_space<vmem>>
        %dma_start3A_168 = arith.constant 0 : i32
        %dma_start3A_169 = arith.constant 0 : i32
        %dma_start3A_170 = tpu.memref_slice %arg12[%dma_start3A_168, %dma_start3A_169] : memref<10240x128xf32, #tpu.memory_space<vmem_shared>> -> memref<10240x128xf32, #tpu.memory_space<vmem_shared>>
        tpu.enqueue_indirect_dma source(%arg9 : memref<80x128xf32, #tpu.memory_space<vmem>>) target(%dma_start3A_170 : memref<10240x128xf32, #tpu.memory_space<vmem_shared>>) offsets(%dma_start3A_167 : memref<80xi32, #tpu.memory_space<vmem>>) semaphore(%run_scoped3A : memref<!tpu.dma_semaphore, #tpu.memory_space<semaphore_mem>>) {add = true}
        %dma_wait3A_171 = arith.constant 0 : i32
        %dma_wait3A_172 = tpu.memref_slice %arg7[%add3A_136, %dma_wait3A_171] : memref<66x80xi32, #tpu.memory_space<vmem>> -> memref<1x80xi32, #tpu.memory_space<vmem>>
        %dma_wait3A_173 = tpu.memref_squeeze %dma_wait3A_172 : memref<1x80xi32, #tpu.memory_space<vmem>> -> memref<80xi32, #tpu.memory_space<vmem>>
        %dma_wait3A_174 = arith.constant 0 : i32
        %dma_wait3A_175 = arith.constant 0 : i32
        %dma_wait3A_176 = tpu.memref_slice %arg12[%dma_wait3A_174, %dma_wait3A_175] : memref<10240x128xf32, #tpu.memory_space<vmem_shared>> -> memref<10240x128xf32, #tpu.memory_space<vmem_shared>>
        tpu.wait_indirect_dma semaphore(%run_scoped3A : memref<!tpu.dma_semaphore, #tpu.memory_space<semaphore_mem>>) src(%arg9 : memref<80x128xf32, #tpu.memory_space<vmem>>) dst(%dma_wait3A_176 : memref<10240x128xf32, #tpu.memory_space<vmem_shared>>)
        tpu.yield
      }) : () -> ()
      %add3A_150 = arith.constant 2 : i32
      %add3A_151 = arith.addi %mul3A_122, %add3A_150 : i32
      %dma_wait3A_152 = arith.constant 0 : i32
      %dma_wait3A_153 = tpu.memref_slice %arg6[%add3A_151, %dma_wait3A_152] : memref<66x80xi32, #tpu.memory_space<vmem>> -> memref<1x80xi32, #tpu.memory_space<vmem>>
      %dma_wait3A_154 = tpu.memref_squeeze %dma_wait3A_153 : memref<1x80xi32, #tpu.memory_space<vmem>> -> memref<80xi32, #tpu.memory_space<vmem>>
      %dma_wait3A_155 = arith.constant 0 : i32
      %dma_wait3A_156 = arith.constant 0 : i32
      %dma_wait3A_157 = tpu.memref_slice %arg2[%dma_wait3A_155, %dma_wait3A_156] : memref<10000x128xf32, #tpu.memory_space<hbm>> -> memref<10000x128xf32, #tpu.memory_space<hbm>>
      tpu.wait_indirect_dma semaphore(%arg15 : memref<!tpu.dma_semaphore, #tpu.memory_space<semaphore_mem>>) src(%dma_wait3A_157 : memref<10000x128xf32, #tpu.memory_space<hbm>>) dst(%arg10 : memref<80x128xf32, #tpu.memory_space<vmem>>)
      %add3A_158 = arith.constant 2 : i32
      %add3A_159 = arith.addi %add3A_151, %add3A_158 : i32
      %lt3A_160 = arith.constant 66 : i32
      %lt3A_161 = arith.cmpi slt, %add3A_159, %lt3A_160 : i32
      %convert_element_type3A_162 = arith.extui %lt3A_161 : i1 to i32
      %cond3A_163 = arith.constant 0 : i32
      %cond3A_164 = arith.cmpi ne, %convert_element_type3A_162, %cond3A_163 : i32
      scf.if %cond3A_164 {
        %add3A_165 = arith.constant 2 : i32
        %add3A_166 = arith.addi %add3A_151, %add3A_165 : i32
        %dma_start3A_167 = arith.constant 0 : i32
        %dma_start3A_168 = tpu.memref_slice %arg6[%add3A_166, %dma_start3A_167] : memref<66x80xi32, #tpu.memory_space<vmem>> -> memref<1x80xi32, #tpu.memory_space<vmem>>
        %dma_start3A_169 = tpu.memref_squeeze %dma_start3A_168 : memref<1x80xi32, #tpu.memory_space<vmem>> -> memref<80xi32, #tpu.memory_space<vmem>>
        %dma_start3A_170 = arith.constant 0 : i32
        %dma_start3A_171 = arith.constant 0 : i32
        %dma_start3A_172 = tpu.memref_slice %arg2[%dma_start3A_170, %dma_start3A_171] : memref<10000x128xf32, #tpu.memory_space<hbm>> -> memref<10000x128xf32, #tpu.memory_space<hbm>>
        tpu.enqueue_indirect_dma source(%dma_start3A_172 : memref<10000x128xf32, #tpu.memory_space<hbm>>) target(%arg9 : memref<80x128xf32, #tpu.memory_space<vmem>>) offsets(%dma_start3A_169 : memref<80xi32, #tpu.memory_space<vmem>>) semaphore(%arg14 : memref<!tpu.dma_semaphore, #tpu.memory_space<semaphore_mem>>)
      } else {
      }
      "tpu.region"() ({
        %run_scoped3A = tpu.sem_alloc : memref<!tpu.dma_semaphore, #tpu.memory_space<semaphore_mem>>
        %dma_start3A_165 = arith.constant 0 : i32
        %dma_start3A_166 = tpu.memref_slice %arg7[%add3A_151, %dma_start3A_165] : memref<66x80xi32, #tpu.memory_space<vmem>> -> memref<1x80xi32, #tpu.memory_space<vmem>>
        %dma_start3A_167 = tpu.memref_squeeze %dma_start3A_166 : memref<1x80xi32, #tpu.memory_space<vmem>> -> memref<80xi32, #tpu.memory_space<vmem>>
        %dma_start3A_168 = arith.constant 0 : i32
        %dma_start3A_169 = arith.constant 0 : i32
        %dma_start3A_170 = tpu.memref_slice %arg12[%dma_start3A_168, %dma_start3A_169] : memref<10240x128xf32, #tpu.memory_space<vmem_shared>> -> memref<10240x128xf32, #tpu.memory_space<vmem_shared>>
        tpu.enqueue_indirect_dma source(%arg10 : memref<80x128xf32, #tpu.memory_space<vmem>>) target(%dma_start3A_170 : memref<10240x128xf32, #tpu.memory_space<vmem_shared>>) offsets(%dma_start3A_167 : memref<80xi32, #tpu.memory_space<vmem>>) semaphore(%run_scoped3A : memref<!tpu.dma_semaphore, #tpu.memory_space<semaphore_mem>>) {add = true}
        %dma_wait3A_171 = arith.constant 0 : i32
        %dma_wait3A_172 = tpu.memref_slice %arg7[%add3A_151, %dma_wait3A_171] : memref<66x80xi32, #tpu.memory_space<vmem>> -> memref<1x80xi32, #tpu.memory_space<vmem>>
        %dma_wait3A_173 = tpu.memref_squeeze %dma_wait3A_172 : memref<1x80xi32, #tpu.memory_space<vmem>> -> memref<80xi32, #tpu.memory_space<vmem>>
        %dma_wait3A_174 = arith.constant 0 : i32
        %dma_wait3A_175 = arith.constant 0 : i32
        %dma_wait3A_176 = tpu.memref_slice %arg12[%dma_wait3A_174, %dma_wait3A_175] : memref<10240x128xf32, #tpu.memory_space<vmem_shared>> -> memref<10240x128xf32, #tpu.memory_space<vmem_shared>>
        tpu.wait_indirect_dma semaphore(%run_scoped3A : memref<!tpu.dma_semaphore, #tpu.memory_space<semaphore_mem>>) src(%arg10 : memref<80x128xf32, #tpu.memory_space<vmem>>) dst(%dma_wait3A_176 : memref<10240x128xf32, #tpu.memory_space<vmem_shared>>)
        tpu.yield
      }) : () -> ()
    }
    %scan3A_115 = arith.constant 22 : i32
    %barrier3A_116 = arith.constant 0 : index
    tpu.barrier barrier_id(%barrier3A_116)
    %mul3A_117 = arith.constant 10240 : i32
    %mul3A_118 = arith.muli %arg0, %mul3A_117 : i32
    %add3A_119 = arith.addi %mul3A_118, %mul3A_22 : i32
    "tpu.region"() ({
      %run_scoped3A = tpu.sem_alloc : memref<!tpu.dma_semaphore, #tpu.memory_space<semaphore_mem>>
      %dma_start3A_120 = arith.constant 0 : i32
      %dma_start3A_121 = tpu.memref_slice %arg5[%add3A_119, %dma_start3A_120] : memref<20480x128xf32, #tpu.memory_space<hbm>> -> memref<640x128xf32, #tpu.memory_space<hbm>>
      %dma_start3A_122 = arith.constant 0 : i32
      %dma_start3A_123 = tpu.memref_slice %arg12[%mul3A_22, %dma_start3A_122] : memref<10240x128xf32, #tpu.memory_space<vmem_shared>> -> memref<640x128xf32, #tpu.memory_space<vmem_shared>>
      tpu.enqueue_dma source(%dma_start3A_123 : memref<640x128xf32, #tpu.memory_space<vmem_shared>>) target(%dma_start3A_121 : memref<640x128xf32, #tpu.memory_space<hbm>>) target_semaphore(%run_scoped3A : memref<!tpu.dma_semaphore, #tpu.memory_space<semaphore_mem>>)
      %dma_wait3A_124 = arith.constant 0 : i32
      %dma_wait3A_125 = tpu.memref_slice %arg5[%add3A_119, %dma_wait3A_124] : memref<20480x128xf32, #tpu.memory_space<hbm>> -> memref<640x128xf32, #tpu.memory_space<hbm>>
      %dma_wait3A_126 = arith.constant 0 : i32
      %dma_wait3A_127 = tpu.memref_slice %arg12[%mul3A_22, %dma_wait3A_126] : memref<10240x128xf32, #tpu.memory_space<vmem_shared>> -> memref<640x128xf32, #tpu.memory_space<vmem_shared>>
      tpu.wait_dma2 semaphore(%run_scoped3A : memref<!tpu.dma_semaphore, #tpu.memory_space<semaphore_mem>>) src(%dma_wait3A_127 : memref<640x128xf32, #tpu.memory_space<vmem_shared>>) dst(%dma_wait3A_125 : memref<640x128xf32, #tpu.memory_space<hbm>>)
      tpu.yield
    }) : () -> ()
    return
  }
}

#map = affine_map<(d0, d1) -> (0, 0)>
#map1 = affine_map<(d0, d1) -> (0, 0, 0)>
module attributes {stable_mosaic.version = 14 : i64} {
  func.func @segsum(%arg0: i32, %arg1: i32, %arg2: memref<10000x32xf32, #tpu.memory_space<hbm>>, %arg3: memref<32x88x120xi32, #tpu.memory_space<hbm>>, %arg4: memref<32x88x120xi32, #tpu.memory_space<hbm>>, %arg5: memref<20480x32xf32, #tpu.memory_space<hbm>>, %arg6: memref<88x120xi32, #tpu.memory_space<vmem>>, %arg7: memref<88x120xi32, #tpu.memory_space<vmem>>, %arg8: memref<120x32xf32, #tpu.memory_space<vmem>>, %arg9: memref<120x32xf32, #tpu.memory_space<vmem>>, %arg10: memref<120x32xf32, #tpu.memory_space<vmem>>, %arg11: memref<16x32xf32, #tpu.memory_space<vmem>>, %arg12: memref<10240x32xf32, #tpu.memory_space<vmem_shared>>, %arg13: memref<!tpu.dma_semaphore, #tpu.memory_space<semaphore_mem>>, %arg14: memref<!tpu.dma_semaphore, #tpu.memory_space<semaphore_mem>>, %arg15: memref<!tpu.dma_semaphore, #tpu.memory_space<semaphore_mem>>, %arg16: memref<!tpu.dma_semaphore, #tpu.memory_space<semaphore_mem>>) attributes {dimension_semantics = [#tpu.dimension_semantics<core_parallel>, #tpu.dimension_semantics<subcore_parallel>], iteration_bounds = array<i64: 2, 16>, scalar_prefetch = 0 : i64, scratch_operands = 11 : i64, tpu.core_type = #tpu.core_type<sc_vector_subcore>, window_params = [{transform_indices = #map}, {transform_indices = #map1}, {transform_indices = #map1}, {transform_indices = #map}]} {
    %mul3A = arith.constant 16 : i32
    %mul3A_0 = arith.muli %arg0, %mul3A : i32
    %add3A = arith.addi %mul3A_0, %arg1 : i32
    %dma_start3A = arith.constant 0 : i32
    %dma_start3A_1 = arith.constant 0 : i32
    %dma_start3A_2 = tpu.memref_slice %arg3[%add3A, %dma_start3A, %dma_start3A_1] : memref<32x88x120xi32, #tpu.memory_space<hbm>> -> memref<1x88x120xi32, #tpu.memory_space<hbm>>
    %dma_start3A_3 = tpu.memref_squeeze %dma_start3A_2 : memref<1x88x120xi32, #tpu.memory_space<hbm>> -> memref<88x120xi32, #tpu.memory_space<hbm>>
    %dma_start3A_4 = arith.constant 0 : i32
    %dma_start3A_5 = arith.constant 0 : i32
    %dma_start3A_6 = tpu.memref_slice %arg3[%add3A, %dma_start3A_4, %dma_start3A_5] : memref<32x88x120xi32, #tpu.memory_space<hbm>> -> memref<1x88x120xi32, #tpu.memory_space<hbm>>
    %dma_start3A_7 = tpu.memref_squeeze %dma_start3A_6 : memref<1x88x120xi32, #tpu.memory_space<hbm>> -> memref<88x120xi32, #tpu.memory_space<hbm>>
    tpu.enqueue_dma source(%dma_start3A_7 : memref<88x120xi32, #tpu.memory_space<hbm>>) target(%arg6 : memref<88x120xi32, #tpu.memory_space<vmem>>) target_semaphore(%arg16 : memref<!tpu.dma_semaphore, #tpu.memory_space<semaphore_mem>>)
    %dma_start3A_8 = arith.constant 0 : i32
    %dma_start3A_9 = arith.constant 0 : i32
    %dma_start3A_10 = tpu.memref_slice %arg4[%add3A, %dma_start3A_8, %dma_start3A_9] : memref<32x88x120xi32, #tpu.memory_space<hbm>> -> memref<1x88x120xi32, #tpu.memory_space<hbm>>
    %dma_start3A_11 = tpu.memref_squeeze %dma_start3A_10 : memref<1x88x120xi32, #tpu.memory_space<hbm>> -> memref<88x120xi32, #tpu.memory_space<hbm>>
    %dma_start3A_12 = arith.constant 0 : i32
    %dma_start3A_13 = arith.constant 0 : i32
    %dma_start3A_14 = tpu.memref_slice %arg4[%add3A, %dma_start3A_12, %dma_start3A_13] : memref<32x88x120xi32, #tpu.memory_space<hbm>> -> memref<1x88x120xi32, #tpu.memory_space<hbm>>
    %dma_start3A_15 = tpu.memref_squeeze %dma_start3A_14 : memref<1x88x120xi32, #tpu.memory_space<hbm>> -> memref<88x120xi32, #tpu.memory_space<hbm>>
    tpu.enqueue_dma source(%dma_start3A_15 : memref<88x120xi32, #tpu.memory_space<hbm>>) target(%arg7 : memref<88x120xi32, #tpu.memory_space<vmem>>) target_semaphore(%arg16 : memref<!tpu.dma_semaphore, #tpu.memory_space<semaphore_mem>>)
    %scan3A = arith.constant 0 : i32
    %scan3A_16 = arith.constant 0 : i32
    %scan3A_17 = arith.constant 16 : i32
    %scan3A_18 = arith.addi %scan3A_16, %scan3A_17 : i32
    %scan3A_19 = arith.constant 1 : i32
    scf.for %scan3A_61 = %scan3A_16 to %scan3A_18 step %scan3A_19  : i32 {
      %scan3A_62 = arith.constant 0 : i32
      %scan3A_63 = arith.constant 2 : i32
      %scan3A_64 = arith.addi %scan3A_62, %scan3A_63 : i32
      %scan3A_65 = arith.constant 1 : i32
      scf.for %scan3A_67 = %scan3A_62 to %scan3A_64 step %scan3A_65  : i32 {
        %broadcast_in_dim3A = arith.constant 0.000000e+00 : f32
        %broadcast_in_dim3A_68 = vector.broadcast %broadcast_in_dim3A : f32 to vector<16xf32>
        %mul3A_69 = arith.constant 16 : i32
        %mul3A_70 = arith.muli %scan3A_67, %mul3A_69 : i32
        %swap3A = arith.index_cast %scan3A_61 : i32 to index
        %swap3A_71 = arith.index_cast %mul3A_70 : i32 to index
        %swap3A_72 = tpu.vector_load %arg11[%swap3A, %swap3A_71] {strides = array<i32>} : memref<16x32xf32, #tpu.memory_space<vmem>>, vector<1x16xf32>,
        %swap3A_73 = vector.shape_cast %swap3A_72 : vector<1x16xf32> to vector<16xf32>
        %swap3A_74 = vector.shape_cast %broadcast_in_dim3A_68 : vector<16xf32> to vector<1x16xf32>
        tpu.vector_store %arg11[%swap3A, %swap3A_71], %swap3A_74 {strides = array<i32>} : memref<16x32xf32, #tpu.memory_space<vmem>>, vector<1x16xf32>,
      }
      %scan3A_66 = arith.constant 2 : i32
    }
    %scan3A_20 = arith.constant 16 : i32
    %mul3A_21 = arith.constant 640 : i32
    %mul3A_22 = arith.muli %arg1, %mul3A_21 : i32
    %scan3A_23 = arith.constant 0 : i32
    %scan3A_24 = arith.constant 0 : i32
    %scan3A_25 = arith.constant 40 : i32
    %scan3A_26 = arith.addi %scan3A_24, %scan3A_25 : i32
    %scan3A_27 = arith.constant 1 : i32
    scf.for %scan3A_61 = %scan3A_24 to %scan3A_26 step %scan3A_27  : i32 {
      %mul3A_62 = arith.constant 16 : i32
      %mul3A_63 = arith.muli %scan3A_61, %mul3A_62 : i32
      %add3A_64 = arith.addi %mul3A_22, %mul3A_63 : i32
      "tpu.region"() ({
        %run_scoped3A = tpu.sem_alloc : memref<!tpu.dma_semaphore, #tpu.memory_space<semaphore_mem>>
        %dma_start3A_65 = arith.constant 0 : i32
        %dma_start3A_66 = tpu.memref_slice %arg12[%add3A_64, %dma_start3A_65] : memref<10240x32xf32, #tpu.memory_space<vmem_shared>> -> memref<16x32xf32, #tpu.memory_space<vmem_shared>>
        %dma_start3A_67 = arith.constant 0 : i32
        %dma_start3A_68 = tpu.memref_slice %arg12[%add3A_64, %dma_start3A_67] : memref<10240x32xf32, #tpu.memory_space<vmem_shared>> -> memref<16x32xf32, #tpu.memory_space<vmem_shared>>
        tpu.enqueue_dma source(%arg11 : memref<16x32xf32, #tpu.memory_space<vmem>>) target(%dma_start3A_68 : memref<16x32xf32, #tpu.memory_space<vmem_shared>>) target_semaphore(%run_scoped3A : memref<!tpu.dma_semaphore, #tpu.memory_space<semaphore_mem>>)
        %dma_wait3A_69 = arith.constant 0 : i32
        %dma_wait3A_70 = tpu.memref_slice %arg12[%add3A_64, %dma_wait3A_69] : memref<10240x32xf32, #tpu.memory_space<vmem_shared>> -> memref<16x32xf32, #tpu.memory_space<vmem_shared>>
        %dma_wait3A_71 = arith.constant 0 : i32
        %dma_wait3A_72 = tpu.memref_slice %arg12[%add3A_64, %dma_wait3A_71] : memref<10240x32xf32, #tpu.memory_space<vmem_shared>> -> memref<16x32xf32, #tpu.memory_space<vmem_shared>>
        tpu.wait_dma2 semaphore(%run_scoped3A : memref<!tpu.dma_semaphore, #tpu.memory_space<semaphore_mem>>) src(%arg11 : memref<16x32xf32, #tpu.memory_space<vmem>>) dst(%dma_wait3A_72 : memref<16x32xf32, #tpu.memory_space<vmem_shared>>)
        tpu.yield
      }) : () -> ()
    }
    %scan3A_28 = arith.constant 40 : i32
    %dma_wait3A = arith.constant 0 : i32
    %dma_wait3A_29 = arith.constant 0 : i32
    %dma_wait3A_30 = tpu.memref_slice %arg3[%add3A, %dma_wait3A, %dma_wait3A_29] : memref<32x88x120xi32, #tpu.memory_space<hbm>> -> memref<1x88x120xi32, #tpu.memory_space<hbm>>
    %dma_wait3A_31 = tpu.memref_squeeze %dma_wait3A_30 : memref<1x88x120xi32, #tpu.memory_space<hbm>> -> memref<88x120xi32, #tpu.memory_space<hbm>>
    %dma_wait3A_32 = arith.constant 0 : i32
    %dma_wait3A_33 = arith.constant 0 : i32
    %dma_wait3A_34 = tpu.memref_slice %arg3[%add3A, %dma_wait3A_32, %dma_wait3A_33] : memref<32x88x120xi32, #tpu.memory_space<hbm>> -> memref<1x88x120xi32, #tpu.memory_space<hbm>>
    %dma_wait3A_35 = tpu.memref_squeeze %dma_wait3A_34 : memref<1x88x120xi32, #tpu.memory_space<hbm>> -> memref<88x120xi32, #tpu.memory_space<hbm>>
    tpu.wait_dma2 semaphore(%arg16 : memref<!tpu.dma_semaphore, #tpu.memory_space<semaphore_mem>>) src(%dma_wait3A_35 : memref<88x120xi32, #tpu.memory_space<hbm>>) dst(%arg6 : memref<88x120xi32, #tpu.memory_space<vmem>>)
    %dma_wait3A_36 = arith.constant 0 : i32
    %dma_wait3A_37 = arith.constant 0 : i32
    %dma_wait3A_38 = tpu.memref_slice %arg4[%add3A, %dma_wait3A_36, %dma_wait3A_37] : memref<32x88x120xi32, #tpu.memory_space<hbm>> -> memref<1x88x120xi32, #tpu.memory_space<hbm>>
    %dma_wait3A_39 = tpu.memref_squeeze %dma_wait3A_38 : memref<1x88x120xi32, #tpu.memory_space<hbm>> -> memref<88x120xi32, #tpu.memory_space<hbm>>
    %dma_wait3A_40 = arith.constant 0 : i32
    %dma_wait3A_41 = arith.constant 0 : i32
    %dma_wait3A_42 = tpu.memref_slice %arg4[%add3A, %dma_wait3A_40, %dma_wait3A_41] : memref<32x88x120xi32, #tpu.memory_space<hbm>> -> memref<1x88x120xi32, #tpu.memory_space<hbm>>
    %dma_wait3A_43 = tpu.memref_squeeze %dma_wait3A_42 : memref<1x88x120xi32, #tpu.memory_space<hbm>> -> memref<88x120xi32, #tpu.memory_space<hbm>>
    tpu.wait_dma2 semaphore(%arg16 : memref<!tpu.dma_semaphore, #tpu.memory_space<semaphore_mem>>) src(%dma_wait3A_43 : memref<88x120xi32, #tpu.memory_space<hbm>>) dst(%arg7 : memref<88x120xi32, #tpu.memory_space<vmem>>)
    %barrier3A = arith.constant 0 : index
    tpu.barrier barrier_id(%barrier3A)
    %dma_start3A_44 = arith.constant 0 : i32
    %dma_start3A_45 = arith.constant 0 : i32
    %dma_start3A_46 = tpu.memref_slice %arg6[%dma_start3A_44, %dma_start3A_45] : memref<88x120xi32, #tpu.memory_space<vmem>> -> memref<1x120xi32, #tpu.memory_space<vmem>>
    %dma_start3A_47 = tpu.memref_squeeze %dma_start3A_46 : memref<1x120xi32, #tpu.memory_space<vmem>> -> memref<120xi32, #tpu.memory_space<vmem>>
    %dma_start3A_48 = arith.constant 0 : i32
    %dma_start3A_49 = arith.constant 0 : i32
    %dma_start3A_50 = tpu.memref_slice %arg2[%dma_start3A_48, %dma_start3A_49] : memref<10000x32xf32, #tpu.memory_space<hbm>> -> memref<10000x32xf32, #tpu.memory_space<hbm>>
    tpu.enqueue_indirect_dma source(%dma_start3A_50 : memref<10000x32xf32, #tpu.memory_space<hbm>>) target(%arg8 : memref<120x32xf32, #tpu.memory_space<vmem>>) offsets(%dma_start3A_47 : memref<120xi32, #tpu.memory_space<vmem>>) semaphore(%arg13 : memref<!tpu.dma_semaphore, #tpu.memory_space<semaphore_mem>>)
    %scan3A_51 = arith.constant 0 : i32
    %scan3A_52 = arith.constant 0 : i32
    %scan3A_53 = arith.constant 44 : i32
    %scan3A_54 = arith.addi %scan3A_52, %scan3A_53 : i32
    %scan3A_55 = arith.constant 1 : i32
    scf.for %scan3A_61 = %scan3A_52 to %scan3A_54 step %scan3A_55  : i32 {
      %mul3A_62 = arith.constant 2 : i32
      %mul3A_63 = arith.muli %mul3A_62, %scan3A_61 : i32
      %dma_wait3A_64 = arith.constant 0 : i32
      %dma_wait3A_65 = tpu.memref_slice %arg6[%mul3A_63, %dma_wait3A_64] : memref<88x120xi32, #tpu.memory_space<vmem>> -> memref<1x120xi32, #tpu.memory_space<vmem>>
      %dma_wait3A_66 = tpu.memref_squeeze %dma_wait3A_65 : memref<1x120xi32, #tpu.memory_space<vmem>> -> memref<120xi32, #tpu.memory_space<vmem>>
      %dma_wait3A_67 = arith.constant 0 : i32
      %dma_wait3A_68 = arith.constant 0 : i32
      %dma_wait3A_69 = tpu.memref_slice %arg2[%dma_wait3A_67, %dma_wait3A_68] : memref<10000x32xf32, #tpu.memory_space<hbm>> -> memref<10000x32xf32, #tpu.memory_space<hbm>>
      tpu.wait_indirect_dma semaphore(%arg13 : memref<!tpu.dma_semaphore, #tpu.memory_space<semaphore_mem>>) src(%dma_wait3A_69 : memref<10000x32xf32, #tpu.memory_space<hbm>>) dst(%arg8 : memref<120x32xf32, #tpu.memory_space<vmem>>)
      %add3A_70 = arith.constant 1 : i32
      %add3A_71 = arith.addi %mul3A_63, %add3A_70 : i32
      %dma_start3A_72 = arith.constant 0 : i32
      %dma_start3A_73 = tpu.memref_slice %arg6[%add3A_71, %dma_start3A_72] : memref<88x120xi32, #tpu.memory_space<vmem>> -> memref<1x120xi32, #tpu.memory_space<vmem>>
      %dma_start3A_74 = tpu.memref_squeeze %dma_start3A_73 : memref<1x120xi32, #tpu.memory_space<vmem>> -> memref<120xi32, #tpu.memory_space<vmem>>
      %dma_start3A_75 = arith.constant 0 : i32
      %dma_start3A_76 = arith.constant 0 : i32
      %dma_start3A_77 = tpu.memref_slice %arg2[%dma_start3A_75, %dma_start3A_76] : memref<10000x32xf32, #tpu.memory_space<hbm>> -> memref<10000x32xf32, #tpu.memory_space<hbm>>
      tpu.enqueue_indirect_dma source(%dma_start3A_77 : memref<10000x32xf32, #tpu.memory_space<hbm>>) target(%arg9 : memref<120x32xf32, #tpu.memory_space<vmem>>) offsets(%dma_start3A_74 : memref<120xi32, #tpu.memory_space<vmem>>) semaphore(%arg14 : memref<!tpu.dma_semaphore, #tpu.memory_space<semaphore_mem>>)
      "tpu.region"() ({
        %run_scoped3A = tpu.sem_alloc : memref<!tpu.dma_semaphore, #tpu.memory_space<semaphore_mem>>
        %dma_start3A_92 = arith.constant 0 : i32
        %dma_start3A_93 = tpu.memref_slice %arg7[%mul3A_63, %dma_start3A_92] : memref<88x120xi32, #tpu.memory_space<vmem>> -> memref<1x120xi32, #tpu.memory_space<vmem>>
        %dma_start3A_94 = tpu.memref_squeeze %dma_start3A_93 : memref<1x120xi32, #tpu.memory_space<vmem>> -> memref<120xi32, #tpu.memory_space<vmem>>
        %dma_start3A_95 = arith.constant 0 : i32
        %dma_start3A_96 = arith.constant 0 : i32
        %dma_start3A_97 = tpu.memref_slice %arg12[%dma_start3A_95, %dma_start3A_96] : memref<10240x32xf32, #tpu.memory_space<vmem_shared>> -> memref<10240x32xf32, #tpu.memory_space<vmem_shared>>
        tpu.enqueue_indirect_dma source(%arg8 : memref<120x32xf32, #tpu.memory_space<vmem>>) target(%dma_start3A_97 : memref<10240x32xf32, #tpu.memory_space<vmem_shared>>) offsets(%dma_start3A_94 : memref<120xi32, #tpu.memory_space<vmem>>) semaphore(%run_scoped3A : memref<!tpu.dma_semaphore, #tpu.memory_space<semaphore_mem>>) {add = true}
        %dma_wait3A_98 = arith.constant 0 : i32
        %dma_wait3A_99 = tpu.memref_slice %arg7[%mul3A_63, %dma_wait3A_98] : memref<88x120xi32, #tpu.memory_space<vmem>> -> memref<1x120xi32, #tpu.memory_space<vmem>>
        %dma_wait3A_100 = tpu.memref_squeeze %dma_wait3A_99 : memref<1x120xi32, #tpu.memory_space<vmem>> -> memref<120xi32, #tpu.memory_space<vmem>>
        %dma_wait3A_101 = arith.constant 0 : i32
        %dma_wait3A_102 = arith.constant 0 : i32
        %dma_wait3A_103 = tpu.memref_slice %arg12[%dma_wait3A_101, %dma_wait3A_102] : memref<10240x32xf32, #tpu.memory_space<vmem_shared>> -> memref<10240x32xf32, #tpu.memory_space<vmem_shared>>
        tpu.wait_indirect_dma semaphore(%run_scoped3A : memref<!tpu.dma_semaphore, #tpu.memory_space<semaphore_mem>>) src(%arg8 : memref<120x32xf32, #tpu.memory_space<vmem>>) dst(%dma_wait3A_103 : memref<10240x32xf32, #tpu.memory_space<vmem_shared>>)
        tpu.yield
      }) : () -> ()
      %add3A_78 = arith.constant 2 : i32
      %add3A_79 = arith.addi %mul3A_63, %add3A_78 : i32
      %lt3A = arith.constant 88 : i32
      %lt3A_80 = arith.cmpi slt, %add3A_79, %lt3A : i32
      %convert_element_type3A = arith.extui %lt3A_80 : i1 to i32
      %cond3A = arith.constant 0 : i32
      %cond3A_81 = arith.cmpi ne, %convert_element_type3A, %cond3A : i32
      scf.if %cond3A_81 {
        %add3A_92 = arith.constant 2 : i32
        %add3A_93 = arith.addi %mul3A_63, %add3A_92 : i32
        %dma_start3A_94 = arith.constant 0 : i32
        %dma_start3A_95 = tpu.memref_slice %arg6[%add3A_93, %dma_start3A_94] : memref<88x120xi32, #tpu.memory_space<vmem>> -> memref<1x120xi32, #tpu.memory_space<vmem>>
        %dma_start3A_96 = tpu.memref_squeeze %dma_start3A_95 : memref<1x120xi32, #tpu.memory_space<vmem>> -> memref<120xi32, #tpu.memory_space<vmem>>
        %dma_start3A_97 = arith.constant 0 : i32
        %dma_start3A_98 = arith.constant 0 : i32
        %dma_start3A_99 = tpu.memref_slice %arg2[%dma_start3A_97, %dma_start3A_98] : memref<10000x32xf32, #tpu.memory_space<hbm>> -> memref<10000x32xf32, #tpu.memory_space<hbm>>
        tpu.enqueue_indirect_dma source(%dma_start3A_99 : memref<10000x32xf32, #tpu.memory_space<hbm>>) target(%arg8 : memref<120x32xf32, #tpu.memory_space<vmem>>) offsets(%dma_start3A_96 : memref<120xi32, #tpu.memory_space<vmem>>) semaphore(%arg13 : memref<!tpu.dma_semaphore, #tpu.memory_space<semaphore_mem>>)
      } else {
      }
      %add3A_82 = arith.constant 1 : i32
      %add3A_83 = arith.addi %mul3A_63, %add3A_82 : i32
      %dma_wait3A_84 = arith.constant 0 : i32
      %dma_wait3A_85 = tpu.memref_slice %arg6[%add3A_83, %dma_wait3A_84] : memref<88x120xi32, #tpu.memory_space<vmem>> -> memref<1x120xi32, #tpu.memory_space<vmem>>
      %dma_wait3A_86 = tpu.memref_squeeze %dma_wait3A_85 : memref<1x120xi32, #tpu.memory_space<vmem>> -> memref<120xi32, #tpu.memory_space<vmem>>
      %dma_wait3A_87 = arith.constant 0 : i32
      %dma_wait3A_88 = arith.constant 0 : i32
      %dma_wait3A_89 = tpu.memref_slice %arg2[%dma_wait3A_87, %dma_wait3A_88] : memref<10000x32xf32, #tpu.memory_space<hbm>> -> memref<10000x32xf32, #tpu.memory_space<hbm>>
      tpu.wait_indirect_dma semaphore(%arg14 : memref<!tpu.dma_semaphore, #tpu.memory_space<semaphore_mem>>) src(%dma_wait3A_89 : memref<10000x32xf32, #tpu.memory_space<hbm>>) dst(%arg9 : memref<120x32xf32, #tpu.memory_space<vmem>>)
      %add3A_90 = arith.constant 1 : i32
      %add3A_91 = arith.addi %mul3A_63, %add3A_90 : i32
      "tpu.region"() ({
        %run_scoped3A = tpu.sem_alloc : memref<!tpu.dma_semaphore, #tpu.memory_space<semaphore_mem>>
        %dma_start3A_92 = arith.constant 0 : i32
        %dma_start3A_93 = tpu.memref_slice %arg7[%add3A_91, %dma_start3A_92] : memref<88x120xi32, #tpu.memory_space<vmem>> -> memref<1x120xi32, #tpu.memory_space<vmem>>
        %dma_start3A_94 = tpu.memref_squeeze %dma_start3A_93 : memref<1x120xi32, #tpu.memory_space<vmem>> -> memref<120xi32, #tpu.memory_space<vmem>>
        %dma_start3A_95 = arith.constant 0 : i32
        %dma_start3A_96 = arith.constant 0 : i32
        %dma_start3A_97 = tpu.memref_slice %arg12[%dma_start3A_95, %dma_start3A_96] : memref<10240x32xf32, #tpu.memory_space<vmem_shared>> -> memref<10240x32xf32, #tpu.memory_space<vmem_shared>>
        tpu.enqueue_indirect_dma source(%arg9 : memref<120x32xf32, #tpu.memory_space<vmem>>) target(%dma_start3A_97 : memref<10240x32xf32, #tpu.memory_space<vmem_shared>>) offsets(%dma_start3A_94 : memref<120xi32, #tpu.memory_space<vmem>>) semaphore(%run_scoped3A : memref<!tpu.dma_semaphore, #tpu.memory_space<semaphore_mem>>) {add = true}
        %dma_wait3A_98 = arith.constant 0 : i32
        %dma_wait3A_99 = tpu.memref_slice %arg7[%add3A_91, %dma_wait3A_98] : memref<88x120xi32, #tpu.memory_space<vmem>> -> memref<1x120xi32, #tpu.memory_space<vmem>>
        %dma_wait3A_100 = tpu.memref_squeeze %dma_wait3A_99 : memref<1x120xi32, #tpu.memory_space<vmem>> -> memref<120xi32, #tpu.memory_space<vmem>>
        %dma_wait3A_101 = arith.constant 0 : i32
        %dma_wait3A_102 = arith.constant 0 : i32
        %dma_wait3A_103 = tpu.memref_slice %arg12[%dma_wait3A_101, %dma_wait3A_102] : memref<10240x32xf32, #tpu.memory_space<vmem_shared>> -> memref<10240x32xf32, #tpu.memory_space<vmem_shared>>
        tpu.wait_indirect_dma semaphore(%run_scoped3A : memref<!tpu.dma_semaphore, #tpu.memory_space<semaphore_mem>>) src(%arg9 : memref<120x32xf32, #tpu.memory_space<vmem>>) dst(%dma_wait3A_103 : memref<10240x32xf32, #tpu.memory_space<vmem_shared>>)
        tpu.yield
      }) : () -> ()
    }
    %scan3A_56 = arith.constant 44 : i32
    %barrier3A_57 = arith.constant 0 : index
    tpu.barrier barrier_id(%barrier3A_57)
    %mul3A_58 = arith.constant 10240 : i32
    %mul3A_59 = arith.muli %arg0, %mul3A_58 : i32
    %add3A_60 = arith.addi %mul3A_59, %mul3A_22 : i32
    "tpu.region"() ({
      %run_scoped3A = tpu.sem_alloc : memref<!tpu.dma_semaphore, #tpu.memory_space<semaphore_mem>>
      %dma_start3A_61 = arith.constant 0 : i32
      %dma_start3A_62 = tpu.memref_slice %arg5[%add3A_60, %dma_start3A_61] : memref<20480x32xf32, #tpu.memory_space<hbm>> -> memref<640x32xf32, #tpu.memory_space<hbm>>
      %dma_start3A_63 = arith.constant 0 : i32
      %dma_start3A_64 = tpu.memref_slice %arg12[%mul3A_22, %dma_start3A_63] : memref<10240x32xf32, #tpu.memory_space<vmem_shared>> -> memref<640x32xf32, #tpu.memory_space<vmem_shared>>
      tpu.enqueue_dma source(%dma_start3A_64 : memref<640x32xf32, #tpu.memory_space<vmem_shared>>) target(%dma_start3A_62 : memref<640x32xf32, #tpu.memory_space<hbm>>) target_semaphore(%run_scoped3A : memref<!tpu.dma_semaphore, #tpu.memory_space<semaphore_mem>>)
      %dma_wait3A_65 = arith.constant 0 : i32
      %dma_wait3A_66 = tpu.memref_slice %arg5[%add3A_60, %dma_wait3A_65] : memref<20480x32xf32, #tpu.memory_space<hbm>> -> memref<640x32xf32, #tpu.memory_space<hbm>>
      %dma_wait3A_67 = arith.constant 0 : i32
      %dma_wait3A_68 = tpu.memref_slice %arg12[%mul3A_22, %dma_wait3A_67] : memref<10240x32xf32, #tpu.memory_space<vmem_shared>> -> memref<640x32xf32, #tpu.memory_space<vmem_shared>>
      tpu.wait_dma2 semaphore(%run_scoped3A : memref<!tpu.dma_semaphore, #tpu.memory_space<semaphore_mem>>) src(%dma_wait3A_68 : memref<640x32xf32, #tpu.memory_space<vmem_shared>>) dst(%dma_wait3A_66 : memref<640x32xf32, #tpu.memory_space<hbm>>)
      tpu.yield
    }) : () -> ()
    return
  }
}

module attributes {stable_mosaic.version = 14 : i64} {
  func.func @_mlp1_body(%arg0: memref<10000x128xf32, #tpu.memory_space<vmem>>, %arg1: memref<20480x128xf32, #tpu.memory_space<vmem>>, %arg2: memref<128x32xf32, #tpu.memory_space<vmem>>, %arg3: memref<1x32xf32, #tpu.memory_space<vmem>>, %arg4: memref<32x64xf32, #tpu.memory_space<vmem>>, %arg5: memref<1x64xf32, #tpu.memory_space<vmem>>, %arg6: memref<64x128xf32, #tpu.memory_space<vmem>>, %arg7: memref<1x128xf32, #tpu.memory_space<vmem>>, %arg8: memref<1x128xf32, #tpu.memory_space<vmem>>, %arg9: memref<1x128xf32, #tpu.memory_space<vmem>>, %arg10: memref<10000x128xf32, #tpu.memory_space<vmem>>) attributes {dimension_semantics = [], scalar_prefetch = 0 : i64, scratch_operands = 0 : i64, tpu.core_type = #tpu.core_type<tc>} {
    %get3A = arith.constant 0 : index
    %get3A_0 = arith.constant 0 : index
    %get3A_1 = vector.load %arg0[%get3A, %get3A_0] : memref<10000x128xf32, #tpu.memory_space<vmem>>, vector<10000x128xf32>
    %get3A_2 = arith.constant 0 : index
    %get3A_3 = arith.constant 0 : index
    %get3A_4 = vector.load %arg1[%get3A_2, %get3A_3] : memref<20480x128xf32, #tpu.memory_space<vmem>>, vector<10000x128xf32>
    %add3A = arith.addf %get3A_1, %get3A_4 : vector<10000x128xf32>
    %get3A_5 = arith.constant 10240 : index
    %get3A_6 = arith.constant 0 : index
    %get3A_7 = vector.load %arg1[%get3A_5, %get3A_6] : memref<20480x128xf32, #tpu.memory_space<vmem>>, vector<10000x128xf32>
    %add3A_8 = arith.addf %add3A, %get3A_7 : vector<10000x128xf32>
    %get3A_9 = arith.constant 0 : index
    %get3A_10 = arith.constant 0 : index
    %get3A_11 = vector.load %arg2[%get3A_9, %get3A_10] : memref<128x32xf32, #tpu.memory_space<vmem>>, vector<128x32xf32>
    %dot_general3A = arith.constant dense<0.000000e+00> : vector<10000x32xf32>
    %dot_general3A_12 = tpu.matmul %add3A_8, %get3A_11, %dot_general3A {dimension_numbers = #tpu.dot_dimension_numbers<[1], [0], [0], [1], [0, 0, 1, 1], [], []>, transpose_lhs_hint = false} : vector<10000x128xf32>, vector<128x32xf32>, vector<10000x32xf32> -> vector<10000x32xf32>
    %get3A_13 = arith.constant 0 : index
    %get3A_14 = arith.constant 0 : index
    %get3A_15 = vector.load %arg3[%get3A_13, %get3A_14] : memref<1x32xf32, #tpu.memory_space<vmem>>, vector<1x32xf32>
    %add3A_16 = vector.broadcast %get3A_15 : vector<1x32xf32> to vector<10000x32xf32>
    %add3A_17 = arith.addf %dot_general3A_12, %add3A_16 : vector<10000x32xf32>
    %max3A = arith.constant 0.000000e+00 : f32
    %max3A_18 = vector.broadcast %max3A : f32 to vector<10000x32xf32>
    %max3A_19 = arith.maximumf %add3A_17, %max3A_18 : vector<10000x32xf32>
    %get3A_20 = arith.constant 0 : index
    %get3A_21 = arith.constant 0 : index
    %get3A_22 = vector.load %arg4[%get3A_20, %get3A_21] : memref<32x64xf32, #tpu.memory_space<vmem>>, vector<32x64xf32>
    %dot_general3A_23 = arith.constant dense<0.000000e+00> : vector<10000x64xf32>
    %dot_general3A_24 = tpu.matmul %max3A_19, %get3A_22, %dot_general3A_23 {dimension_numbers = #tpu.dot_dimension_numbers<[1], [0], [0], [1], [0, 0, 1, 1], [], []>, transpose_lhs_hint = false} : vector<10000x32xf32>, vector<32x64xf32>, vector<10000x64xf32> -> vector<10000x64xf32>
    %get3A_25 = arith.constant 0 : index
    %get3A_26 = arith.constant 0 : index
    %get3A_27 = vector.load %arg5[%get3A_25, %get3A_26] : memref<1x64xf32, #tpu.memory_space<vmem>>, vector<1x64xf32>
    %add3A_28 = vector.broadcast %get3A_27 : vector<1x64xf32> to vector<10000x64xf32>
    %add3A_29 = arith.addf %dot_general3A_24, %add3A_28 : vector<10000x64xf32>
    %max3A_30 = arith.constant 0.000000e+00 : f32
    %max3A_31 = vector.broadcast %max3A_30 : f32 to vector<10000x64xf32>
    %max3A_32 = arith.maximumf %add3A_29, %max3A_31 : vector<10000x64xf32>
    %get3A_33 = arith.constant 0 : index
    %get3A_34 = arith.constant 0 : index
    %get3A_35 = vector.load %arg6[%get3A_33, %get3A_34] : memref<64x128xf32, #tpu.memory_space<vmem>>, vector<64x128xf32>
    %dot_general3A_36 = arith.constant dense<0.000000e+00> : vector<10000x128xf32>
    %dot_general3A_37 = tpu.matmul %max3A_32, %get3A_35, %dot_general3A_36 {dimension_numbers = #tpu.dot_dimension_numbers<[1], [0], [0], [1], [0, 0, 1, 1], [], []>, transpose_lhs_hint = false} : vector<10000x64xf32>, vector<64x128xf32>, vector<10000x128xf32> -> vector<10000x128xf32>
    %get3A_38 = arith.constant 0 : index
    %get3A_39 = arith.constant 0 : index
    %get3A_40 = vector.load %arg7[%get3A_38, %get3A_39] : memref<1x128xf32, #tpu.memory_space<vmem>>, vector<1x128xf32>
    %add3A_41 = vector.broadcast %get3A_40 : vector<1x128xf32> to vector<10000x128xf32>
    %add3A_42 = arith.addf %dot_general3A_37, %add3A_41 : vector<10000x128xf32>
    %max3A_43 = arith.constant 0.000000e+00 : f32
    %max3A_44 = vector.broadcast %max3A_43 : f32 to vector<10000x128xf32>
    %max3A_45 = arith.maximumf %add3A_42, %max3A_44 : vector<10000x128xf32>
    %get3A_46 = arith.constant 0 : index
    %get3A_47 = arith.constant 0 : index
    %get3A_48 = vector.load %arg8[%get3A_46, %get3A_47] : memref<1x128xf32, #tpu.memory_space<vmem>>, vector<1x128xf32>
    %get3A_49 = arith.constant 0 : index
    %get3A_50 = arith.constant 0 : index
    %get3A_51 = vector.load %arg9[%get3A_49, %get3A_50] : memref<1x128xf32, #tpu.memory_space<vmem>>, vector<1x128xf32>
    %reduce_sum3A = arith.constant dense<0.000000e+00> : vector<128xf32>
    %reduce_sum3A_52 = vector.multi_reduction <add>, %max3A_45, %reduce_sum3A [0] : vector<10000x128xf32> to vector<128xf32>
    %div3A = arith.constant 1.000000e+04 : f32
    %div3A_53 = vector.broadcast %div3A : f32 to vector<128xf32>
    %div3A_54 = arith.divf %reduce_sum3A_52, %div3A_53 : vector<128xf32>
    %jit3A = arith.constant 0 : i32
    %reduce_sum3A_55 = arith.constant dense<0.000000e+00> : vector<128xf32>
    %reduce_sum3A_56 = vector.multi_reduction <add>, %max3A_45, %reduce_sum3A_55 [0] : vector<10000x128xf32> to vector<128xf32>
    %broadcast_in_dim3A = vector.shape_cast %reduce_sum3A_56 : vector<128xf32> to vector<1x128xf32>
    %div3A_57 = arith.constant 1.000000e+04 : f32
    %div3A_58 = vector.broadcast %div3A_57 : f32 to vector<1x128xf32>
    %div3A_59 = arith.divf %broadcast_in_dim3A, %div3A_58 : vector<1x128xf32>
    %sub3A = vector.broadcast %div3A_59 : vector<1x128xf32> to vector<10000x128xf32>
    %sub3A_60 = arith.subf %max3A_45, %sub3A : vector<10000x128xf32>
    %square3A = arith.mulf %sub3A_60, %sub3A_60 : vector<10000x128xf32>
    %convert_element_type3A = arith.sitofp %jit3A : i32 to f32
    %sub3A_61 = arith.constant 1.000000e+04 : f32
    %sub3A_62 = arith.subf %sub3A_61, %convert_element_type3A : f32
    %reduce_sum3A_63 = arith.constant dense<0.000000e+00> : vector<128xf32>
    %reduce_sum3A_64 = vector.multi_reduction <add>, %square3A, %reduce_sum3A_63 [0] : vector<10000x128xf32> to vector<128xf32>
    %div3A_65 = vector.broadcast %sub3A_62 : f32 to vector<128xf32>
    %div3A_66 = arith.divf %reduce_sum3A_64, %div3A_65 : vector<128xf32>
    %gt3A = arith.constant 0.000000e+00 : f32
    %gt3A_67 = arith.cmpf ogt, %sub3A_62, %gt3A : f32
    %jit3A_68 = arith.constant 0x7FC00000 : f32
    %broadcast_in_dim3A_69 = vector.broadcast %jit3A_68 : f32 to vector<128xf32>
    %select_n3A = arith.select %gt3A_67, %div3A_66, %broadcast_in_dim3A_69 : vector<128xf32>
    %broadcast_in_dim3A_70 = vector.shape_cast %div3A_54 : vector<128xf32> to vector<1x128xf32>
    %sub3A_71 = vector.broadcast %broadcast_in_dim3A_70 : vector<1x128xf32> to vector<10000x128xf32>
    %sub3A_72 = arith.subf %max3A_45, %sub3A_71 : vector<10000x128xf32>
    %add3A_73 = arith.constant 9.99999974E-6 : f32
    %add3A_74 = vector.broadcast %add3A_73 : f32 to vector<128xf32>
    %add3A_75 = arith.addf %select_n3A, %add3A_74 : vector<128xf32>
    %sqrt3A = math.sqrt %add3A_75 : vector<128xf32>
    %broadcast_in_dim3A_76 = vector.shape_cast %sqrt3A : vector<128xf32> to vector<1x128xf32>
    %div3A_77 = vector.broadcast %broadcast_in_dim3A_76 : vector<1x128xf32> to vector<10000x128xf32>
    %div3A_78 = arith.divf %sub3A_72, %div3A_77 : vector<10000x128xf32>
    %mul3A = vector.broadcast %get3A_48 : vector<1x128xf32> to vector<10000x128xf32>
    %mul3A_79 = arith.mulf %div3A_78, %mul3A : vector<10000x128xf32>
    %add3A_80 = vector.broadcast %get3A_51 : vector<1x128xf32> to vector<10000x128xf32>
    %add3A_81 = arith.addf %mul3A_79, %add3A_80 : vector<10000x128xf32>
    %swap3A = arith.constant 0 : index
    %swap3A_82 = arith.constant 0 : index
    %swap3A_83 = vector.load %arg10[%swap3A, %swap3A_82] : memref<10000x128xf32, #tpu.memory_space<vmem>>, vector<10000x128xf32>
    tpu.vector_store %arg10[%swap3A, %swap3A_82], %add3A_81 {strides = array<i32>} : memref<10000x128xf32, #tpu.memory_space<vmem>>, vector<10000x128xf32>,
    return
  }
}

module attributes {stable_mosaic.version = 14 : i64} {
  func.func @_mlp2_body(%arg0: memref<10000x128xf32, #tpu.memory_space<vmem>>, %arg1: memref<20480x128xf32, #tpu.memory_space<vmem>>, %arg2: memref<128x128xf32, #tpu.memory_space<vmem>>, %arg3: memref<1x128xf32, #tpu.memory_space<vmem>>, %arg4: memref<128x64xf32, #tpu.memory_space<vmem>>, %arg5: memref<1x64xf32, #tpu.memory_space<vmem>>, %arg6: memref<64x32xf32, #tpu.memory_space<vmem>>, %arg7: memref<1x32xf32, #tpu.memory_space<vmem>>, %arg8: memref<1x32xf32, #tpu.memory_space<vmem>>, %arg9: memref<1x32xf32, #tpu.memory_space<vmem>>, %arg10: memref<10000x32xf32, #tpu.memory_space<vmem>>) attributes {dimension_semantics = [], scalar_prefetch = 0 : i64, scratch_operands = 0 : i64, tpu.core_type = #tpu.core_type<tc>} {
    %get3A = arith.constant 0 : index
    %get3A_0 = arith.constant 0 : index
    %get3A_1 = vector.load %arg0[%get3A, %get3A_0] : memref<10000x128xf32, #tpu.memory_space<vmem>>, vector<10000x128xf32>
    %get3A_2 = arith.constant 0 : index
    %get3A_3 = arith.constant 0 : index
    %get3A_4 = vector.load %arg1[%get3A_2, %get3A_3] : memref<20480x128xf32, #tpu.memory_space<vmem>>, vector<10000x128xf32>
    %add3A = arith.addf %get3A_1, %get3A_4 : vector<10000x128xf32>
    %get3A_5 = arith.constant 10240 : index
    %get3A_6 = arith.constant 0 : index
    %get3A_7 = vector.load %arg1[%get3A_5, %get3A_6] : memref<20480x128xf32, #tpu.memory_space<vmem>>, vector<10000x128xf32>
    %add3A_8 = arith.addf %add3A, %get3A_7 : vector<10000x128xf32>
    %get3A_9 = arith.constant 0 : index
    %get3A_10 = arith.constant 0 : index
    %get3A_11 = vector.load %arg2[%get3A_9, %get3A_10] : memref<128x128xf32, #tpu.memory_space<vmem>>, vector<128x128xf32>
    %dot_general3A = arith.constant dense<0.000000e+00> : vector<10000x128xf32>
    %dot_general3A_12 = tpu.matmul %add3A_8, %get3A_11, %dot_general3A {dimension_numbers = #tpu.dot_dimension_numbers<[1], [0], [0], [1], [0, 0, 1, 1], [], []>, transpose_lhs_hint = false} : vector<10000x128xf32>, vector<128x128xf32>, vector<10000x128xf32> -> vector<10000x128xf32>
    %get3A_13 = arith.constant 0 : index
    %get3A_14 = arith.constant 0 : index
    %get3A_15 = vector.load %arg3[%get3A_13, %get3A_14] : memref<1x128xf32, #tpu.memory_space<vmem>>, vector<1x128xf32>
    %add3A_16 = vector.broadcast %get3A_15 : vector<1x128xf32> to vector<10000x128xf32>
    %add3A_17 = arith.addf %dot_general3A_12, %add3A_16 : vector<10000x128xf32>
    %max3A = arith.constant 0.000000e+00 : f32
    %max3A_18 = vector.broadcast %max3A : f32 to vector<10000x128xf32>
    %max3A_19 = arith.maximumf %add3A_17, %max3A_18 : vector<10000x128xf32>
    %get3A_20 = arith.constant 0 : index
    %get3A_21 = arith.constant 0 : index
    %get3A_22 = vector.load %arg4[%get3A_20, %get3A_21] : memref<128x64xf32, #tpu.memory_space<vmem>>, vector<128x64xf32>
    %dot_general3A_23 = arith.constant dense<0.000000e+00> : vector<10000x64xf32>
    %dot_general3A_24 = tpu.matmul %max3A_19, %get3A_22, %dot_general3A_23 {dimension_numbers = #tpu.dot_dimension_numbers<[1], [0], [0], [1], [0, 0, 1, 1], [], []>, transpose_lhs_hint = false} : vector<10000x128xf32>, vector<128x64xf32>, vector<10000x64xf32> -> vector<10000x64xf32>
    %get3A_25 = arith.constant 0 : index
    %get3A_26 = arith.constant 0 : index
    %get3A_27 = vector.load %arg5[%get3A_25, %get3A_26] : memref<1x64xf32, #tpu.memory_space<vmem>>, vector<1x64xf32>
    %add3A_28 = vector.broadcast %get3A_27 : vector<1x64xf32> to vector<10000x64xf32>
    %add3A_29 = arith.addf %dot_general3A_24, %add3A_28 : vector<10000x64xf32>
    %max3A_30 = arith.constant 0.000000e+00 : f32
    %max3A_31 = vector.broadcast %max3A_30 : f32 to vector<10000x64xf32>
    %max3A_32 = arith.maximumf %add3A_29, %max3A_31 : vector<10000x64xf32>
    %get3A_33 = arith.constant 0 : index
    %get3A_34 = arith.constant 0 : index
    %get3A_35 = vector.load %arg6[%get3A_33, %get3A_34] : memref<64x32xf32, #tpu.memory_space<vmem>>, vector<64x32xf32>
    %dot_general3A_36 = arith.constant dense<0.000000e+00> : vector<10000x32xf32>
    %dot_general3A_37 = tpu.matmul %max3A_32, %get3A_35, %dot_general3A_36 {dimension_numbers = #tpu.dot_dimension_numbers<[1], [0], [0], [1], [0, 0, 1, 1], [], []>, transpose_lhs_hint = false} : vector<10000x64xf32>, vector<64x32xf32>, vector<10000x32xf32> -> vector<10000x32xf32>
    %get3A_38 = arith.constant 0 : index
    %get3A_39 = arith.constant 0 : index
    %get3A_40 = vector.load %arg7[%get3A_38, %get3A_39] : memref<1x32xf32, #tpu.memory_space<vmem>>, vector<1x32xf32>
    %add3A_41 = vector.broadcast %get3A_40 : vector<1x32xf32> to vector<10000x32xf32>
    %add3A_42 = arith.addf %dot_general3A_37, %add3A_41 : vector<10000x32xf32>
    %max3A_43 = arith.constant 0.000000e+00 : f32
    %max3A_44 = vector.broadcast %max3A_43 : f32 to vector<10000x32xf32>
    %max3A_45 = arith.maximumf %add3A_42, %max3A_44 : vector<10000x32xf32>
    %get3A_46 = arith.constant 0 : index
    %get3A_47 = arith.constant 0 : index
    %get3A_48 = vector.load %arg8[%get3A_46, %get3A_47] : memref<1x32xf32, #tpu.memory_space<vmem>>, vector<1x32xf32>
    %get3A_49 = arith.constant 0 : index
    %get3A_50 = arith.constant 0 : index
    %get3A_51 = vector.load %arg9[%get3A_49, %get3A_50] : memref<1x32xf32, #tpu.memory_space<vmem>>, vector<1x32xf32>
    %reduce_sum3A = arith.constant dense<0.000000e+00> : vector<32xf32>
    %reduce_sum3A_52 = vector.multi_reduction <add>, %max3A_45, %reduce_sum3A [0] : vector<10000x32xf32> to vector<32xf32>
    %div3A = arith.constant 1.000000e+04 : f32
    %div3A_53 = vector.broadcast %div3A : f32 to vector<32xf32>
    %div3A_54 = arith.divf %reduce_sum3A_52, %div3A_53 : vector<32xf32>
    %jit3A = arith.constant 0 : i32
    %reduce_sum3A_55 = arith.constant dense<0.000000e+00> : vector<32xf32>
    %reduce_sum3A_56 = vector.multi_reduction <add>, %max3A_45, %reduce_sum3A_55 [0] : vector<10000x32xf32> to vector<32xf32>
    %broadcast_in_dim3A = vector.shape_cast %reduce_sum3A_56 : vector<32xf32> to vector<1x32xf32>
    %div3A_57 = arith.constant 1.000000e+04 : f32
    %div3A_58 = vector.broadcast %div3A_57 : f32 to vector<1x32xf32>
    %div3A_59 = arith.divf %broadcast_in_dim3A, %div3A_58 : vector<1x32xf32>
    %sub3A = vector.broadcast %div3A_59 : vector<1x32xf32> to vector<10000x32xf32>
    %sub3A_60 = arith.subf %max3A_45, %sub3A : vector<10000x32xf32>
    %square3A = arith.mulf %sub3A_60, %sub3A_60 : vector<10000x32xf32>
    %convert_element_type3A = arith.sitofp %jit3A : i32 to f32
    %sub3A_61 = arith.constant 1.000000e+04 : f32
    %sub3A_62 = arith.subf %sub3A_61, %convert_element_type3A : f32
    %reduce_sum3A_63 = arith.constant dense<0.000000e+00> : vector<32xf32>
    %reduce_sum3A_64 = vector.multi_reduction <add>, %square3A, %reduce_sum3A_63 [0] : vector<10000x32xf32> to vector<32xf32>
    %div3A_65 = vector.broadcast %sub3A_62 : f32 to vector<32xf32>
    %div3A_66 = arith.divf %reduce_sum3A_64, %div3A_65 : vector<32xf32>
    %gt3A = arith.constant 0.000000e+00 : f32
    %gt3A_67 = arith.cmpf ogt, %sub3A_62, %gt3A : f32
    %jit3A_68 = arith.constant 0x7FC00000 : f32
    %broadcast_in_dim3A_69 = vector.broadcast %jit3A_68 : f32 to vector<32xf32>
    %select_n3A = arith.select %gt3A_67, %div3A_66, %broadcast_in_dim3A_69 : vector<32xf32>
    %broadcast_in_dim3A_70 = vector.shape_cast %div3A_54 : vector<32xf32> to vector<1x32xf32>
    %sub3A_71 = vector.broadcast %broadcast_in_dim3A_70 : vector<1x32xf32> to vector<10000x32xf32>
    %sub3A_72 = arith.subf %max3A_45, %sub3A_71 : vector<10000x32xf32>
    %add3A_73 = arith.constant 9.99999974E-6 : f32
    %add3A_74 = vector.broadcast %add3A_73 : f32 to vector<32xf32>
    %add3A_75 = arith.addf %select_n3A, %add3A_74 : vector<32xf32>
    %sqrt3A = math.sqrt %add3A_75 : vector<32xf32>
    %broadcast_in_dim3A_76 = vector.shape_cast %sqrt3A : vector<32xf32> to vector<1x32xf32>
    %div3A_77 = vector.broadcast %broadcast_in_dim3A_76 : vector<1x32xf32> to vector<10000x32xf32>
    %div3A_78 = arith.divf %sub3A_72, %div3A_77 : vector<10000x32xf32>
    %mul3A = vector.broadcast %get3A_48 : vector<1x32xf32> to vector<10000x32xf32>
    %mul3A_79 = arith.mulf %div3A_78, %mul3A : vector<10000x32xf32>
    %add3A_80 = vector.broadcast %get3A_51 : vector<1x32xf32> to vector<10000x32xf32>
    %add3A_81 = arith.addf %mul3A_79, %add3A_80 : vector<10000x32xf32>
    %swap3A = arith.constant 0 : index
    %swap3A_82 = arith.constant 0 : index
    %swap3A_83 = vector.load %arg10[%swap3A, %swap3A_82] : memref<10000x32xf32, #tpu.memory_space<vmem>>, vector<10000x32xf32>
    tpu.vector_store %arg10[%swap3A, %swap3A_82], %add3A_81 {strides = array<i32>} : memref<10000x32xf32, #tpu.memory_space<vmem>>, vector<10000x32xf32>,
    return
  }
}

module attributes {stable_mosaic.version = 14 : i64} {
  func.func @_mlp3_body(%arg0: memref<10000x32xf32, #tpu.memory_space<vmem>>, %arg1: memref<20480x32xf32, #tpu.memory_space<vmem>>, %arg2: memref<32x32xf32, #tpu.memory_space<vmem>>, %arg3: memref<1x32xf32, #tpu.memory_space<vmem>>, %arg4: memref<32x16xf32, #tpu.memory_space<vmem>>, %arg5: memref<1x16xf32, #tpu.memory_space<vmem>>, %arg6: memref<1x16xf32, #tpu.memory_space<vmem>>, %arg7: memref<1x16xf32, #tpu.memory_space<vmem>>, %arg8: memref<16x16xf32, #tpu.memory_space<vmem>>, %arg9: memref<1x16xf32, #tpu.memory_space<vmem>>, %arg10: memref<16x10xf32, #tpu.memory_space<vmem>>, %arg11: memref<1x10xf32, #tpu.memory_space<vmem>>, %arg12: memref<10000x10xf32, #tpu.memory_space<vmem>>) attributes {dimension_semantics = [], scalar_prefetch = 0 : i64, scratch_operands = 0 : i64, tpu.core_type = #tpu.core_type<tc>} {
    %get3A = arith.constant 0 : index
    %get3A_0 = arith.constant 0 : index
    %get3A_1 = vector.load %arg0[%get3A, %get3A_0] : memref<10000x32xf32, #tpu.memory_space<vmem>>, vector<10000x32xf32>
    %get3A_2 = arith.constant 0 : index
    %get3A_3 = arith.constant 0 : index
    %get3A_4 = vector.load %arg1[%get3A_2, %get3A_3] : memref<20480x32xf32, #tpu.memory_space<vmem>>, vector<10000x32xf32>
    %add3A = arith.addf %get3A_1, %get3A_4 : vector<10000x32xf32>
    %get3A_5 = arith.constant 10240 : index
    %get3A_6 = arith.constant 0 : index
    %get3A_7 = vector.load %arg1[%get3A_5, %get3A_6] : memref<20480x32xf32, #tpu.memory_space<vmem>>, vector<10000x32xf32>
    %add3A_8 = arith.addf %add3A, %get3A_7 : vector<10000x32xf32>
    %get3A_9 = arith.constant 0 : index
    %get3A_10 = arith.constant 0 : index
    %get3A_11 = vector.load %arg2[%get3A_9, %get3A_10] : memref<32x32xf32, #tpu.memory_space<vmem>>, vector<32x32xf32>
    %dot_general3A = arith.constant dense<0.000000e+00> : vector<10000x32xf32>
    %dot_general3A_12 = tpu.matmul %add3A_8, %get3A_11, %dot_general3A {dimension_numbers = #tpu.dot_dimension_numbers<[1], [0], [0], [1], [0, 0, 1, 1], [], []>, transpose_lhs_hint = false} : vector<10000x32xf32>, vector<32x32xf32>, vector<10000x32xf32> -> vector<10000x32xf32>
    %get3A_13 = arith.constant 0 : index
    %get3A_14 = arith.constant 0 : index
    %get3A_15 = vector.load %arg3[%get3A_13, %get3A_14] : memref<1x32xf32, #tpu.memory_space<vmem>>, vector<1x32xf32>
    %add3A_16 = vector.broadcast %get3A_15 : vector<1x32xf32> to vector<10000x32xf32>
    %add3A_17 = arith.addf %dot_general3A_12, %add3A_16 : vector<10000x32xf32>
    %max3A = arith.constant 0.000000e+00 : f32
    %max3A_18 = vector.broadcast %max3A : f32 to vector<10000x32xf32>
    %max3A_19 = arith.maximumf %add3A_17, %max3A_18 : vector<10000x32xf32>
    %get3A_20 = arith.constant 0 : index
    %get3A_21 = arith.constant 0 : index
    %get3A_22 = vector.load %arg4[%get3A_20, %get3A_21] : memref<32x16xf32, #tpu.memory_space<vmem>>, vector<32x16xf32>
    %dot_general3A_23 = arith.constant dense<0.000000e+00> : vector<10000x16xf32>
    %dot_general3A_24 = tpu.matmul %max3A_19, %get3A_22, %dot_general3A_23 {dimension_numbers = #tpu.dot_dimension_numbers<[1], [0], [0], [1], [0, 0, 1, 1], [], []>, transpose_lhs_hint = false} : vector<10000x32xf32>, vector<32x16xf32>, vector<10000x16xf32> -> vector<10000x16xf32>
    %get3A_25 = arith.constant 0 : index
    %get3A_26 = arith.constant 0 : index
    %get3A_27 = vector.load %arg5[%get3A_25, %get3A_26] : memref<1x16xf32, #tpu.memory_space<vmem>>, vector<1x16xf32>
    %add3A_28 = vector.broadcast %get3A_27 : vector<1x16xf32> to vector<10000x16xf32>
    %add3A_29 = arith.addf %dot_general3A_24, %add3A_28 : vector<10000x16xf32>
    %max3A_30 = arith.constant 0.000000e+00 : f32
    %max3A_31 = vector.broadcast %max3A_30 : f32 to vector<10000x16xf32>
    %max3A_32 = arith.maximumf %add3A_29, %max3A_31 : vector<10000x16xf32>
    %get3A_33 = arith.constant 0 : index
    %get3A_34 = arith.constant 0 : index
    %get3A_35 = vector.load %arg6[%get3A_33, %get3A_34] : memref<1x16xf32, #tpu.memory_space<vmem>>, vector<1x16xf32>
    %get3A_36 = arith.constant 0 : index
    %get3A_37 = arith.constant 0 : index
    %get3A_38 = vector.load %arg7[%get3A_36, %get3A_37] : memref<1x16xf32, #tpu.memory_space<vmem>>, vector<1x16xf32>
    %reduce_sum3A = arith.constant dense<0.000000e+00> : vector<16xf32>
    %reduce_sum3A_39 = vector.multi_reduction <add>, %max3A_32, %reduce_sum3A [0] : vector<10000x16xf32> to vector<16xf32>
    %div3A = arith.constant 1.000000e+04 : f32
    %div3A_40 = vector.broadcast %div3A : f32 to vector<16xf32>
    %div3A_41 = arith.divf %reduce_sum3A_39, %div3A_40 : vector<16xf32>
    %jit3A = arith.constant 0 : i32
    %reduce_sum3A_42 = arith.constant dense<0.000000e+00> : vector<16xf32>
    %reduce_sum3A_43 = vector.multi_reduction <add>, %max3A_32, %reduce_sum3A_42 [0] : vector<10000x16xf32> to vector<16xf32>
    %broadcast_in_dim3A = vector.shape_cast %reduce_sum3A_43 : vector<16xf32> to vector<1x16xf32>
    %div3A_44 = arith.constant 1.000000e+04 : f32
    %div3A_45 = vector.broadcast %div3A_44 : f32 to vector<1x16xf32>
    %div3A_46 = arith.divf %broadcast_in_dim3A, %div3A_45 : vector<1x16xf32>
    %sub3A = vector.broadcast %div3A_46 : vector<1x16xf32> to vector<10000x16xf32>
    %sub3A_47 = arith.subf %max3A_32, %sub3A : vector<10000x16xf32>
    %square3A = arith.mulf %sub3A_47, %sub3A_47 : vector<10000x16xf32>
    %convert_element_type3A = arith.sitofp %jit3A : i32 to f32
    %sub3A_48 = arith.constant 1.000000e+04 : f32
    %sub3A_49 = arith.subf %sub3A_48, %convert_element_type3A : f32
    %reduce_sum3A_50 = arith.constant dense<0.000000e+00> : vector<16xf32>
    %reduce_sum3A_51 = vector.multi_reduction <add>, %square3A, %reduce_sum3A_50 [0] : vector<10000x16xf32> to vector<16xf32>
    %div3A_52 = vector.broadcast %sub3A_49 : f32 to vector<16xf32>
    %div3A_53 = arith.divf %reduce_sum3A_51, %div3A_52 : vector<16xf32>
    %gt3A = arith.constant 0.000000e+00 : f32
    %gt3A_54 = arith.cmpf ogt, %sub3A_49, %gt3A : f32
    %jit3A_55 = arith.constant 0x7FC00000 : f32
    %broadcast_in_dim3A_56 = vector.broadcast %jit3A_55 : f32 to vector<16xf32>
    %select_n3A = arith.select %gt3A_54, %div3A_53, %broadcast_in_dim3A_56 : vector<16xf32>
    %broadcast_in_dim3A_57 = vector.shape_cast %div3A_41 : vector<16xf32> to vector<1x16xf32>
    %sub3A_58 = vector.broadcast %broadcast_in_dim3A_57 : vector<1x16xf32> to vector<10000x16xf32>
    %sub3A_59 = arith.subf %max3A_32, %sub3A_58 : vector<10000x16xf32>
    %add3A_60 = arith.constant 9.99999974E-6 : f32
    %add3A_61 = vector.broadcast %add3A_60 : f32 to vector<16xf32>
    %add3A_62 = arith.addf %select_n3A, %add3A_61 : vector<16xf32>
    %sqrt3A = math.sqrt %add3A_62 : vector<16xf32>
    %broadcast_in_dim3A_63 = vector.shape_cast %sqrt3A : vector<16xf32> to vector<1x16xf32>
    %div3A_64 = vector.broadcast %broadcast_in_dim3A_63 : vector<1x16xf32> to vector<10000x16xf32>
    %div3A_65 = arith.divf %sub3A_59, %div3A_64 : vector<10000x16xf32>
    %mul3A = vector.broadcast %get3A_35 : vector<1x16xf32> to vector<10000x16xf32>
    %mul3A_66 = arith.mulf %div3A_65, %mul3A : vector<10000x16xf32>
    %add3A_67 = vector.broadcast %get3A_38 : vector<1x16xf32> to vector<10000x16xf32>
    %add3A_68 = arith.addf %mul3A_66, %add3A_67 : vector<10000x16xf32>
    %get3A_69 = arith.constant 0 : index
    %get3A_70 = arith.constant 0 : index
    %get3A_71 = vector.load %arg8[%get3A_69, %get3A_70] : memref<16x16xf32, #tpu.memory_space<vmem>>, vector<16x16xf32>
    %dot_general3A_72 = arith.constant dense<0.000000e+00> : vector<10000x16xf32>
    %dot_general3A_73 = tpu.matmul %add3A_68, %get3A_71, %dot_general3A_72 {dimension_numbers = #tpu.dot_dimension_numbers<[1], [0], [0], [1], [0, 0, 1, 1], [], []>, transpose_lhs_hint = false} : vector<10000x16xf32>, vector<16x16xf32>, vector<10000x16xf32> -> vector<10000x16xf32>
    %get3A_74 = arith.constant 0 : index
    %get3A_75 = arith.constant 0 : index
    %get3A_76 = vector.load %arg9[%get3A_74, %get3A_75] : memref<1x16xf32, #tpu.memory_space<vmem>>, vector<1x16xf32>
    %add3A_77 = vector.broadcast %get3A_76 : vector<1x16xf32> to vector<10000x16xf32>
    %add3A_78 = arith.addf %dot_general3A_73, %add3A_77 : vector<10000x16xf32>
    %max3A_79 = arith.constant 0.000000e+00 : f32
    %max3A_80 = vector.broadcast %max3A_79 : f32 to vector<10000x16xf32>
    %max3A_81 = arith.maximumf %add3A_78, %max3A_80 : vector<10000x16xf32>
    %get3A_82 = arith.constant 0 : index
    %get3A_83 = arith.constant 0 : index
    %get3A_84 = vector.load %arg10[%get3A_82, %get3A_83] : memref<16x10xf32, #tpu.memory_space<vmem>>, vector<16x10xf32>
    %dot_general3A_85 = arith.constant dense<0.000000e+00> : vector<10000x10xf32>
    %dot_general3A_86 = tpu.matmul %max3A_81, %get3A_84, %dot_general3A_85 {dimension_numbers = #tpu.dot_dimension_numbers<[1], [0], [0], [1], [0, 0, 1, 1], [], []>, transpose_lhs_hint = false} : vector<10000x16xf32>, vector<16x10xf32>, vector<10000x10xf32> -> vector<10000x10xf32>
    %get3A_87 = arith.constant 0 : index
    %get3A_88 = arith.constant 0 : index
    %get3A_89 = vector.load %arg11[%get3A_87, %get3A_88] : memref<1x10xf32, #tpu.memory_space<vmem>>, vector<1x10xf32>
    %add3A_90 = vector.broadcast %get3A_89 : vector<1x10xf32> to vector<10000x10xf32>
    %add3A_91 = arith.addf %dot_general3A_86, %add3A_90 : vector<10000x10xf32>
    %tanh3A = math.tanh %add3A_91 : vector<10000x10xf32>
    %swap3A = arith.constant 0 : index
    %swap3A_92 = arith.constant 0 : index
    %swap3A_93 = vector.load %arg12[%swap3A, %swap3A_92] : memref<10000x10xf32, #tpu.memory_space<vmem>>, vector<10000x10xf32>
    tpu.vector_store %arg12[%swap3A, %swap3A_92], %tanh3A {strides = array<i32>} : memref<10000x10xf32, #tpu.memory_space<vmem>>, vector<10000x10xf32>,
    return
  }
}

</mosaic_0001>

<sc_bundles>
// kernel: kernel.11.cloned.1.call-start
scs
__scs_entry_jumppad:
0x0: {  	(pc) =	sbr.rel $0x88, $3  }
0x1: {  	(tag) =	ssettag $0x0;
	lr =	simm.s32 $0x1  }
0x2: {  	[smem:$0x3F85] =	sst lr;
	_ =	strace $0xD0000000  }
0x3: {  	_ = 	snop  }
0x4: {  	_ = 	snop  }
0x5: {  	_ = 	snop  }
0x6: {  	_ = 	snop  }
0x7: {  	_ = 	snop  }
__scs_overlays_trampoline_lowered:
0x8: {  	[smem:$0x3F94] =	sst s0  }
0x9: {  	[smem:$0x3F95] =	sst s1  }
0xa: {  	[smem:$0x3F96] =	sst s2  }
0xb: {  	[smem:$0x3F97] =	sst s3  }
0xc: {  	[smem:$0x3F98] =	sst s4  }
0xd: {  	[smem:$0x3F99] =	sst s5  }
0xe: {  	[smem:$0x3F9A] =	sst s6  }
0xf: {  	[smem:$0x3F9B] =	sst s7  }
0x10: {  	[smem:$0x3F9C] =	sst s8  }
0x11: {  	[smem:$0x3F9D] =	sst s9;
	s0 =	simm.s32 @!p0 $0x0  }
0x12: {  	s1 =	sld [smem:$0x3F83];
	s0 =	simm.s32 @p0 $0x1  }
0x13: {  	[smem:$0x3F9E] =	sst s0;
	s0 =	simm.s32 @!p1 $0x0  }
0x14: {  	s2 =	sld [smem:$0x3F82];
	s0 =	simm.s32 @p1 $0x1  }
0x15: {  	[smem:$0x3F9F] =	sst s0;
	s0 =	simm.s32 @!p2 $0x0  }
0x16: {  	s3 =	sld [smem:$0x3FDB];
	s0 =	simm.s32 @p2 $0x1  }
0x17: {  	s4 =	simm.s32 $0x1BF5;
	[smem:$0x3FA1] =	sst s0  }
0x18: {  	s0 =	sld [smem:$0x3F84];
	_ =	swait.ge [sflag:s4], $0x0  }
0x19: {  	s7 =	sld [smem:$0x3F85]  }
0x1a: {  	s8 =	sadd.s32 $0xFFFFE003, lr  }
0x1b: {  	s9 =	sadd.s32 $0xFFFFFEF7, lr;
	s5 =	simm.s32 $0xFFFFFFFF;
	p2 =	slt.u32 s8, $0xFFFFF086  }
0x1c: {  	p1 =	slt.u32 s9, $0xF7A;
	s5 =	simm.s32 @!p2 $0x0  }
0x1d: {  	s5 =	simm.s32 @p1 $0x1;
	p0 =	seq.s32 s7, s2  }
0x1e: {  	s7 =	smul.u32 @!p0 $0xF7A, s2;
	p2 =	seq.s32 @!p0 s5, $0x0  }
0x1f: {  	s9 =	smul.u32 $0xF7A, s1;
	s8 =	simm.s32 @!p0 $0x1BF5;
	p2 =	por !p2, p0  }
0x20: {  	[sflag:s8] =	ssyncset.s32 @!p0 $0xFFFFF086;
	s6 =	sadd.s32 @!p0 s3, s7;
	s7 =	simm.s32 @!p0 $0x108  }
0x21: {  	s3 =	sadd.s32 s3, s9;
	s6 =	sadd.s32 @!p0 $0x88, s6;
	s7 =	simm.s32 @p2 $0x1082  }
0x22: {  	[simem:s7], [sflag:s8] =	dma.local @!p0 [hbm:s6], $0xF7A  }
0x23: {  	s9 =	sor.u32 $0xD0000000, s2;
	s6 =	simm.s32 $0x108;
	_ =	swait.ge @!p0 [sflag:s8], $0x0  }
0x24: {  	s3 =	sadd.s32 $0x88, s3;
	s6 =	simm.s32 @!p1 $0x1082;
	[sflag:s4] =	ssyncset.s32 $0xFFFFF086  }
0x25: {  	[simem:s6], [sflag:s4] =	dma.local [hbm:s3], $0xF7A  }
0x26: {  	[smem:$0x3F85] =	sst s1;
	(tag) =	ssettag s2;
	_ =	strace s9  }
0x27: {  	s1 =	sld [smem:$0x3F95]  }
0x28: {  	s2 =	sld [smem:$0x3F96]  }
0x29: {  	s4 =	sld [smem:$0x3F98]  }
0x2a: {  	p0 =	seq.s32 s5, $0x0;
	s5 =	sld [smem:$0x3F99]  }
0x2b: {  	s6 =	sld [smem:$0x3F9A]  }
0x2c: {  	s7 =	sld [smem:$0x3F9B]  }
0x2d: {  	s3 =	simm.s32 $0x108;
	s8 =	sld [smem:$0x3F9C]  }
0x2e: {  	s3 =	simm.s32 @!p0 $0x1082;
	s9 =	sld [smem:$0x3F9D]  }
0x2f: {  	lr =	sadd.s32 s0, s3;
	s0 =	sld [smem:$0x3F94]  }
0x30: {  	s3 =	sld [smem:$0x3F97]  }
0x31: {  	[smem:$0x3FA0] =	sst s10  }
0x32: {  	s10 =	sld [smem:$0x3F9E];
	_ =	sdelay $0x3  }
0x33: {  	p0 =	seq.s32 s10, $0x1;
	s10 =	sld [smem:$0x3FA0];
	_ =	sdelay $0x3  }
0x34: {  	[smem:$0x3FA0] =	sst s10  }
0x35: {  	s10 =	sld [smem:$0x3F9F];
	_ =	sdelay $0x3  }
0x36: {  	p1 =	seq.s32 s10, $0x1;
	s10 =	sld [smem:$0x3FA0];
	_ =	sdelay $0x3  }
0x37: {  	[smem:$0x3FA0] =	sst s10  }
0x38: {  	s10 =	sld [smem:$0x3FA1]  }
0x39: {  	_ = 	snop;
	(pc) =	sbr.ind lr, $3  }
0x3a: {  	_ = 	snop  }
0x3b: {  	_ = 	snop  }
0x3c: {  	p2 =	seq.s32 s10, $0x1;
	s10 =	sld [smem:$0x3FA0]  }
0x3d: {  	_ =	shalt  }
0x3e: {  	_ =	shalt  }
0x3f: {  	_ =	shalt  }
0x40: {  	_ =	shalt  }
0x41: {  	_ =	shalt  }
0x42: {  	_ =	shalt  }
0x43: {  	_ =	shalt  }
0x44: {  	_ =	shalt  }
0x45: {  	_ =	shalt  }
0x46: {  	_ =	shalt  }
0x47: {  	_ =	shalt  }
0x48: {  	_ =	shalt  }
0x49: {  	_ =	shalt  }
0x4a: {  	_ =	shalt  }
0x4b: {  	_ =	shalt  }
0x4c: {  	_ =	shalt  }
0x4d: {  	_ =	shalt  }
0x4e: {  	_ =	shalt  }
0x4f: {  	_ =	shalt  }
0x50: {  	_ =	shalt  }
0x51: {  	_ =	shalt  }
0x52: {  	_ =	shalt  }
0x53: {  	_ =	shalt  }
0x54: {  	_ =	shalt  }
0x55: {  	_ =	shalt  }
0x56: {  	_ =	shalt  }
0x57: {  	_ =	shalt  }
0x58: {  	_ =	shalt  }
0x59: {  	_ =	shalt  }
0x5a: {  	_ =	shalt  }
0x5b: {  	_ =	shalt  }
0x5c: {  	_ =	shalt  }
0x5d: {  	_ =	shalt  }
0x5e: {  	_ =	shalt  }
0x5f: {  	_ =	shalt  }
0x60: {  	_ =	shalt  }
0x61: {  	_ =	shalt  }
0x62: {  	_ =	shalt  }
0x63: {  	_ =	shalt  }
0x64: {  	_ =	shalt  }
0x65: {  	_ =	shalt  }
0x66: {  	_ =	shalt  }
0x67: {  	_ =	shalt  }
0x68: {  	_ =	shalt  }
0x69: {  	_ =	shalt  }
0x6a: {  	_ =	shalt  }
0x6b: {  	_ =	shalt  }
0x6c: {  	_ =	shalt  }
0x6d: {  	_ =	shalt  }
0x6e: {  	_ =	shalt  }
0x6f: {  	_ =	shalt  }
0x70: {  	_ =	shalt  }
0x71: {  	_ =	shalt  }
0x72: {  	_ =	shalt  }
0x73: {  	_ =	shalt  }
0x74: {  	_ =	shalt  }
0x75: {  	_ =	shalt  }
0x76: {  	_ =	shalt  }
0x77: {  	_ =	shalt  }
0x78: {  	_ =	shalt  }
0x79: {  	_ =	shalt  }
0x7a: {  	_ =	shalt  }
0x7b: {  	_ =	shalt  }
0x7c: {  	_ =	shalt  }
0x7d: {  	_ =	shalt  }
0x7e: {  	_ =	shalt  }
0x7f: {  	_ =	shalt  }
0x80: {  	_ =	shalt  }
0x81: {  	_ =	shalt  }
0x82: {  	_ =	shalt  }
0x83: {  	_ =	shalt  }
0x84: {  	_ =	shalt  }
0x85: {  	_ =	shalt  }
0x86: {  	_ =	shalt  }
0x87: {  	_ =	shalt  }
.Lfunc_end0:
.L_simem_size_0:
called_computation.1_lowered:
.L_overlay_start_0:
0x88: {  	s2 =	sld [smem:$0x3FD9]  }
0x89: {  	s3 =	sld [smem:$0x3FFE];
	_ =	sdelay $0x1  }
0x8a: {  	s1 =	srdreg.scid  }
0x8b: {  	s0 =	sand.u32 $0x1, s1  }
0x8c: {  	s16 =	sshll.u32 s0, $0xA;
	s2 =	sadd.s32 s3, s2  }
0x8d: {  	s2 =	sadd.s32 s2, s16  }
0x8e: {  	[smem:$0x3FAC] =	sst s2  }
0x8f: {  	_ = 	snop  }
0x90: {  	(tm) =	ssettm $0x1  }
0x91: {  	s17 =	sld [smem:$0x3FFB];
	_ =	sdelay $0x3  }
0x92: {  	_ =	strace s17  }
0x93: {  	s2 =	sld [smem:$0x3FFC];
	_ =	sdelay $0x3  }
0x94: {  	_ =	strace s2  }
0x95: {  	s2 =	sld [smem:$0x3FFD];
	_ =	sdelay $0x3  }
0x96: {  	_ =	strace s2  }
0x97: {  	_ =	strace $0x8FFFFFFF  }
0x98: {  	s18 =	sld [smem:$0x3FDB];
	_ =	sdelay $0x1  }
0x99: {  	s19 =	simm.s32 $_scs_section_size  }
0x9a: {  	s4 =	simm.s32 $_size__tile_overlayer_lowered;
	s5 =	simm.s32 $_tile_overlayer_lowered  }
0x9b: {  	s22 =	simm.s32 $0x1BFF;
	s21 =	sshll.u32 s5, $0x1;
	s2 =	sadd.s32 s19, s18  }
0x9c: {  	s6 =	simm.s32 $0x0;
	s20 =	sshll.u32 s4, $0x1;
	s4 =	sadd.s32 s21, s2  }
0x9d: {  	[timem:s6], [sflag:s22] =	dma.local [hbm:s4], s20  }
0x9e: {  	_ =	swait.ge [sflag:s22], s20  }
0x9f: {  	s3 =	ssub.s32 $0x0, s20;
	[sflag:s22] =	ssyncset.done $0x0  }
0xa0: {  	[sflag:s22] =	ssyncadd.s32 s3;
	_ =	sdelay $0x1  }
0xa1: {  	s23 =	simm.s32 $0x1B8B  }
0xa2: {  	_ =	swait.ge [sflag:s23], $0x1  }
0xa3: {  	[sflag:s23] =	ssyncset.done $0x0  }
0xa4: {  	s25 =	simm.s32 $0x1B8E;
	s24 =	sld [smem:$0x3FFE];
	[sflag:s23] =	ssyncadd.s32 $0xFFFFFFFF  }
0xa5: {  	s26 =	simm.s32 $execute0_lowered;
	[smem:$0x3FD2] =	sst s25  }
0xa6: {  	s4 =	sshll.u32 s26, $0x1;
	_ =	strace $0x80000049;
	[dreg:$0x1] =	wrdreg $0xFFFFFFFF  }
0xa7: {  	s28 =	simm.s32 $_size_execute0_lowered;
	s2 =	sadd.s32 s2, s4;
	[dreg:$0x0] =	wrdreg $0x0  }
0xa8: {  	s4 =	sshll.u32 s28, $0x1;
	[dreg:$0x2] =	wrdreg s2  }
0xa9: {  	[dreg:$0x3] =	wrdreg s4  }
0xaa: {  	[dreg:$0x4] =	wrdreg $0xC0  }
0xab: {  	_ =	task [dreg:s6], $0x5FFFF  }
0xac: {  	[dreg:$0x1] =	wrdreg $0xFFFFFFFF  }
0xad: {  	[dreg:$0x0] =	wrdreg $0x60  }
0xae: {  	[dreg:$0x2] =	wrdreg s24  }
0xaf: {  	[dreg:$0x3] =	wrdreg $0xA9400  }
0xb0: {  	[dreg:$0x4] =	wrdreg $0x9  }
0xb1: {  	_ =	task.clear_ibuf [dreg:s6], $0x5FFFF;
	_ =	strace $0x90000049  }
0xb2: {  	s29 =	simm.s32 $0x9;
	_ =	strace $0x8000004B  }
0xb3: {  	_ =	swait.ge [sflag:s29], $0x1  }
0xb4: {  	[sflag:s29] =	ssyncadd.s32 $0xFFFFFFFF  }
0xb5: {  	_ =	strace $0x9000004B  }
0xb6: {  	_ =	sfence  }
0xb7: {  	s30 =	sld [smem:$0x0];
	_ =	sdelay $0x2  }
0xb8: {  	s31 =	sshll.u32 s1, $0xD;
	s1 =	sshrl.u32 s1, $0x2  }
0xb9: {  	s3 =	sand.u32 $0x4000, s31;
	s1 =	sadd.s32 s1, s30  }
0xba: {  	s0 =	sor.u32 s3, s0;
	s1 =	sshll.u32 s1, $0x11  }
0xbb: {  	s0 =	sor.u32 s1, s0  }
0xbc: {  	s0 =	sadd.s32 $0x8F2B, s0  }
0xbd: {  	[sflag:s0] =	ssyncadd.remote.s32 $0x1  }
0xbe: {  	_ =	sfence.sel $0xFFFF  }
0xbf: {  	[dreg:$0x0] =	wrdreg $0xFFFFFFFF;
	(pc) =	sbr.abs _section_cstart, $3  }
0xc0: {  	[dreg:$0x1] =	wrdreg $0xFFFFFFFF  }
0xc1: {  	_ =	task.clear_ibuf [dreg:s6], $0x2FFFF;
	_ =	strace $0x9FFFFFFF  }
0xc2: {  	(tm) =	ssettm $0x7FFFFFFF  }
0xc3: {  	_ =	shalt  }
tec
execute0_lowered:
.L_overlay_start_1:
0x0: {  	(tag) =	ssettag $0x1  }
0x1: {  	s5 =	rddreg [dreg:$0x0]  }
0x2: {  	s2 =	rddreg [dreg:$0x1]  }
0x3: {  	s0 =	rddreg [dreg:$0x2];
	s4 =	srdreg.scid  }
0x4: {  	s3 =	simm.s32 $0x0;
	s1 =	stileid.u32;
	s15 =	simm.s32 $0x4  }
0x5: {  	s16 =	simm.s32 $0x50;
	s17 =	simm.s32 $0x2940;
	s18 =	simm.s32 $0x5140  }
0x6: {  	s19 =	simm.s32 $0x1;
	s20 =	simm.s32 $0x7940;
	s21 =	simm.s32 $0x2  }
0x7: {  	s22 =	simm.s32 $0x3;
	s23 =	simm.s32 $0x1450;
	s24 =	simm.s32 $0x2850  }
0x8: {  	s25 =	simm.s32 $0x28A0;
	s26 =	simm.s32 $0x28F0;
	s28 =	simm.s32 $0x0  }
0x9: {  	s6 =	sand.u32 $0x1, s4;
	[smem:$0x7FF] =	sst s3;
	s7 =	smul.u32 $0x2800, s1  }
0xa: {  	s10 =	sadd.s32 $0x5000, s5;
	s11 =	sadd.s32 $0xF600, s5;
	s12 =	smul.u32 $0x50000, s1  }
0xb: {  	s4 =	sshll.u32 s6, $0x4;
	_ =	strace $0x8000004A;
	s8 =	smul.u32 $0x28000, s6  }
0xc: {  	s6 =	ssub.s32 $0x2, s6;
	s9 =	sor.u32 s1, s4;
	s4 =	sadd.s32 $0x19C00, s5  }
0xd: {  	s30 =	sshrl.u32 s6, $0x1;
	s31 =	sshrl.u32 s12, $0x2;
	s9 =	smul.u32 $0x2940, s9  }
0xe: {  	s12 =	simm.s32 $0x14A0;
	s7 =	sadd.s32 s7, s8;
	s14 =	ssub.s32 s6, s30  }
0xf: {  	s13 =	sadd.s32 s7, s5;
	s7 =	sadd.s32 s31, s2;
	s9 =	sshrl.u32 s9, $0x3  }
0x10: {  	s5 =	sadd.s32 s10, s9;
	s6 =	sadd.s32 s11, s9;
	s9 =	sadd.s32 $0x294, s9  }
0x11: {  	s8 =	sadd.s32 s10, s9;
	s9 =	sadd.s32 s11, s9;
	s10 =	sadd.s32 $0x40E00, s13  }
0x12: {  	v0 =	vimm.f32 $0.0e+00;
	s11 =	smax.u32 s14, $0x1;
	s13 =	simm.s32 $0xA140;
	s14 =	simm.s32 $0x5  }
.LBB2_1:
0x13: {  	[tilespmem:s3], [sflag:$0x4] =	stream.linear.gather [hbm4b:s5+s3], $0x14A0, $0x38;
	[tilespmem:$0x1E940] =	vst v63  }
0x14: {  	s29 =	simm.s32 $0x0;
	s30 =	simm.s32 $0x200  }
0x15: {  	[tilespmem:s12], [sflag:$0x4] =	stream.linear.gather [hbm4b:s6+s3], $0x14A0, $0x38;
	[tilespmem:$0x1E940] =	vst v63  }
.LBB2_2:
0x16: {  	p0 =	sne.s32 s30, $0x1E00;
	[tilespmem:s29+$0xA1B0] =	vst v0  }
0x17: {  	[tilespmem:s29+$0xA140] =	vst v0  }
0x18: {  	[tilespmem:s29+$0xA150] =	vst v0  }
.Ltmp0:
0x19: {  	[tilespmem:s29+$0xA160] =	vst v0;
	(pc) =	sbr.rel @p0 .LBB2_2-.Ltmp0, $4  }
0x1a: {  	[tilespmem:s29+$0xA170] =	vst v0  }
0x1b: {  	[tilespmem:s29+$0xA180] =	vst v0  }
0x1c: {  	[tilespmem:s29+$0xA190] =	vst v0  }
0x1d: {  	[tilespmem:s29+$0xA1A0] =	vst v0;
	s29 =	sshra.s32 s30, $0x2;
	s30 =	sadd.s32 $0x200, s30  }
0x1e: {  	[tilespmem:s29+$0xA1B0] =	vst v0  }
0x1f: {  	[tilespmem:s29+$0xA140] =	vst v0  }
0x20: {  	[tilespmem:s29+$0xA150] =	vst v0  }
0x21: {  	[tilespmem:s29+$0xA160] =	vst v0  }
0x22: {  	[tilespmem:s29+$0xA170] =	vst v0  }
0x23: {  	[tilespmem:s29+$0xA180] =	vst v0  }
0x24: {  	[tilespmem:s29+$0xA190] =	vst v0  }
0x25: {  	[tilespmem:s29+$0xA1A0] =	vst v0;
	s29 =	sadd.s32 $0x0, s7  }
0x26: {  	[spmem:s29] =	stream.linear.scatter [tilespmem:s13], [sflag:$0x5], $0x800, $0x38;
	[tilespmem:$0x1E940] =	vst v63  }
0x27: {  	s29 =	simm.s32 $0x2000;
	_ =	swait.ge [sflag:s14], $0x800  }
.LBB2_4:
0x28: {  	s30 =	sshra.s32 s29, $0x2;
	[sflag:s14] =	ssyncset.done $0x0;
	p0 =	sne.s32 s29, $0x4E000  }
.Ltmp1:
0x29: {  	s30 =	sadd.s32 s30, s7;
	[sflag:s14] =	ssyncadd.s32 $0xFFFFF800;
	(pc) =	sbr.rel @p0 .LBB2_4-.Ltmp1, $3  }
0x2a: {  	[spmem:s30] =	stream.linear.scatter [tilespmem:s13], [sflag:$0x5], $0x800, $0x38;
	[tilespmem:$0x1E940] =	vst v63  }
0x2b: {  	s29 =	sadd.s32 $0x2000, s29;
	_ =	sdelay $0x1  }
0x2c: {  	_ =	swait.ge [sflag:s14], $0x800  }
0x2d: {  	[sflag:s14] =	ssyncset.done $0x0  }
0x2e: {  	[sflag:s14] =	ssyncadd.s32 $0xFFFFF800  }
0x2f: {  	_ =	swait.ge [sflag:s15], $0x14A0  }
0x30: {  	[sflag:s15] =	ssyncset.done $0x0  }
0x31: {  	[sflag:s15] =	ssyncadd.s32 $0xFFFFEB60  }
0x32: {  	_ =	swait.ge [sflag:s15], $0x14A0  }
0x33: {  	[sflag:s15] =	ssyncset.done $0x0  }
0x34: {  	[sflag:s15] =	ssyncadd.s32 $0xFFFFEB60  }
0x35: {  	s29 =	simm.s32 $0x0;
	[bflag:$0x0] =	sbarrier.arrive $0xFFFF  }
0x36: {  	[tilespmem:s17], [sflag:$0x1] =	stream.indirect.gather [hbm4b:s4+s16], $0x80, s29, s16, $0xb8;
	[tilespmem:$0x1E940] =	vst v63  }
0x37: {  	_ = 	snop  }
0x38: {  	[tilespmem:s18], [sflag:$0x2] =	stream.indirect.gather [hbm4b:s4+s16], $0x80, s16, s16, $0xb8;
	[tilespmem:$0x1E940] =	vst v63  }
0x39: {  	_ =	swait.ge [sflag:s19], $0x2800  }
0x3a: {  	[sflag:s19] =	ssyncset.done $0x0  }
0x3b: {  	s29 =	simm.s32 $0xA0;
	[sflag:s19] =	ssyncadd.s32 $0xFFFFD800  }
0x3c: {  	[tilespmem:s20], [sflag:$0x3] =	stream.indirect.gather [hbm4b:s4+s16], $0x80, s29, s16, $0xb8;
	[tilespmem:$0x1E940] =	vst v63  }
0x3d: {  	s29 =	simm.s32 $0x14A0  }
0x3e: {  	[spmem:s2] =	stream.indirect.scatter.add.f32 [tilespmem:s17], [sflag:$0x5], $0x80, s29, s16, $0xb8;
	[tilespmem:$0x1E940] =	vst v63  }
0x3f: {  	_ =	swait.ge [sflag:s14], $0x2800  }
0x40: {  	[sflag:s14] =	ssyncset.done $0x0  }
0x41: {  	[sflag:s14] =	ssyncadd.s32 $0xFFFFD800  }
0x42: {  	_ =	swait.ge [sflag:s21], $0x2800  }
0x43: {  	[sflag:s21] =	ssyncset.done $0x0  }
0x44: {  	s29 =	simm.s32 $0xF0;
	[sflag:s21] =	ssyncadd.s32 $0xFFFFD800  }
0x45: {  	[tilespmem:s17], [sflag:$0x1] =	stream.indirect.gather [hbm4b:s4+s16], $0x80, s29, s16, $0xb8;
	[tilespmem:$0x1E940] =	vst v63  }
0x46: {  	s29 =	simm.s32 $0x14F0  }
0x47: {  	[spmem:s2] =	stream.indirect.scatter.add.f32 [tilespmem:s18], [sflag:$0x5], $0x80, s29, s16, $0xb8;
	[tilespmem:$0x1E940] =	vst v63  }
0x48: {  	_ =	swait.ge [sflag:s14], $0x2800  }
0x49: {  	[sflag:s14] =	ssyncset.done $0x0  }
0x4a: {  	[sflag:s14] =	ssyncadd.s32 $0xFFFFD800  }
0x4b: {  	_ =	swait.ge [sflag:s22], $0x2800  }
0x4c: {  	[sflag:s22] =	ssyncset.done $0x0  }
0x4d: {  	s29 =	simm.s32 $0x140;
	[sflag:s22] =	ssyncadd.s32 $0xFFFFD800  }
0x4e: {  	[tilespmem:s18], [sflag:$0x2] =	stream.indirect.gather [hbm4b:s4+s16], $0x80, s29, s16, $0xb8;
	[tilespmem:$0x1E940] =	vst v63  }
0x4f: {  	s29 =	simm.s32 $0x1540  }
0x50: {  	[spmem:s2] =	stream.indirect.scatter.add.f32 [tilespmem:s20], [sflag:$0x5], $0x80, s29, s16, $0xb8;
	[tilespmem:$0x1E940] =	vst v63  }
0x51: {  	_ =	swait.ge [sflag:s14], $0x2800  }
0x52: {  	s29 =	simm.s32 $0x3C0;
	[sflag:s14] =	ssyncset.done $0x0  }
.LBB2_6:
0x53: {  	p0 =	sne.s32 s29, $0x4B00  }
0x54: {  	[sflag:s14] =	ssyncadd.s32 $0xFFFFD800;
	s30 =	smov.u32 s29;
	s29 =	sadd.s32 $0x3C0, s29  }
0x55: {  	_ = 	snop  }
0x56: {  	_ =	swait.ge [sflag:s19], $0x2800  }
0x57: {  	s30 =	sshra.s32 s30, $0x2;
	[sflag:s19] =	ssyncset.done $0x0  }
0x58: {  	s31 =	sadd.s32 $0xA0, s30;
	[sflag:s19] =	ssyncadd.s32 $0xFFFFD800  }
0x59: {  	[tilespmem:s20], [sflag:$0x3] =	stream.indirect.gather [hbm4b:s4+s16], $0x80, s31, s16, $0xb8;
	[tilespmem:$0x1E940] =	vst v63  }
0x5a: {  	s31 =	sadd.s32 $0x14A0, s30  }
0x5b: {  	[spmem:s2] =	stream.indirect.scatter.add.f32 [tilespmem:s17], [sflag:$0x5], $0x80, s31, s16, $0xb8;
	[tilespmem:$0x1E940] =	vst v63  }
0x5c: {  	_ =	swait.ge [sflag:s14], $0x2800  }
0x5d: {  	[sflag:s14] =	ssyncset.done $0x0  }
0x5e: {  	[sflag:s14] =	ssyncadd.s32 $0xFFFFD800  }
0x5f: {  	_ =	swait.ge [sflag:s21], $0x2800  }
0x60: {  	[sflag:s21] =	ssyncset.done $0x0  }
0x61: {  	s31 =	sadd.s32 $0xF0, s30;
	[sflag:s21] =	ssyncadd.s32 $0xFFFFD800  }
0x62: {  	[tilespmem:s17], [sflag:$0x1] =	stream.indirect.gather [hbm4b:s4+s16], $0x80, s31, s16, $0xb8;
	[tilespmem:$0x1E940] =	vst v63  }
0x63: {  	s31 =	sadd.s32 $0x14F0, s30  }
0x64: {  	[spmem:s2] =	stream.indirect.scatter.add.f32 [tilespmem:s18], [sflag:$0x5], $0x80, s31, s16, $0xb8;
	[tilespmem:$0x1E940] =	vst v63  }
0x65: {  	_ =	swait.ge [sflag:s14], $0x2800  }
0x66: {  	[sflag:s14] =	ssyncset.done $0x0  }
0x67: {  	[sflag:s14] =	ssyncadd.s32 $0xFFFFD800  }
0x68: {  	_ =	swait.ge [sflag:s22], $0x2800  }
0x69: {  	[sflag:s22] =	ssyncset.done $0x0  }
0x6a: {  	s31 =	sadd.s32 $0x140, s30;
	[sflag:s22] =	ssyncadd.s32 $0xFFFFD800  }
0x6b: {  	[tilespmem:s18], [sflag:$0x2] =	stream.indirect.gather [hbm4b:s4+s16], $0x80, s31, s16, $0xb8;
	[tilespmem:$0x1E940] =	vst v63  }
.Ltmp2:
0x6c: {  	_ = 	snop;
	(pc) =	sbr.rel @p0 .LBB2_6-.Ltmp2, $4  }
0x6d: {  	s30 =	sadd.s32 $0x1540, s30  }
0x6e: {  	[spmem:s2] =	stream.indirect.scatter.add.f32 [tilespmem:s20], [sflag:$0x5], $0x80, s30, s16, $0xb8;
	[tilespmem:$0x1E940] =	vst v63  }
0x6f: {  	_ =	swait.ge [sflag:s14], $0x2800  }
0x70: {  	[sflag:s14] =	ssyncset.done $0x0  }
0x71: {  	[sflag:s14] =	ssyncadd.s32 $0xFFFFD800  }
0x72: {  	_ =	swait.ge [sflag:s19], $0x2800  }
0x73: {  	[sflag:s19] =	ssyncset.done $0x0  }
0x74: {  	[sflag:s19] =	ssyncadd.s32 $0xFFFFD800  }
0x75: {  	[tilespmem:s20], [sflag:$0x3] =	stream.indirect.gather [hbm4b:s4+s16], $0x80, s23, s16, $0xb8;
	[tilespmem:$0x1E940] =	vst v63  }
0x76: {  	_ = 	snop  }
0x77: {  	[spmem:s2] =	stream.indirect.scatter.add.f32 [tilespmem:s17], [sflag:$0x5], $0x80, s24, s16, $0xb8;
	[tilespmem:$0x1E940] =	vst v63  }
0x78: {  	_ =	swait.ge [sflag:s14], $0x2800  }
0x79: {  	[sflag:s14] =	ssyncset.done $0x0  }
0x7a: {  	[sflag:s14] =	ssyncadd.s32 $0xFFFFD800  }
0x7b: {  	_ =	swait.ge [sflag:s21], $0x2800  }
0x7c: {  	[sflag:s21] =	ssyncset.done $0x0  }
0x7d: {  	[sflag:s21] =	ssyncadd.s32 $0xFFFFD800  }
0x7e: {  	[spmem:s2] =	stream.indirect.scatter.add.f32 [tilespmem:s18], [sflag:$0x5], $0x80, s25, s16, $0xb8;
	[tilespmem:$0x1E940] =	vst v63  }
0x7f: {  	_ =	swait.ge [sflag:s14], $0x2800  }
0x80: {  	[sflag:s14] =	ssyncset.done $0x0  }
0x81: {  	[sflag:s14] =	ssyncadd.s32 $0xFFFFD800  }
0x82: {  	_ =	swait.ge [sflag:s22], $0x2800  }
0x83: {  	[sflag:s22] =	ssyncset.done $0x0  }
0x84: {  	[sflag:s22] =	ssyncadd.s32 $0xFFFFD800  }
0x85: {  	[spmem:s2] =	stream.indirect.scatter.add.f32 [tilespmem:s20], [sflag:$0x5], $0x80, s26, s16, $0xb8;
	[tilespmem:$0x1E940] =	vst v63  }
0x86: {  	_ =	swait.ge [sflag:s14], $0x2800  }
0x87: {  	[sflag:s14] =	ssyncset.done $0x0  }
0x88: {  	s29 =	simm.s32 $0x0;
	[sflag:s14] =	ssyncadd.s32 $0xFFFFD800  }
0x89: {  	[tilespmem:s29], [sflag:$0x4] =	stream.linear.gather [hbm4b:s8+s29], $0x14A0, $0x38;
	[tilespmem:$0x1E940] =	vst v63  }
0x8a: {  	_ = 	snop  }
0x8b: {  	[tilespmem:s12], [sflag:$0x4] =	stream.linear.gather [hbm4b:s9+s29], $0x14A0, $0x38;
	[tilespmem:$0x1E940] =	vst v63  }
0x8c: {  	_ =	swait.ge [sflag:s15], $0x14A0  }
0x8d: {  	[sflag:s15] =	ssyncset.done $0x0  }
0x8e: {  	[sflag:s15] =	ssyncadd.s32 $0xFFFFEB60  }
0x8f: {  	_ =	swait.ge [sflag:s15], $0x14A0  }
0x90: {  	[sflag:s15] =	ssyncset.done $0x0  }
0x91: {  	[sflag:s15] =	ssyncadd.s32 $0xFFFFEB60  }
0x92: {  	[tilespmem:s17], [sflag:$0x1] =	stream.indirect.gather [hbm4b:s4+s16], $0x80, s29, s16, $0xb8;
	[tilespmem:$0x1E940] =	vst v63  }
0x93: {  	_ = 	snop  }
0x94: {  	[tilespmem:s18], [sflag:$0x2] =	stream.indirect.gather [hbm4b:s4+s16], $0x80, s16, s16, $0xb8;
	[tilespmem:$0x1E940] =	vst v63  }
0x95: {  	_ =	swait.ge [sflag:s19], $0x2800  }
0x96: {  	[sflag:s19] =	ssyncset.done $0x0  }
0x97: {  	s29 =	simm.s32 $0xA0;
	[sflag:s19] =	ssyncadd.s32 $0xFFFFD800  }
0x98: {  	[tilespmem:s20], [sflag:$0x3] =	stream.indirect.gather [hbm4b:s4+s16], $0x80, s29, s16, $0xb8;
	[tilespmem:$0x1E940] =	vst v63  }
0x99: {  	s29 =	simm.s32 $0x14A0  }
0x9a: {  	[spmem:s2] =	stream.indirect.scatter.add.f32 [tilespmem:s17], [sflag:$0x5], $0x80, s29, s16, $0xb8;
	[tilespmem:$0x1E940] =	vst v63  }
0x9b: {  	_ =	swait.ge [sflag:s14], $0x2800  }
0x9c: {  	[sflag:s14] =	ssyncset.done $0x0  }
0x9d: {  	[sflag:s14] =	ssyncadd.s32 $0xFFFFD800  }
0x9e: {  	_ =	swait.ge [sflag:s21], $0x2800  }
0x9f: {  	[sflag:s21] =	ssyncset.done $0x0  }
0xa0: {  	s29 =	simm.s32 $0xF0;
	[sflag:s21] =	ssyncadd.s32 $0xFFFFD800  }
0xa1: {  	[tilespmem:s17], [sflag:$0x1] =	stream.indirect.gather [hbm4b:s4+s16], $0x80, s29, s16, $0xb8;
	[tilespmem:$0x1E940] =	vst v63  }
0xa2: {  	s29 =	simm.s32 $0x14F0  }
0xa3: {  	[spmem:s2] =	stream.indirect.scatter.add.f32 [tilespmem:s18], [sflag:$0x5], $0x80, s29, s16, $0xb8;
	[tilespmem:$0x1E940] =	vst v63  }
0xa4: {  	_ =	swait.ge [sflag:s14], $0x2800  }
0xa5: {  	[sflag:s14] =	ssyncset.done $0x0  }
0xa6: {  	[sflag:s14] =	ssyncadd.s32 $0xFFFFD800  }
0xa7: {  	_ =	swait.ge [sflag:s22], $0x2800  }
0xa8: {  	[sflag:s22] =	ssyncset.done $0x0  }
0xa9: {  	s29 =	simm.s32 $0x140;
	[sflag:s22] =	ssyncadd.s32 $0xFFFFD800  }
0xaa: {  	[tilespmem:s18], [sflag:$0x2] =	stream.indirect.gather [hbm4b:s4+s16], $0x80, s29, s16, $0xb8;
	[tilespmem:$0x1E940] =	vst v63  }
0xab: {  	s29 =	simm.s32 $0x1540  }
0xac: {  	[spmem:s2] =	stream.indirect.scatter.add.f32 [tilespmem:s20], [sflag:$0x5], $0x80, s29, s16, $0xb8;
	[tilespmem:$0x1E940] =	vst v63  }
0xad: {  	_ =	swait.ge [sflag:s14], $0x2800  }
0xae: {  	s29 =	simm.s32 $0x3C0;
	[sflag:s14] =	ssyncset.done $0x0  }
.LBB2_8:
0xaf: {  	p0 =	sne.s32 s29, $0x4B00  }
0xb0: {  	[sflag:s14] =	ssyncadd.s32 $0xFFFFD800;
	s30 =	smov.u32 s29;
	s29 =	sadd.s32 $0x3C0, s29  }
0xb1: {  	_ = 	snop  }
0xb2: {  	_ =	swait.ge [sflag:s19], $0x2800  }
0xb3: {  	s30 =	sshra.s32 s30, $0x2;
	[sflag:s19] =	ssyncset.done $0x0  }
0xb4: {  	s31 =	sadd.s32 $0xA0, s30;
	[sflag:s19] =	ssyncadd.s32 $0xFFFFD800  }
0xb5: {  	[tilespmem:s20], [sflag:$0x3] =	stream.indirect.gather [hbm4b:s4+s16], $0x80, s31, s16, $0xb8;
	[tilespmem:$0x1E940] =	vst v63  }
0xb6: {  	s31 =	sadd.s32 $0x14A0, s30  }
0xb7: {  	[spmem:s2] =	stream.indirect.scatter.add.f32 [tilespmem:s17], [sflag:$0x5], $0x80, s31, s16, $0xb8;
	[tilespmem:$0x1E940] =	vst v63  }
0xb8: {  	_ =	swait.ge [sflag:s14], $0x2800  }
0xb9: {  	[sflag:s14] =	ssyncset.done $0x0  }
0xba: {  	[sflag:s14] =	ssyncadd.s32 $0xFFFFD800  }
0xbb: {  	_ =	swait.ge [sflag:s21], $0x2800  }
0xbc: {  	[sflag:s21] =	ssyncset.done $0x0  }
0xbd: {  	s31 =	sadd.s32 $0xF0, s30;
	[sflag:s21] =	ssyncadd.s32 $0xFFFFD800  }
0xbe: {  	[tilespmem:s17], [sflag:$0x1] =	stream.indirect.gather [hbm4b:s4+s16], $0x80, s31, s16, $0xb8;
	[tilespmem:$0x1E940] =	vst v63  }
0xbf: {  	s31 =	sadd.s32 $0x14F0, s30  }
0xc0: {  	[spmem:s2] =	stream.indirect.scatter.add.f32 [tilespmem:s18], [sflag:$0x5], $0x80, s31, s16, $0xb8;
	[tilespmem:$0x1E940] =	vst v63  }
0xc1: {  	_ =	swait.ge [sflag:s14], $0x2800  }
0xc2: {  	[sflag:s14] =	ssyncset.done $0x0  }
0xc3: {  	[sflag:s14] =	ssyncadd.s32 $0xFFFFD800  }
0xc4: {  	_ =	swait.ge [sflag:s22], $0x2800  }
0xc5: {  	[sflag:s22] =	ssyncset.done $0x0  }
0xc6: {  	s31 =	sadd.s32 $0x140, s30;
	[sflag:s22] =	ssyncadd.s32 $0xFFFFD800  }
0xc7: {  	[tilespmem:s18], [sflag:$0x2] =	stream.indirect.gather [hbm4b:s4+s16], $0x80, s31, s16, $0xb8;
	[tilespmem:$0x1E940] =	vst v63  }
.Ltmp3:
0xc8: {  	_ = 	snop;
	(pc) =	sbr.rel @p0 .LBB2_8-.Ltmp3, $4  }
0xc9: {  	s30 =	sadd.s32 $0x1540, s30  }
0xca: {  	[spmem:s2] =	stream.indirect.scatter.add.f32 [tilespmem:s20], [sflag:$0x5], $0x80, s30, s16, $0xb8;
	[tilespmem:$0x1E940] =	vst v63  }
0xcb: {  	_ =	swait.ge [sflag:s14], $0x2800  }
0xcc: {  	[sflag:s14] =	ssyncset.done $0x0  }
0xcd: {  	[sflag:s14] =	ssyncadd.s32 $0xFFFFD800  }
0xce: {  	_ =	swait.ge [sflag:s19], $0x2800  }
0xcf: {  	[sflag:s19] =	ssyncset.done $0x0  }
0xd0: {  	[sflag:s19] =	ssyncadd.s32 $0xFFFFD800  }
0xd1: {  	[tilespmem:s20], [sflag:$0x3] =	stream.indirect.gather [hbm4b:s4+s16], $0x80, s23, s16, $0xb8;
	[tilespmem:$0x1E940] =	vst v63  }
0xd2: {  	_ = 	snop  }
0xd3: {  	[spmem:s2] =	stream.indirect.scatter.add.f32 [tilespmem:s17], [sflag:$0x5], $0x80, s24, s16, $0xb8;
	[tilespmem:$0x1E940] =	vst v63  }
0xd4: {  	_ =	swait.ge [sflag:s14], $0x2800  }
0xd5: {  	[sflag:s14] =	ssyncset.done $0x0  }
0xd6: {  	[sflag:s14] =	ssyncadd.s32 $0xFFFFD800  }
0xd7: {  	_ =	swait.ge [sflag:s21], $0x2800  }
0xd8: {  	[sflag:s21] =	ssyncset.done $0x0  }
0xd9: {  	[sflag:s21] =	ssyncadd.s32 $0xFFFFD800  }
0xda: {  	[spmem:s2] =	stream.indirect.scatter.add.f32 [tilespmem:s18], [sflag:$0x5], $0x80, s25, s16, $0xb8;
	[tilespmem:$0x1E940] =	vst v63  }
0xdb: {  	_ =	swait.ge [sflag:s14], $0x2800  }
0xdc: {  	[sflag:s14] =	ssyncset.done $0x0  }
0xdd: {  	[sflag:s14] =	ssyncadd.s32 $0xFFFFD800  }
0xde: {  	_ =	swait.ge [sflag:s22], $0x2800  }
0xdf: {  	[sflag:s22] =	ssyncset.done $0x0  }
0xe0: {  	[sflag:s22] =	ssyncadd.s32 $0xFFFFD800  }
0xe1: {  	[spmem:s2] =	stream.indirect.scatter.add.f32 [tilespmem:s20], [sflag:$0x5], $0x80, s26, s16, $0xb8;
	[tilespmem:$0x1E940] =	vst v63  }
0xe2: {  	_ =	swait.ge [sflag:s14], $0x2800  }
0xe3: {  	s29 =	sshll.u32 s1, $0x6;
	s28 =	sadd.s32 $0x1, s28;
	[sflag:s14] =	ssyncset.done $0x0  }
0xe4: {  	s30 =	sshrl.u32 s7, $0x3;
	p0 =	sne.s32 s28, s11;
	[sflag:s14] =	ssyncadd.s32 $0xFFFFD800  }
.Ltmp4:
0xe5: {  	s29 =	sor.u32 $0x1C05, s29;
	[bflag:$0x0] =	sbarrier.arrive $0xFFFF;
	(pc) =	sbr.rel @p0 .LBB2_1-.Ltmp4, $4  }
0xe6: {  	[hbm:s10], [sflag:s29] =	dma.local [spmem:s30], $0x2800  }
0xe7: {  	_ =	swait.ge [sflag:s14], $0x2800  }
0xe8: {  	[sflag:s14] =	ssyncset.done $0x0  }
0xe9: {  	[sflag:s14] =	ssyncadd.s32 $0xFFFFD800  }
0xea: {  	_ =	sfence.sel $0x180000  }
0xeb: {  	[bflag:$0x0] =	sbarrier.arrive $0xFFFF  }
0xec: {  	p0 =	sne.s32 s1, $0x0;
	_ =	strace $0x9000004A  }
0xed: {  	s0 =	sadd.s32 @!p0 $0x100000, s0;
	[bflag:$0x2] =	sbarrier.arrive $0xFFFF  }
0xee: {  	[sflag:s0] =	ssyncadd.tile.s32 @!p0 $0x1;
	_ =	shalt  }
.Lfunc_end2:
_tile_overlayer_lowered:
.L_overlay_start_2:
0xef: {  	(tag) =	ssettag $0x2  }
0xf0: {  	s0 =	rddreg [dreg:$0x0];
	s2 =	stileid.u32  }
0xf1: {  	s1 =	rddreg [dreg:$0x1];
	p0 =	sne.s32 s2, $0x0  }
0xf2: {  	s3 =	rddreg [dreg:$0x2];
	[bflag:$0x3] =	sbarrier.arrive $0xFFFF;
	s2 =	simm.s32 @!p0 $0x1C05  }
0xf3: {  	[timem:s3], [sflag:s2] =	dma.local @!p0 [hbm:s0], s1  }
0xf4: {  	s0 =	simm.s32 @!p0 $0x5  }
0xf5: {  	_ =	swait.ge @!p0 [sflag:s0], s1  }
0xf6: {  	s1 =	ssub.s32 @!p0 $0x0, s1;
	[sflag:s0] =	ssyncset.done @!p0 $0x0  }
0xf7: {  	[sflag:s0] =	ssyncadd.s32 @!p0 s1  }
0xf8: {  	[bflag:$0x3] =	sbarrier.arrive $0xFFFF  }
0xf9: {  	_ =	shalt  }

// kernel: kernel.14.cloned.1.call-start
scs
__scs_entry_jumppad:
0x0: {  	(pc) =	sbr.rel $0x88, $3  }
0x1: {  	(tag) =	ssettag $0x0;
	lr =	simm.s32 $0x1  }
0x2: {  	[smem:$0x3F85] =	sst lr;
	_ =	strace $0xD0000000  }
0x3: {  	_ = 	snop  }
0x4: {  	_ = 	snop  }
0x5: {  	_ = 	snop  }
0x6: {  	_ = 	snop  }
0x7: {  	_ = 	snop  }
__scs_overlays_trampoline_lowered:
0x8: {  	[smem:$0x3F94] =	sst s0  }
0x9: {  	[smem:$0x3F95] =	sst s1  }
0xa: {  	[smem:$0x3F96] =	sst s2  }
0xb: {  	[smem:$0x3F97] =	sst s3  }
0xc: {  	[smem:$0x3F98] =	sst s4  }
0xd: {  	[smem:$0x3F99] =	sst s5  }
0xe: {  	[smem:$0x3F9A] =	sst s6  }
0xf: {  	[smem:$0x3F9B] =	sst s7  }
0x10: {  	[smem:$0x3F9C] =	sst s8  }
0x11: {  	[smem:$0x3F9D] =	sst s9;
	s0 =	simm.s32 @!p0 $0x0  }
0x12: {  	s1 =	sld [smem:$0x3F83];
	s0 =	simm.s32 @p0 $0x1  }
0x13: {  	[smem:$0x3F9E] =	sst s0;
	s0 =	simm.s32 @!p1 $0x0  }
0x14: {  	s2 =	sld [smem:$0x3F82];
	s0 =	simm.s32 @p1 $0x1  }
0x15: {  	[smem:$0x3F9F] =	sst s0;
	s0 =	simm.s32 @!p2 $0x0  }
0x16: {  	s3 =	sld [smem:$0x3FDB];
	s0 =	simm.s32 @p2 $0x1  }
0x17: {  	s4 =	simm.s32 $0x1BF5;
	[smem:$0x3FA1] =	sst s0  }
0x18: {  	s0 =	sld [smem:$0x3F84];
	_ =	swait.ge [sflag:s4], $0x0  }
0x19: {  	s7 =	sld [smem:$0x3F85]  }
0x1a: {  	s8 =	sadd.s32 $0xFFFFE003, lr  }
0x1b: {  	s9 =	sadd.s32 $0xFFFFFEF7, lr;
	s5 =	simm.s32 $0xFFFFFFFF;
	p2 =	slt.u32 s8, $0xFFFFF086  }
0x1c: {  	p1 =	slt.u32 s9, $0xF7A;
	s5 =	simm.s32 @!p2 $0x0  }
0x1d: {  	s5 =	simm.s32 @p1 $0x1;
	p0 =	seq.s32 s7, s2  }
0x1e: {  	s7 =	smul.u32 @!p0 $0xF7A, s2;
	p2 =	seq.s32 @!p0 s5, $0x0  }
0x1f: {  	s9 =	smul.u32 $0xF7A, s1;
	s8 =	simm.s32 @!p0 $0x1BF5;
	p2 =	por !p2, p0  }
0x20: {  	[sflag:s8] =	ssyncset.s32 @!p0 $0xFFFFF086;
	s6 =	sadd.s32 @!p0 s3, s7;
	s7 =	simm.s32 @!p0 $0x108  }
0x21: {  	s3 =	sadd.s32 s3, s9;
	s6 =	sadd.s32 @!p0 $0x88, s6;
	s7 =	simm.s32 @p2 $0x1082  }
0x22: {  	[simem:s7], [sflag:s8] =	dma.local @!p0 [hbm:s6], $0xF7A  }
0x23: {  	s9 =	sor.u32 $0xD0000000, s2;
	s6 =	simm.s32 $0x108;
	_ =	swait.ge @!p0 [sflag:s8], $0x0  }
0x24: {  	s3 =	sadd.s32 $0x88, s3;
	s6 =	simm.s32 @!p1 $0x1082;
	[sflag:s4] =	ssyncset.s32 $0xFFFFF086  }
0x25: {  	[simem:s6], [sflag:s4] =	dma.local [hbm:s3], $0xF7A  }
0x26: {  	[smem:$0x3F85] =	sst s1;
	(tag) =	ssettag s2;
	_ =	strace s9  }
0x27: {  	s1 =	sld [smem:$0x3F95]  }
0x28: {  	s2 =	sld [smem:$0x3F96]  }
0x29: {  	s4 =	sld [smem:$0x3F98]  }
0x2a: {  	p0 =	seq.s32 s5, $0x0;
	s5 =	sld [smem:$0x3F99]  }
0x2b: {  	s6 =	sld [smem:$0x3F9A]  }
0x2c: {  	s7 =	sld [smem:$0x3F9B]  }
0x2d: {  	s3 =	simm.s32 $0x108;
	s8 =	sld [smem:$0x3F9C]  }
0x2e: {  	s3 =	simm.s32 @!p0 $0x1082;
	s9 =	sld [smem:$0x3F9D]  }
0x2f: {  	lr =	sadd.s32 s0, s3;
	s0 =	sld [smem:$0x3F94]  }
0x30: {  	s3 =	sld [smem:$0x3F97]  }
0x31: {  	[smem:$0x3FA0] =	sst s10  }
0x32: {  	s10 =	sld [smem:$0x3F9E];
	_ =	sdelay $0x3  }
0x33: {  	p0 =	seq.s32 s10, $0x1;
	s10 =	sld [smem:$0x3FA0];
	_ =	sdelay $0x3  }
0x34: {  	[smem:$0x3FA0] =	sst s10  }
0x35: {  	s10 =	sld [smem:$0x3F9F];
	_ =	sdelay $0x3  }
0x36: {  	p1 =	seq.s32 s10, $0x1;
	s10 =	sld [smem:$0x3FA0];
	_ =	sdelay $0x3  }
0x37: {  	[smem:$0x3FA0] =	sst s10  }
0x38: {  	s10 =	sld [smem:$0x3FA1]  }
0x39: {  	_ = 	snop;
	(pc) =	sbr.ind lr, $3  }
0x3a: {  	_ = 	snop  }
0x3b: {  	_ = 	snop  }
0x3c: {  	p2 =	seq.s32 s10, $0x1;
	s10 =	sld [smem:$0x3FA0]  }
0x3d: {  	_ =	shalt  }
0x3e: {  	_ =	shalt  }
0x3f: {  	_ =	shalt  }
0x40: {  	_ =	shalt  }
0x41: {  	_ =	shalt  }
0x42: {  	_ =	shalt  }
0x43: {  	_ =	shalt  }
0x44: {  	_ =	shalt  }
0x45: {  	_ =	shalt  }
0x46: {  	_ =	shalt  }
0x47: {  	_ =	shalt  }
0x48: {  	_ =	shalt  }
0x49: {  	_ =	shalt  }
0x4a: {  	_ =	shalt  }
0x4b: {  	_ =	shalt  }
0x4c: {  	_ =	shalt  }
0x4d: {  	_ =	shalt  }
0x4e: {  	_ =	shalt  }
0x4f: {  	_ =	shalt  }
0x50: {  	_ =	shalt  }
0x51: {  	_ =	shalt  }
0x52: {  	_ =	shalt  }
0x53: {  	_ =	shalt  }
0x54: {  	_ =	shalt  }
0x55: {  	_ =	shalt  }
0x56: {  	_ =	shalt  }
0x57: {  	_ =	shalt  }
0x58: {  	_ =	shalt  }
0x59: {  	_ =	shalt  }
0x5a: {  	_ =	shalt  }
0x5b: {  	_ =	shalt  }
0x5c: {  	_ =	shalt  }
0x5d: {  	_ =	shalt  }
0x5e: {  	_ =	shalt  }
0x5f: {  	_ =	shalt  }
0x60: {  	_ =	shalt  }
0x61: {  	_ =	shalt  }
0x62: {  	_ =	shalt  }
0x63: {  	_ =	shalt  }
0x64: {  	_ =	shalt  }
0x65: {  	_ =	shalt  }
0x66: {  	_ =	shalt  }
0x67: {  	_ =	shalt  }
0x68: {  	_ =	shalt  }
0x69: {  	_ =	shalt  }
0x6a: {  	_ =	shalt  }
0x6b: {  	_ =	shalt  }
0x6c: {  	_ =	shalt  }
0x6d: {  	_ =	shalt  }
0x6e: {  	_ =	shalt  }
0x6f: {  	_ =	shalt  }
0x70: {  	_ =	shalt  }
0x71: {  	_ =	shalt  }
0x72: {  	_ =	shalt  }
0x73: {  	_ =	shalt  }
0x74: {  	_ =	shalt  }
0x75: {  	_ =	shalt  }
0x76: {  	_ =	shalt  }
0x77: {  	_ =	shalt  }
0x78: {  	_ =	shalt  }
0x79: {  	_ =	shalt  }
0x7a: {  	_ =	shalt  }
0x7b: {  	_ =	shalt  }
0x7c: {  	_ =	shalt  }
0x7d: {  	_ =	shalt  }
0x7e: {  	_ =	shalt  }
0x7f: {  	_ =	shalt  }
0x80: {  	_ =	shalt  }
0x81: {  	_ =	shalt  }
0x82: {  	_ =	shalt  }
0x83: {  	_ =	shalt  }
0x84: {  	_ =	shalt  }
0x85: {  	_ =	shalt  }
0x86: {  	_ =	shalt  }
0x87: {  	_ =	shalt  }
.Lfunc_end0:
.L_simem_size_0:
called_computation.2_lowered:
.L_overlay_start_0:
0x88: {  	s2 =	sld [smem:$0x3FD9]  }
0x89: {  	s3 =	sld [smem:$0x3FFE];
	_ =	sdelay $0x1  }
0x8a: {  	s1 =	srdreg.scid  }
0x8b: {  	s0 =	sand.u32 $0x1, s1  }
0x8c: {  	s16 =	sshll.u32 s0, $0xA;
	s2 =	sadd.s32 s3, s2  }
0x8d: {  	s2 =	sadd.s32 s2, s16  }
0x8e: {  	[smem:$0x3FAC] =	sst s2  }
0x8f: {  	_ = 	snop  }
0x90: {  	(tm) =	ssettm $0x1  }
0x91: {  	s17 =	sld [smem:$0x3FFB];
	_ =	sdelay $0x3  }
0x92: {  	_ =	strace s17  }
0x93: {  	s2 =	sld [smem:$0x3FFC];
	_ =	sdelay $0x3  }
0x94: {  	_ =	strace s2  }
0x95: {  	s2 =	sld [smem:$0x3FFD];
	_ =	sdelay $0x3  }
0x96: {  	_ =	strace s2  }
0x97: {  	_ =	strace $0x8FFFFFFF  }
0x98: {  	s18 =	sld [smem:$0x3FDB];
	_ =	sdelay $0x1  }
0x99: {  	s19 =	simm.s32 $_scs_section_size  }
0x9a: {  	s4 =	simm.s32 $_size__tile_overlayer_lowered;
	s5 =	simm.s32 $_tile_overlayer_lowered  }
0x9b: {  	s22 =	simm.s32 $0x1BFF;
	s21 =	sshll.u32 s5, $0x1;
	s2 =	sadd.s32 s19, s18  }
0x9c: {  	s6 =	simm.s32 $0x0;
	s20 =	sshll.u32 s4, $0x1;
	s4 =	sadd.s32 s21, s2  }
0x9d: {  	[timem:s6], [sflag:s22] =	dma.local [hbm:s4], s20  }
0x9e: {  	_ =	swait.ge [sflag:s22], s20  }
0x9f: {  	s3 =	ssub.s32 $0x0, s20;
	[sflag:s22] =	ssyncset.done $0x0  }
0xa0: {  	[sflag:s22] =	ssyncadd.s32 s3;
	_ =	sdelay $0x1  }
0xa1: {  	s23 =	simm.s32 $0x1B8B  }
0xa2: {  	_ =	swait.ge [sflag:s23], $0x1  }
0xa3: {  	[sflag:s23] =	ssyncset.done $0x0  }
0xa4: {  	s25 =	simm.s32 $0x1B8E;
	s24 =	sld [smem:$0x3FFE];
	[sflag:s23] =	ssyncadd.s32 $0xFFFFFFFF  }
0xa5: {  	s26 =	simm.s32 $execute0_lowered;
	[smem:$0x3FD2] =	sst s25  }
0xa6: {  	s4 =	sshll.u32 s26, $0x1;
	_ =	strace $0x8000004C;
	[dreg:$0x1] =	wrdreg $0xFFFFFFFF  }
0xa7: {  	s28 =	simm.s32 $_size_execute0_lowered;
	s2 =	sadd.s32 s2, s4;
	[dreg:$0x0] =	wrdreg $0x0  }
0xa8: {  	s4 =	sshll.u32 s28, $0x1;
	[dreg:$0x2] =	wrdreg s2  }
0xa9: {  	[dreg:$0x3] =	wrdreg s4  }
0xaa: {  	[dreg:$0x4] =	wrdreg $0xC0  }
0xab: {  	_ =	task [dreg:s6], $0x5FFFF  }
0xac: {  	[dreg:$0x1] =	wrdreg $0xFFFFFFFF  }
0xad: {  	[dreg:$0x0] =	wrdreg $0x60  }
0xae: {  	[dreg:$0x2] =	wrdreg s24  }
0xaf: {  	[dreg:$0x3] =	wrdreg $0x72800  }
0xb0: {  	[dreg:$0x4] =	wrdreg $0x9  }
0xb1: {  	_ =	task.clear_ibuf [dreg:s6], $0x5FFFF;
	_ =	strace $0x9000004C  }
0xb2: {  	s29 =	simm.s32 $0x9;
	_ =	strace $0x8000004E  }
0xb3: {  	_ =	swait.ge [sflag:s29], $0x1  }
0xb4: {  	[sflag:s29] =	ssyncadd.s32 $0xFFFFFFFF  }
0xb5: {  	_ =	strace $0x9000004E  }
0xb6: {  	_ =	sfence  }
0xb7: {  	s30 =	sld [smem:$0x0];
	_ =	sdelay $0x2  }
0xb8: {  	s31 =	sshll.u32 s1, $0xD;
	s1 =	sshrl.u32 s1, $0x2  }
0xb9: {  	s3 =	sand.u32 $0x4000, s31;
	s1 =	sadd.s32 s1, s30  }
0xba: {  	s0 =	sor.u32 s3, s0;
	s1 =	sshll.u32 s1, $0x11  }
0xbb: {  	s0 =	sor.u32 s1, s0  }
0xbc: {  	s0 =	sadd.s32 $0x8F2B, s0  }
0xbd: {  	[sflag:s0] =	ssyncadd.remote.s32 $0x1  }
0xbe: {  	_ =	sfence.sel $0xFFFF  }
0xbf: {  	[dreg:$0x0] =	wrdreg $0xFFFFFFFF;
	(pc) =	sbr.abs _section_cstart, $3  }
0xc0: {  	[dreg:$0x1] =	wrdreg $0xFFFFFFFF  }
0xc1: {  	_ =	task.clear_ibuf [dreg:s6], $0x2FFFF;
	_ =	strace $0x9FFFFFFF  }
0xc2: {  	(tm) =	ssettm $0x7FFFFFFF  }
0xc3: {  	_ =	shalt  }
tec
execute0_lowered:
.L_overlay_start_1:
0x0: {  	(tag) =	ssettag $0x1  }
0x1: {  	s0 =	srdreg.scid;
	s6 =	rddreg [dreg:$0x0]  }
0x2: {  	s2 =	rddreg [dreg:$0x1];
	s3 =	simm.s32 $0x0;
	s11 =	simm.s32 $0x7080  }
0x3: {  	s12 =	simm.s32 $0x4;
	s13 =	simm.s32 $0x3;
	s14 =	simm.s32 $0x78  }
0x4: {  	s15 =	simm.s32 $0x5280;
	s16 =	simm.s32 $0x1;
	s17 =	simm.s32 $0x6180  }
0x5: {  	s18 =	simm.s32 $0x2;
	s19 =	simm.s32 $0x28C8;
	s20 =	simm.s32 $0x5190  }
0x6: {  	s21 =	simm.s32 $0x5208;
	s5 =	sand.u32 $0x1, s0;
	s0 =	stileid.u32  }
0x7: {  	s24 =	simm.s32 $0x0;
	[smem:$0x7FF] =	sst s3;
	s8 =	smul.u32 $0xA00, s0  }
0x8: {  	s1 =	sshll.u32 s5, $0x4;
	s9 =	smul.u32 $0xA000, s5;
	s5 =	ssub.s32 $0x2, s5  }
0x9: {  	s10 =	smul.u32 $0x14000, s0;
	s22 =	sshll.u32 s0, $0x6;
	s4 =	sor.u32 s0, s1  }
0xa: {  	s1 =	rddreg [dreg:$0x2];
	_ =	strace $0x8000004D;
	s31 =	sshrl.u32 s5, $0x1  }
0xb: {  	s22 =	sor.u32 $0x1C04, s22;
	s7 =	smul.u32 $0x528, s4;
	s4 =	sadd.s32 $0x19C00, s6  }
0xc: {  	s8 =	sadd.s32 s8, s9;
	s9 =	ssub.s32 s5, s31;
	s10 =	sshrl.u32 s10, $0x2  }
0xd: {  	s8 =	sadd.s32 s8, s6;
	s9 =	smax.u32 s9, $0x1;
	s7 =	sadd.s32 s7, s6  }
0xe: {  	s5 =	sadd.s32 $0x5000, s7;
	s6 =	sadd.s32 $0xF600, s7;
	s7 =	sadd.s32 s10, s2  }
0xf: {  	v0 =	vimm.f32 $0.0e+00;
	s8 =	sadd.s32 $0x23A00, s8;
	s10 =	simm.s32 $0x2940;
	s23 =	sshrl.u32 s7, $0x3  }
.LBB2_1:
0x10: {  	[tilespmem:s3], [sflag:$0x3] =	stream.linear.gather [hbm4b:s5+s3], $0x2940, $0x38;
	[tilespmem:$0xC280] =	vst v63  }
0x11: {  	_ = 	snop  }
0x12: {  	[tilespmem:s10], [sflag:$0x3] =	stream.linear.gather [hbm4b:s6+s3], $0x2940, $0x38;
	[tilespmem:$0xC280] =	vst v63  }
0x13: {  	[tilespmem:$0x7080] =	vst v0  }
0x14: {  	[tilespmem:$0x7090] =	vst v0  }
0x15: {  	[tilespmem:$0x70A0] =	vst v0  }
0x16: {  	[tilespmem:$0x70B0] =	vst v0  }
0x17: {  	[tilespmem:$0x70C0] =	vst v0  }
0x18: {  	[tilespmem:$0x70D0] =	vst v0  }
0x19: {  	[tilespmem:$0x70E0] =	vst v0  }
0x1a: {  	[tilespmem:$0x70F0] =	vst v0  }
0x1b: {  	[tilespmem:$0x7100] =	vst v0  }
0x1c: {  	[tilespmem:$0x7110] =	vst v0  }
0x1d: {  	[tilespmem:$0x7120] =	vst v0  }
0x1e: {  	[tilespmem:$0x7130] =	vst v0  }
0x1f: {  	[tilespmem:$0x7140] =	vst v0  }
0x20: {  	[tilespmem:$0x7150] =	vst v0  }
0x21: {  	[tilespmem:$0x7160] =	vst v0  }
0x22: {  	[tilespmem:$0x7170] =	vst v0  }
0x23: {  	[tilespmem:$0x7180] =	vst v0  }
0x24: {  	[tilespmem:$0x7190] =	vst v0  }
0x25: {  	[tilespmem:$0x71A0] =	vst v0  }
0x26: {  	[tilespmem:$0x71B0] =	vst v0  }
0x27: {  	[tilespmem:$0x71C0] =	vst v0  }
0x28: {  	[tilespmem:$0x71D0] =	vst v0  }
0x29: {  	[tilespmem:$0x71E0] =	vst v0  }
0x2a: {  	[tilespmem:$0x71F0] =	vst v0  }
0x2b: {  	[tilespmem:$0x7200] =	vst v0  }
0x2c: {  	[tilespmem:$0x7210] =	vst v0  }
0x2d: {  	[tilespmem:$0x7220] =	vst v0  }
0x2e: {  	[tilespmem:$0x7230] =	vst v0  }
0x2f: {  	[tilespmem:$0x7240] =	vst v0  }
0x30: {  	[tilespmem:$0x7250] =	vst v0  }
0x31: {  	[tilespmem:$0x7260] =	vst v0  }
0x32: {  	s25 =	sadd.s32 $0x0, s7;
	[tilespmem:$0x7270] =	vst v0  }
0x33: {  	[spmem:s25] =	stream.linear.scatter [tilespmem:s11], [sflag:$0x4], $0x200, $0x38;
	[tilespmem:$0xC280] =	vst v63  }
0x34: {  	s25 =	simm.s32 $0x800;
	_ =	swait.ge [sflag:s12], $0x200  }
.LBB2_2:
0x35: {  	s26 =	sshra.s32 s25, $0x2;
	[sflag:s12] =	ssyncset.done $0x0;
	p0 =	sne.s32 s25, $0x13800  }
.Ltmp0:
0x36: {  	s26 =	sadd.s32 s26, s7;
	[sflag:s12] =	ssyncadd.s32 $0xFFFFFE00;
	(pc) =	sbr.rel @p0 .LBB2_2-.Ltmp0, $3  }
0x37: {  	[spmem:s26] =	stream.linear.scatter [tilespmem:s11], [sflag:$0x4], $0x200, $0x38;
	[tilespmem:$0xC280] =	vst v63  }
0x38: {  	s25 =	sadd.s32 $0x800, s25;
	_ =	sdelay $0x1  }
0x39: {  	_ =	swait.ge [sflag:s12], $0x200  }
0x3a: {  	[sflag:s12] =	ssyncset.done $0x0  }
0x3b: {  	[sflag:s12] =	ssyncadd.s32 $0xFFFFFE00  }
0x3c: {  	_ =	swait.ge [sflag:s13], $0x2940  }
0x3d: {  	[sflag:s13] =	ssyncset.done $0x0  }
0x3e: {  	[sflag:s13] =	ssyncadd.s32 $0xFFFFD6C0  }
0x3f: {  	_ =	swait.ge [sflag:s13], $0x2940  }
0x40: {  	[sflag:s13] =	ssyncset.done $0x0  }
0x41: {  	[sflag:s13] =	ssyncadd.s32 $0xFFFFD6C0  }
0x42: {  	s25 =	simm.s32 $0x0;
	[bflag:$0x0] =	sbarrier.arrive $0xFFFF  }
0x43: {  	[tilespmem:s15], [sflag:$0x1] =	stream.indirect.gather [hbm4b:s4+s14], $0x20, s25, s14, $0xb8;
	[tilespmem:$0xC280] =	vst v63  }
0x44: {  	_ =	swait.ge [sflag:s16], $0xF00  }
0x45: {  	[sflag:s16] =	ssyncset.done $0x0  }
0x46: {  	s28 =	simm.s32 $0x78;
	[sflag:s16] =	ssyncadd.s32 $0xFFFFF100  }
0x47: {  	[tilespmem:s17], [sflag:$0x2] =	stream.indirect.gather [hbm4b:s4+s14], $0x20, s28, s14, $0xb8;
	[tilespmem:$0xC280] =	vst v63  }
0x48: {  	s29 =	simm.s32 $0x2940  }
0x49: {  	[spmem:s2] =	stream.indirect.scatter.add.f32 [tilespmem:s15], [sflag:$0x4], $0x20, s29, s14, $0xb8;
	[tilespmem:$0xC280] =	vst v63  }
0x4a: {  	_ =	swait.ge [sflag:s12], $0xF00  }
0x4b: {  	[sflag:s12] =	ssyncset.done $0x0  }
0x4c: {  	s30 =	simm.s32 $0xF0;
	[sflag:s12] =	ssyncadd.s32 $0xFFFFF100  }
0x4d: {  	[tilespmem:s15], [sflag:$0x1] =	stream.indirect.gather [hbm4b:s4+s14], $0x20, s30, s14, $0xb8;
	[tilespmem:$0xC280] =	vst v63  }
0x4e: {  	_ =	swait.ge [sflag:s18], $0xF00  }
0x4f: {  	[sflag:s18] =	ssyncset.done $0x0  }
0x50: {  	s31 =	simm.s32 $0x29B8;
	[sflag:s18] =	ssyncadd.s32 $0xFFFFF100  }
0x51: {  	[spmem:s2] =	stream.indirect.scatter.add.f32 [tilespmem:s17], [sflag:$0x4], $0x20, s31, s14, $0xb8;
	[tilespmem:$0xC280] =	vst v63  }
0x52: {  	_ =	swait.ge [sflag:s12], $0xF00  }
0x53: {  	s25 =	simm.s32 $0x3C0;
	[sflag:s12] =	ssyncset.done $0x0  }
.LBB2_4:
0x54: {  	p0 =	sne.s32 s25, $0x9D80  }
0x55: {  	[sflag:s12] =	ssyncadd.s32 $0xFFFFF100;
	s26 =	smov.u32 s25;
	s25 =	sadd.s32 $0x3C0, s25  }
0x56: {  	_ =	swait.ge [sflag:s16], $0xF00  }
0x57: {  	s26 =	sshra.s32 s26, $0x2;
	[sflag:s16] =	ssyncset.done $0x0  }
0x58: {  	s28 =	sadd.s32 $0x78, s26;
	[sflag:s16] =	ssyncadd.s32 $0xFFFFF100  }
0x59: {  	[tilespmem:s17], [sflag:$0x2] =	stream.indirect.gather [hbm4b:s4+s14], $0x20, s28, s14, $0xb8;
	[tilespmem:$0xC280] =	vst v63  }
0x5a: {  	s28 =	sadd.s32 $0x2940, s26  }
0x5b: {  	[spmem:s2] =	stream.indirect.scatter.add.f32 [tilespmem:s15], [sflag:$0x4], $0x20, s28, s14, $0xb8;
	[tilespmem:$0xC280] =	vst v63  }
0x5c: {  	_ =	swait.ge [sflag:s12], $0xF00  }
0x5d: {  	[sflag:s12] =	ssyncset.done $0x0  }
0x5e: {  	s28 =	sadd.s32 $0xF0, s26;
	[sflag:s12] =	ssyncadd.s32 $0xFFFFF100  }
0x5f: {  	[tilespmem:s15], [sflag:$0x1] =	stream.indirect.gather [hbm4b:s4+s14], $0x20, s28, s14, $0xb8;
	[tilespmem:$0xC280] =	vst v63  }
0x60: {  	_ =	swait.ge [sflag:s18], $0xF00  }
.Ltmp1:
0x61: {  	[sflag:s18] =	ssyncset.done $0x0;
	(pc) =	sbr.rel @p0 .LBB2_4-.Ltmp1, $4  }
0x62: {  	s26 =	sadd.s32 $0x29B8, s26;
	[sflag:s18] =	ssyncadd.s32 $0xFFFFF100  }
0x63: {  	[spmem:s2] =	stream.indirect.scatter.add.f32 [tilespmem:s17], [sflag:$0x4], $0x20, s26, s14, $0xb8;
	[tilespmem:$0xC280] =	vst v63  }
0x64: {  	_ =	swait.ge [sflag:s12], $0xF00  }
0x65: {  	[sflag:s12] =	ssyncset.done $0x0  }
0x66: {  	[sflag:s12] =	ssyncadd.s32 $0xFFFFF100  }
0x67: {  	_ =	swait.ge [sflag:s16], $0xF00  }
0x68: {  	[sflag:s16] =	ssyncset.done $0x0  }
0x69: {  	[sflag:s16] =	ssyncadd.s32 $0xFFFFF100  }
0x6a: {  	[tilespmem:s17], [sflag:$0x2] =	stream.indirect.gather [hbm4b:s4+s14], $0x20, s19, s14, $0xb8;
	[tilespmem:$0xC280] =	vst v63  }
0x6b: {  	_ = 	snop  }
0x6c: {  	[spmem:s2] =	stream.indirect.scatter.add.f32 [tilespmem:s15], [sflag:$0x4], $0x20, s20, s14, $0xb8;
	[tilespmem:$0xC280] =	vst v63  }
0x6d: {  	_ =	swait.ge [sflag:s12], $0xF00  }
0x6e: {  	[sflag:s12] =	ssyncset.done $0x0  }
0x6f: {  	[sflag:s12] =	ssyncadd.s32 $0xFFFFF100  }
0x70: {  	_ =	swait.ge [sflag:s18], $0xF00  }
0x71: {  	[sflag:s18] =	ssyncset.done $0x0  }
0x72: {  	[sflag:s18] =	ssyncadd.s32 $0xFFFFF100  }
0x73: {  	[spmem:s2] =	stream.indirect.scatter.add.f32 [tilespmem:s17], [sflag:$0x4], $0x20, s21, s14, $0xb8;
	[tilespmem:$0xC280] =	vst v63  }
0x74: {  	_ =	swait.ge [sflag:s12], $0xF00  }
0x75: {  	s24 =	sadd.s32 $0x1, s24;
	[sflag:s12] =	ssyncset.done $0x0  }
0x76: {  	p0 =	sne.s32 s24, s9;
	[sflag:s12] =	ssyncadd.s32 $0xFFFFF100  }
.Ltmp2:
0x77: {  	[bflag:$0x0] =	sbarrier.arrive $0xFFFF;
	(pc) =	sbr.rel @p0 .LBB2_1-.Ltmp2, $4  }
0x78: {  	[hbm:s8], [sflag:s22] =	dma.local [spmem:s23], $0xA00  }
0x79: {  	_ =	swait.ge [sflag:s12], $0xA00  }
0x7a: {  	[sflag:s12] =	ssyncset.done $0x0  }
0x7b: {  	[sflag:s12] =	ssyncadd.s32 $0xFFFFF600  }
0x7c: {  	_ =	sfence.sel $0x180000  }
0x7d: {  	[bflag:$0x0] =	sbarrier.arrive $0xFFFF  }
0x7e: {  	p0 =	sne.s32 s0, $0x0;
	_ =	strace $0x9000004D  }
0x7f: {  	s0 =	sadd.s32 @!p0 $0x100000, s1;
	[bflag:$0x2] =	sbarrier.arrive $0xFFFF  }
0x80: {  	[sflag:s0] =	ssyncadd.tile.s32 @!p0 $0x1;
	_ =	shalt  }
.Lfunc_end2:
_tile_overlayer_lowered:
.L_overlay_start_2:
0x81: {  	(tag) =	ssettag $0x2  }
0x82: {  	s0 =	rddreg [dreg:$0x0];
	s2 =	stileid.u32  }
0x83: {  	s1 =	rddreg [dreg:$0x1];
	p0 =	sne.s32 s2, $0x0  }
0x84: {  	s3 =	rddreg [dreg:$0x2];
	[bflag:$0x3] =	sbarrier.arrive $0xFFFF;
	s2 =	simm.s32 @!p0 $0x1C04  }
0x85: {  	[timem:s3], [sflag:s2] =	dma.local @!p0 [hbm:s0], s1  }
0x86: {  	s0 =	simm.s32 @!p0 $0x4  }
0x87: {  	_ =	swait.ge @!p0 [sflag:s0], s1  }
0x88: {  	s1 =	ssub.s32 @!p0 $0x0, s1;
	[sflag:s0] =	ssyncset.done @!p0 $0x0  }
0x89: {  	[sflag:s0] =	ssyncadd.s32 @!p0 s1  }
0x8a: {  	[bflag:$0x3] =	sbarrier.arrive $0xFFFF  }
0x8b: {  	_ =	shalt  }

// kernel: kernel.8.cloned.1.call-start
scs
__scs_entry_jumppad:
0x0: {  	(pc) =	sbr.rel $0x88, $3  }
0x1: {  	(tag) =	ssettag $0x0;
	lr =	simm.s32 $0x1  }
0x2: {  	[smem:$0x3F85] =	sst lr;
	_ =	strace $0xD0000000  }
0x3: {  	_ = 	snop  }
0x4: {  	_ = 	snop  }
0x5: {  	_ = 	snop  }
0x6: {  	_ = 	snop  }
0x7: {  	_ = 	snop  }
__scs_overlays_trampoline_lowered:
0x8: {  	[smem:$0x3F94] =	sst s0  }
0x9: {  	[smem:$0x3F95] =	sst s1  }
0xa: {  	[smem:$0x3F96] =	sst s2  }
0xb: {  	[smem:$0x3F97] =	sst s3  }
0xc: {  	[smem:$0x3F98] =	sst s4  }
0xd: {  	[smem:$0x3F99] =	sst s5  }
0xe: {  	[smem:$0x3F9A] =	sst s6  }
0xf: {  	[smem:$0x3F9B] =	sst s7  }
0x10: {  	[smem:$0x3F9C] =	sst s8  }
0x11: {  	[smem:$0x3F9D] =	sst s9;
	s0 =	simm.s32 @!p0 $0x0  }
0x12: {  	s1 =	sld [smem:$0x3F83];
	s0 =	simm.s32 @p0 $0x1  }
0x13: {  	[smem:$0x3F9E] =	sst s0;
	s0 =	simm.s32 @!p1 $0x0  }
0x14: {  	s2 =	sld [smem:$0x3F82];
	s0 =	simm.s32 @p1 $0x1  }
0x15: {  	[smem:$0x3F9F] =	sst s0;
	s0 =	simm.s32 @!p2 $0x0  }
0x16: {  	s3 =	sld [smem:$0x3FDB];
	s0 =	simm.s32 @p2 $0x1  }
0x17: {  	s4 =	simm.s32 $0x1BF5;
	[smem:$0x3FA1] =	sst s0  }
0x18: {  	s0 =	sld [smem:$0x3F84];
	_ =	swait.ge [sflag:s4], $0x0  }
0x19: {  	s7 =	sld [smem:$0x3F85]  }
0x1a: {  	s8 =	sadd.s32 $0xFFFFE003, lr  }
0x1b: {  	s9 =	sadd.s32 $0xFFFFFEF7, lr;
	s5 =	simm.s32 $0xFFFFFFFF;
	p2 =	slt.u32 s8, $0xFFFFF086  }
0x1c: {  	p1 =	slt.u32 s9, $0xF7A;
	s5 =	simm.s32 @!p2 $0x0  }
0x1d: {  	s5 =	simm.s32 @p1 $0x1;
	p0 =	seq.s32 s7, s2  }
0x1e: {  	s7 =	smul.u32 @!p0 $0xF7A, s2;
	p2 =	seq.s32 @!p0 s5, $0x0  }
0x1f: {  	s9 =	smul.u32 $0xF7A, s1;
	s8 =	simm.s32 @!p0 $0x1BF5;
	p2 =	por !p2, p0  }
0x20: {  	[sflag:s8] =	ssyncset.s32 @!p0 $0xFFFFF086;
	s6 =	sadd.s32 @!p0 s3, s7;
	s7 =	simm.s32 @!p0 $0x108  }
0x21: {  	s3 =	sadd.s32 s3, s9;
	s6 =	sadd.s32 @!p0 $0x88, s6;
	s7 =	simm.s32 @p2 $0x1082  }
0x22: {  	[simem:s7], [sflag:s8] =	dma.local @!p0 [hbm:s6], $0xF7A  }
0x23: {  	s9 =	sor.u32 $0xD0000000, s2;
	s6 =	simm.s32 $0x108;
	_ =	swait.ge @!p0 [sflag:s8], $0x0  }
0x24: {  	s3 =	sadd.s32 $0x88, s3;
	s6 =	simm.s32 @!p1 $0x1082;
	[sflag:s4] =	ssyncset.s32 $0xFFFFF086  }
0x25: {  	[simem:s6], [sflag:s4] =	dma.local [hbm:s3], $0xF7A  }
0x26: {  	[smem:$0x3F85] =	sst s1;
	(tag) =	ssettag s2;
	_ =	strace s9  }
0x27: {  	s1 =	sld [smem:$0x3F95]  }
0x28: {  	s2 =	sld [smem:$0x3F96]  }
0x29: {  	s4 =	sld [smem:$0x3F98]  }
0x2a: {  	p0 =	seq.s32 s5, $0x0;
	s5 =	sld [smem:$0x3F99]  }
0x2b: {  	s6 =	sld [smem:$0x3F9A]  }
0x2c: {  	s7 =	sld [smem:$0x3F9B]  }
0x2d: {  	s3 =	simm.s32 $0x108;
	s8 =	sld [smem:$0x3F9C]  }
0x2e: {  	s3 =	simm.s32 @!p0 $0x1082;
	s9 =	sld [smem:$0x3F9D]  }
0x2f: {  	lr =	sadd.s32 s0, s3;
	s0 =	sld [smem:$0x3F94]  }
0x30: {  	s3 =	sld [smem:$0x3F97]  }
0x31: {  	[smem:$0x3FA0] =	sst s10  }
0x32: {  	s10 =	sld [smem:$0x3F9E];
	_ =	sdelay $0x3  }
0x33: {  	p0 =	seq.s32 s10, $0x1;
	s10 =	sld [smem:$0x3FA0];
	_ =	sdelay $0x3  }
0x34: {  	[smem:$0x3FA0] =	sst s10  }
0x35: {  	s10 =	sld [smem:$0x3F9F];
	_ =	sdelay $0x3  }
0x36: {  	p1 =	seq.s32 s10, $0x1;
	s10 =	sld [smem:$0x3FA0];
	_ =	sdelay $0x3  }
0x37: {  	[smem:$0x3FA0] =	sst s10  }
0x38: {  	s10 =	sld [smem:$0x3FA1]  }
0x39: {  	_ = 	snop;
	(pc) =	sbr.ind lr, $3  }
0x3a: {  	_ = 	snop  }
0x3b: {  	_ = 	snop  }
0x3c: {  	p2 =	seq.s32 s10, $0x1;
	s10 =	sld [smem:$0x3FA0]  }
0x3d: {  	_ =	shalt  }
0x3e: {  	_ =	shalt  }
0x3f: {  	_ =	shalt  }
0x40: {  	_ =	shalt  }
0x41: {  	_ =	shalt  }
0x42: {  	_ =	shalt  }
0x43: {  	_ =	shalt  }
0x44: {  	_ =	shalt  }
0x45: {  	_ =	shalt  }
0x46: {  	_ =	shalt  }
0x47: {  	_ =	shalt  }
0x48: {  	_ =	shalt  }
0x49: {  	_ =	shalt  }
0x4a: {  	_ =	shalt  }
0x4b: {  	_ =	shalt  }
0x4c: {  	_ =	shalt  }
0x4d: {  	_ =	shalt  }
0x4e: {  	_ =	shalt  }
0x4f: {  	_ =	shalt  }
0x50: {  	_ =	shalt  }
0x51: {  	_ =	shalt  }
0x52: {  	_ =	shalt  }
0x53: {  	_ =	shalt  }
0x54: {  	_ =	shalt  }
0x55: {  	_ =	shalt  }
0x56: {  	_ =	shalt  }
0x57: {  	_ =	shalt  }
0x58: {  	_ =	shalt  }
0x59: {  	_ =	shalt  }
0x5a: {  	_ =	shalt  }
0x5b: {  	_ =	shalt  }
0x5c: {  	_ =	shalt  }
0x5d: {  	_ =	shalt  }
0x5e: {  	_ =	shalt  }
0x5f: {  	_ =	shalt  }
0x60: {  	_ =	shalt  }
0x61: {  	_ =	shalt  }
0x62: {  	_ =	shalt  }
0x63: {  	_ =	shalt  }
0x64: {  	_ =	shalt  }
0x65: {  	_ =	shalt  }
0x66: {  	_ =	shalt  }
0x67: {  	_ =	shalt  }
0x68: {  	_ =	shalt  }
0x69: {  	_ =	shalt  }
0x6a: {  	_ =	shalt  }
0x6b: {  	_ =	shalt  }
0x6c: {  	_ =	shalt  }
0x6d: {  	_ =	shalt  }
0x6e: {  	_ =	shalt  }
0x6f: {  	_ =	shalt  }
0x70: {  	_ =	shalt  }
0x71: {  	_ =	shalt  }
0x72: {  	_ =	shalt  }
0x73: {  	_ =	shalt  }
0x74: {  	_ =	shalt  }
0x75: {  	_ =	shalt  }
0x76: {  	_ =	shalt  }
0x77: {  	_ =	shalt  }
0x78: {  	_ =	shalt  }
0x79: {  	_ =	shalt  }
0x7a: {  	_ =	shalt  }
0x7b: {  	_ =	shalt  }
0x7c: {  	_ =	shalt  }
0x7d: {  	_ =	shalt  }
0x7e: {  	_ =	shalt  }
0x7f: {  	_ =	shalt  }
0x80: {  	_ =	shalt  }
0x81: {  	_ =	shalt  }
0x82: {  	_ =	shalt  }
0x83: {  	_ =	shalt  }
0x84: {  	_ =	shalt  }
0x85: {  	_ =	shalt  }
0x86: {  	_ =	shalt  }
0x87: {  	_ =	shalt  }
.Lfunc_end0:
.L_simem_size_0:
called_computation_lowered:
.L_overlay_start_0:
0x88: {  	s2 =	sld [smem:$0x3FD9]  }
0x89: {  	s3 =	sld [smem:$0x3FFE];
	_ =	sdelay $0x1  }
0x8a: {  	s1 =	srdreg.scid  }
0x8b: {  	s0 =	sand.u32 $0x1, s1  }
0x8c: {  	s17 =	sshll.u32 s0, $0xA;
	s2 =	sadd.s32 s3, s2  }
0x8d: {  	s2 =	sadd.s32 s2, s17  }
0x8e: {  	[smem:$0x3FAC] =	sst s2  }
0x8f: {  	_ = 	snop  }
0x90: {  	s2 =	sld [smem:$0x3FC9];
	(tm) =	ssettm $0x1  }
0x91: {  	s18 =	sld [smem:$0x3FFB];
	_ =	sdelay $0x3  }
0x92: {  	_ =	strace s18  }
0x93: {  	s3 =	sld [smem:$0x3FFC];
	_ =	sdelay $0x3  }
0x94: {  	_ =	strace s3  }
0x95: {  	s3 =	sld [smem:$0x3FFD];
	_ =	sdelay $0x3  }
0x96: {  	_ =	strace s3  }
0x97: {  	_ =	strace $0x8FFFFFFF  }
0x98: {  	s19 =	sld [smem:$0x3FDB];
	_ =	sdelay $0x1  }
0x99: {  	s4 =	simm.s32 $_scs_section_size  }
0x9a: {  	s5 =	simm.s32 $_size__tile_overlayer_lowered;
	s6 =	simm.s32 $_tile_overlayer_lowered  }
0x9b: {  	s22 =	simm.s32 $0x1BFF;
	s21 =	sshll.u32 s6, $0x1;
	s3 =	sadd.s32 s4, s19  }
0x9c: {  	s7 =	simm.s32 $0x0;
	s20 =	sshll.u32 s5, $0x1;
	s5 =	sadd.s32 s21, s3  }
0x9d: {  	[timem:s7], [sflag:s22] =	dma.local [hbm:s5], s20  }
0x9e: {  	_ =	swait.ge [sflag:s22], s20  }
0x9f: {  	s4 =	ssub.s32 $0x0, s20;
	[sflag:s22] =	ssyncset.done $0x0  }
0xa0: {  	[sflag:s22] =	ssyncadd.s32 s4;
	_ =	sdelay $0x1  }
0xa1: {  	s23 =	simm.s32 $0x1B8B  }
0xa2: {  	_ =	swait.ge [sflag:s23], $0x1  }
0xa3: {  	[sflag:s23] =	ssyncset.done $0x0  }
0xa4: {  	s25 =	simm.s32 $0x1B8E;
	s24 =	sld [smem:$0x3FFE];
	[sflag:s23] =	ssyncadd.s32 $0xFFFFFFFF  }
0xa5: {  	s26 =	simm.s32 $execute0_lowered;
	[smem:$0x3FD2] =	sst s25  }
0xa6: {  	s5 =	sshll.u32 s26, $0x1;
	_ =	strace $0x80000046;
	[dreg:$0x1] =	wrdreg $0xFFFFFFFF  }
0xa7: {  	s28 =	simm.s32 $_size_execute0_lowered;
	s3 =	sadd.s32 s3, s5;
	[dreg:$0x0] =	wrdreg $0x0  }
0xa8: {  	s5 =	sshll.u32 s28, $0x1;
	[dreg:$0x2] =	wrdreg s3  }
0xa9: {  	[dreg:$0x3] =	wrdreg s5  }
0xaa: {  	[dreg:$0x4] =	wrdreg $0xC0  }
0xab: {  	_ =	task [dreg:s7], $0x5FFFF  }
0xac: {  	[dreg:$0x1] =	wrdreg $0xFFFFFFFF  }
0xad: {  	[dreg:$0x0] =	wrdreg $0x60  }
0xae: {  	[dreg:$0x2] =	wrdreg s2  }
0xaf: {  	[dreg:$0x3] =	wrdreg s24  }
0xb0: {  	[dreg:$0x4] =	wrdreg $0xA9400  }
0xb1: {  	[dreg:$0x5] =	wrdreg $0x9  }
0xb2: {  	_ =	task.clear_ibuf [dreg:s7], $0x6FFFF;
	_ =	strace $0x90000046  }
0xb3: {  	s29 =	simm.s32 $0x9;
	_ =	strace $0x80000048  }
0xb4: {  	_ =	swait.ge [sflag:s29], $0x1  }
0xb5: {  	[sflag:s29] =	ssyncadd.s32 $0xFFFFFFFF  }
0xb6: {  	_ =	strace $0x90000048  }
0xb7: {  	_ =	sfence  }
0xb8: {  	s30 =	sld [smem:$0x0];
	_ =	sdelay $0x2  }
0xb9: {  	s31 =	sshll.u32 s1, $0xD;
	s1 =	sshrl.u32 s1, $0x2  }
0xba: {  	s3 =	sand.u32 $0x4000, s31;
	s1 =	sadd.s32 s1, s30  }
0xbb: {  	s0 =	sor.u32 s3, s0;
	s1 =	sshll.u32 s1, $0x11  }
0xbc: {  	s0 =	sor.u32 s1, s0  }
0xbd: {  	s0 =	sadd.s32 $0x8F2B, s0  }
0xbe: {  	[sflag:s0] =	ssyncadd.remote.s32 $0x1  }
0xbf: {  	_ =	sfence.sel $0xFFFF  }
0xc0: {  	[dreg:$0x0] =	wrdreg $0xFFFFFFFF;
	(pc) =	sbr.abs _section_cstart, $3  }
0xc1: {  	[dreg:$0x1] =	wrdreg $0xFFFFFFFF  }
0xc2: {  	_ =	task.clear_ibuf [dreg:s7], $0x2FFFF;
	_ =	strace $0x9FFFFFFF  }
0xc3: {  	(tm) =	ssettm $0x7FFFFFFF  }
tec
execute0_lowered:
.L_overlay_start_1:
0x0: {  	(tag) =	ssettag $0x1  }
0x1: {  	s1 =	rddreg [dreg:$0x0]  }
0x2: {  	s5 =	rddreg [dreg:$0x1]  }
0x3: {  	s3 =	rddreg [dreg:$0x2];
	s4 =	srdreg.scid  }
0x4: {  	s0 =	rddreg [dreg:$0x3];
	s2 =	stileid.u32;
	s15 =	simm.s32 $0x4  }
0x5: {  	s16 =	simm.s32 $0x50;
	s17 =	simm.s32 $0x2940;
	s18 =	simm.s32 $0x5140  }
0x6: {  	s19 =	simm.s32 $0x1;
	s20 =	simm.s32 $0x7940;
	s21 =	simm.s32 $0x2  }
0x7: {  	s22 =	simm.s32 $0x3;
	s23 =	simm.s32 $0x1450;
	s24 =	simm.s32 $0x2850  }
0x8: {  	s25 =	simm.s32 $0x28A0;
	s26 =	simm.s32 $0x28F0;
	s28 =	simm.s32 $0x0  }
0x9: {  	s6 =	sand.u32 $0x1, s4;
	s4 =	simm.s32 $0x0;
	s7 =	smul.u32 $0x2800, s2  }
0xa: {  	s10 =	sadd.s32 $0x5000, s5;
	s11 =	sadd.s32 $0xF600, s5;
	s12 =	smul.u32 $0x50000, s2  }
0xb: {  	s8 =	sshll.u32 s6, $0x4;
	[smem:$0x7FF] =	sst s4;
	s9 =	smul.u32 $0x28000, s6  }
0xc: {  	s6 =	ssub.s32 $0x2, s6;
	s8 =	sor.u32 s2, s8;
	_ =	strace $0x80000047  }
0xd: {  	s29 =	sshrl.u32 s6, $0x1;
	s30 =	sshrl.u32 s12, $0x2;
	s8 =	smul.u32 $0x2940, s8  }
0xe: {  	s12 =	simm.s32 $0x14A0;
	s7 =	sadd.s32 s7, s9;
	s14 =	ssub.s32 s6, s29  }
0xf: {  	s13 =	sadd.s32 s7, s5;
	s7 =	sadd.s32 s30, s3;
	s8 =	sshrl.u32 s8, $0x3  }
0x10: {  	s5 =	sadd.s32 s10, s8;
	s6 =	sadd.s32 s11, s8;
	s31 =	sadd.s32 $0x294, s8  }
0x11: {  	s8 =	sadd.s32 s10, s31;
	s9 =	sadd.s32 s11, s31;
	s10 =	sadd.s32 $0x19C00, s13  }
0x12: {  	v0 =	vimm.f32 $0.0e+00;
	s11 =	smax.u32 s14, $0x1;
	s13 =	simm.s32 $0xA140;
	s14 =	simm.s32 $0x5  }
.LBB2_1:
0x13: {  	[tilespmem:s4], [sflag:$0x4] =	stream.linear.gather [hbm4b:s5+s4], $0x14A0, $0x38;
	[tilespmem:$0x1E940] =	vst v63  }
0x14: {  	s29 =	simm.s32 $0x0;
	s30 =	simm.s32 $0x200  }
0x15: {  	[tilespmem:s12], [sflag:$0x4] =	stream.linear.gather [hbm4b:s6+s4], $0x14A0, $0x38;
	[tilespmem:$0x1E940] =	vst v63  }
.LBB2_2:
0x16: {  	p0 =	sne.s32 s30, $0x1E00;
	[tilespmem:s29+$0xA1B0] =	vst v0  }
0x17: {  	[tilespmem:s29+$0xA140] =	vst v0  }
0x18: {  	[tilespmem:s29+$0xA150] =	vst v0  }
.Ltmp0:
0x19: {  	[tilespmem:s29+$0xA160] =	vst v0;
	(pc) =	sbr.rel @p0 .LBB2_2-.Ltmp0, $4  }
0x1a: {  	[tilespmem:s29+$0xA170] =	vst v0  }
0x1b: {  	[tilespmem:s29+$0xA180] =	vst v0  }
0x1c: {  	[tilespmem:s29+$0xA190] =	vst v0  }
0x1d: {  	[tilespmem:s29+$0xA1A0] =	vst v0;
	s29 =	sshra.s32 s30, $0x2;
	s30 =	sadd.s32 $0x200, s30  }
0x1e: {  	[tilespmem:s29+$0xA1B0] =	vst v0  }
0x1f: {  	[tilespmem:s29+$0xA140] =	vst v0  }
0x20: {  	[tilespmem:s29+$0xA150] =	vst v0  }
0x21: {  	[tilespmem:s29+$0xA160] =	vst v0  }
0x22: {  	[tilespmem:s29+$0xA170] =	vst v0  }
0x23: {  	[tilespmem:s29+$0xA180] =	vst v0  }
0x24: {  	[tilespmem:s29+$0xA190] =	vst v0  }
0x25: {  	[tilespmem:s29+$0xA1A0] =	vst v0;
	s29 =	sadd.s32 $0x0, s7  }
0x26: {  	[spmem:s29] =	stream.linear.scatter [tilespmem:s13], [sflag:$0x5], $0x800, $0x38;
	[tilespmem:$0x1E940] =	vst v63  }
0x27: {  	s29 =	simm.s32 $0x2000;
	_ =	swait.ge [sflag:s14], $0x800  }
.LBB2_4:
0x28: {  	s30 =	sshra.s32 s29, $0x2;
	[sflag:s14] =	ssyncset.done $0x0;
	p0 =	sne.s32 s29, $0x4E000  }
.Ltmp1:
0x29: {  	s30 =	sadd.s32 s30, s7;
	[sflag:s14] =	ssyncadd.s32 $0xFFFFF800;
	(pc) =	sbr.rel @p0 .LBB2_4-.Ltmp1, $3  }
0x2a: {  	[spmem:s30] =	stream.linear.scatter [tilespmem:s13], [sflag:$0x5], $0x800, $0x38;
	[tilespmem:$0x1E940] =	vst v63  }
0x2b: {  	s29 =	sadd.s32 $0x2000, s29;
	_ =	sdelay $0x1  }
0x2c: {  	_ =	swait.ge [sflag:s14], $0x800  }
0x2d: {  	[sflag:s14] =	ssyncset.done $0x0  }
0x2e: {  	[sflag:s14] =	ssyncadd.s32 $0xFFFFF800  }
0x2f: {  	_ =	swait.ge [sflag:s15], $0x14A0  }
0x30: {  	[sflag:s15] =	ssyncset.done $0x0  }
0x31: {  	[sflag:s15] =	ssyncadd.s32 $0xFFFFEB60  }
0x32: {  	_ =	swait.ge [sflag:s15], $0x14A0  }
0x33: {  	[sflag:s15] =	ssyncset.done $0x0  }
0x34: {  	[sflag:s15] =	ssyncadd.s32 $0xFFFFEB60  }
0x35: {  	s29 =	simm.s32 $0x0;
	[bflag:$0x0] =	sbarrier.arrive $0xFFFF  }
0x36: {  	[tilespmem:s17], [sflag:$0x1] =	stream.indirect.gather [hbm4b:s1+s16], $0x80, s29, s16, $0xb8;
	[tilespmem:$0x1E940] =	vst v63  }
0x37: {  	_ = 	snop  }
0x38: {  	[tilespmem:s18], [sflag:$0x2] =	stream.indirect.gather [hbm4b:s1+s16], $0x80, s16, s16, $0xb8;
	[tilespmem:$0x1E940] =	vst v63  }
0x39: {  	_ =	swait.ge [sflag:s19], $0x2800  }
0x3a: {  	[sflag:s19] =	ssyncset.done $0x0  }
0x3b: {  	s29 =	simm.s32 $0xA0;
	[sflag:s19] =	ssyncadd.s32 $0xFFFFD800  }
0x3c: {  	[tilespmem:s20], [sflag:$0x3] =	stream.indirect.gather [hbm4b:s1+s16], $0x80, s29, s16, $0xb8;
	[tilespmem:$0x1E940] =	vst v63  }
0x3d: {  	s29 =	simm.s32 $0x14A0  }
0x3e: {  	[spmem:s3] =	stream.indirect.scatter.add.f32 [tilespmem:s17], [sflag:$0x5], $0x80, s29, s16, $0xb8;
	[tilespmem:$0x1E940] =	vst v63  }
0x3f: {  	_ =	swait.ge [sflag:s14], $0x2800  }
0x40: {  	[sflag:s14] =	ssyncset.done $0x0  }
0x41: {  	[sflag:s14] =	ssyncadd.s32 $0xFFFFD800  }
0x42: {  	_ =	swait.ge [sflag:s21], $0x2800  }
0x43: {  	[sflag:s21] =	ssyncset.done $0x0  }
0x44: {  	s29 =	simm.s32 $0xF0;
	[sflag:s21] =	ssyncadd.s32 $0xFFFFD800  }
0x45: {  	[tilespmem:s17], [sflag:$0x1] =	stream.indirect.gather [hbm4b:s1+s16], $0x80, s29, s16, $0xb8;
	[tilespmem:$0x1E940] =	vst v63  }
0x46: {  	s29 =	simm.s32 $0x14F0  }
0x47: {  	[spmem:s3] =	stream.indirect.scatter.add.f32 [tilespmem:s18], [sflag:$0x5], $0x80, s29, s16, $0xb8;
	[tilespmem:$0x1E940] =	vst v63  }
0x48: {  	_ =	swait.ge [sflag:s14], $0x2800  }
0x49: {  	[sflag:s14] =	ssyncset.done $0x0  }
0x4a: {  	[sflag:s14] =	ssyncadd.s32 $0xFFFFD800  }
0x4b: {  	_ =	swait.ge [sflag:s22], $0x2800  }
0x4c: {  	[sflag:s22] =	ssyncset.done $0x0  }
0x4d: {  	s29 =	simm.s32 $0x140;
	[sflag:s22] =	ssyncadd.s32 $0xFFFFD800  }
0x4e: {  	[tilespmem:s18], [sflag:$0x2] =	stream.indirect.gather [hbm4b:s1+s16], $0x80, s29, s16, $0xb8;
	[tilespmem:$0x1E940] =	vst v63  }
0x4f: {  	s29 =	simm.s32 $0x1540  }
0x50: {  	[spmem:s3] =	stream.indirect.scatter.add.f32 [tilespmem:s20], [sflag:$0x5], $0x80, s29, s16, $0xb8;
	[tilespmem:$0x1E940] =	vst v63  }
0x51: {  	_ =	swait.ge [sflag:s14], $0x2800  }
0x52: {  	s29 =	simm.s32 $0x3C0;
	[sflag:s14] =	ssyncset.done $0x0  }
.LBB2_6:
0x53: {  	p0 =	sne.s32 s29, $0x4B00  }
0x54: {  	[sflag:s14] =	ssyncadd.s32 $0xFFFFD800;
	s30 =	smov.u32 s29;
	s29 =	sadd.s32 $0x3C0, s29  }
0x55: {  	_ = 	snop  }
0x56: {  	_ =	swait.ge [sflag:s19], $0x2800  }
0x57: {  	s30 =	sshra.s32 s30, $0x2;
	[sflag:s19] =	ssyncset.done $0x0  }
0x58: {  	s31 =	sadd.s32 $0xA0, s30;
	[sflag:s19] =	ssyncadd.s32 $0xFFFFD800  }
0x59: {  	[tilespmem:s20], [sflag:$0x3] =	stream.indirect.gather [hbm4b:s1+s16], $0x80, s31, s16, $0xb8;
	[tilespmem:$0x1E940] =	vst v63  }
0x5a: {  	s31 =	sadd.s32 $0x14A0, s30  }
0x5b: {  	[spmem:s3] =	stream.indirect.scatter.add.f32 [tilespmem:s17], [sflag:$0x5], $0x80, s31, s16, $0xb8;
	[tilespmem:$0x1E940] =	vst v63  }
0x5c: {  	_ =	swait.ge [sflag:s14], $0x2800  }
0x5d: {  	[sflag:s14] =	ssyncset.done $0x0  }
0x5e: {  	[sflag:s14] =	ssyncadd.s32 $0xFFFFD800  }
0x5f: {  	_ =	swait.ge [sflag:s21], $0x2800  }
0x60: {  	[sflag:s21] =	ssyncset.done $0x0  }
0x61: {  	s31 =	sadd.s32 $0xF0, s30;
	[sflag:s21] =	ssyncadd.s32 $0xFFFFD800  }
0x62: {  	[tilespmem:s17], [sflag:$0x1] =	stream.indirect.gather [hbm4b:s1+s16], $0x80, s31, s16, $0xb8;
	[tilespmem:$0x1E940] =	vst v63  }
0x63: {  	s31 =	sadd.s32 $0x14F0, s30  }
0x64: {  	[spmem:s3] =	stream.indirect.scatter.add.f32 [tilespmem:s18], [sflag:$0x5], $0x80, s31, s16, $0xb8;
	[tilespmem:$0x1E940] =	vst v63  }
0x65: {  	_ =	swait.ge [sflag:s14], $0x2800  }
0x66: {  	[sflag:s14] =	ssyncset.done $0x0  }
0x67: {  	[sflag:s14] =	ssyncadd.s32 $0xFFFFD800  }
0x68: {  	_ =	swait.ge [sflag:s22], $0x2800  }
0x69: {  	[sflag:s22] =	ssyncset.done $0x0  }
0x6a: {  	s31 =	sadd.s32 $0x140, s30;
	[sflag:s22] =	ssyncadd.s32 $0xFFFFD800  }
0x6b: {  	[tilespmem:s18], [sflag:$0x2] =	stream.indirect.gather [hbm4b:s1+s16], $0x80, s31, s16, $0xb8;
	[tilespmem:$0x1E940] =	vst v63  }
.Ltmp2:
0x6c: {  	_ = 	snop;
	(pc) =	sbr.rel @p0 .LBB2_6-.Ltmp2, $4  }
0x6d: {  	s30 =	sadd.s32 $0x1540, s30  }
0x6e: {  	[spmem:s3] =	stream.indirect.scatter.add.f32 [tilespmem:s20], [sflag:$0x5], $0x80, s30, s16, $0xb8;
	[tilespmem:$0x1E940] =	vst v63  }
0x6f: {  	_ =	swait.ge [sflag:s14], $0x2800  }
0x70: {  	[sflag:s14] =	ssyncset.done $0x0  }
0x71: {  	[sflag:s14] =	ssyncadd.s32 $0xFFFFD800  }
0x72: {  	_ =	swait.ge [sflag:s19], $0x2800  }
0x73: {  	[sflag:s19] =	ssyncset.done $0x0  }
0x74: {  	[sflag:s19] =	ssyncadd.s32 $0xFFFFD800  }
0x75: {  	[tilespmem:s20], [sflag:$0x3] =	stream.indirect.gather [hbm4b:s1+s16], $0x80, s23, s16, $0xb8;
	[tilespmem:$0x1E940] =	vst v63  }
0x76: {  	_ = 	snop  }
0x77: {  	[spmem:s3] =	stream.indirect.scatter.add.f32 [tilespmem:s17], [sflag:$0x5], $0x80, s24, s16, $0xb8;
	[tilespmem:$0x1E940] =	vst v63  }
0x78: {  	_ =	swait.ge [sflag:s14], $0x2800  }
0x79: {  	[sflag:s14] =	ssyncset.done $0x0  }
0x7a: {  	[sflag:s14] =	ssyncadd.s32 $0xFFFFD800  }
0x7b: {  	_ =	swait.ge [sflag:s21], $0x2800  }
0x7c: {  	[sflag:s21] =	ssyncset.done $0x0  }
0x7d: {  	[sflag:s21] =	ssyncadd.s32 $0xFFFFD800  }
0x7e: {  	[spmem:s3] =	stream.indirect.scatter.add.f32 [tilespmem:s18], [sflag:$0x5], $0x80, s25, s16, $0xb8;
	[tilespmem:$0x1E940] =	vst v63  }
0x7f: {  	_ =	swait.ge [sflag:s14], $0x2800  }
0x80: {  	[sflag:s14] =	ssyncset.done $0x0  }
0x81: {  	[sflag:s14] =	ssyncadd.s32 $0xFFFFD800  }
0x82: {  	_ =	swait.ge [sflag:s22], $0x2800  }
0x83: {  	[sflag:s22] =	ssyncset.done $0x0  }
0x84: {  	[sflag:s22] =	ssyncadd.s32 $0xFFFFD800  }
0x85: {  	[spmem:s3] =	stream.indirect.scatter.add.f32 [tilespmem:s20], [sflag:$0x5], $0x80, s26, s16, $0xb8;
	[tilespmem:$0x1E940] =	vst v63  }
0x86: {  	_ =	swait.ge [sflag:s14], $0x2800  }
0x87: {  	[sflag:s14] =	ssyncset.done $0x0  }
0x88: {  	s29 =	simm.s32 $0x0;
	[sflag:s14] =	ssyncadd.s32 $0xFFFFD800  }
0x89: {  	[tilespmem:s29], [sflag:$0x4] =	stream.linear.gather [hbm4b:s8+s29], $0x14A0, $0x38;
	[tilespmem:$0x1E940] =	vst v63  }
0x8a: {  	_ = 	snop  }
0x8b: {  	[tilespmem:s12], [sflag:$0x4] =	stream.linear.gather [hbm4b:s9+s29], $0x14A0, $0x38;
	[tilespmem:$0x1E940] =	vst v63  }
0x8c: {  	_ =	swait.ge [sflag:s15], $0x14A0  }
0x8d: {  	[sflag:s15] =	ssyncset.done $0x0  }
0x8e: {  	[sflag:s15] =	ssyncadd.s32 $0xFFFFEB60  }
0x8f: {  	_ =	swait.ge [sflag:s15], $0x14A0  }
0x90: {  	[sflag:s15] =	ssyncset.done $0x0  }
0x91: {  	[sflag:s15] =	ssyncadd.s32 $0xFFFFEB60  }
0x92: {  	[tilespmem:s17], [sflag:$0x1] =	stream.indirect.gather [hbm4b:s1+s16], $0x80, s29, s16, $0xb8;
	[tilespmem:$0x1E940] =	vst v63  }
0x93: {  	_ = 	snop  }
0x94: {  	[tilespmem:s18], [sflag:$0x2] =	stream.indirect.gather [hbm4b:s1+s16], $0x80, s16, s16, $0xb8;
	[tilespmem:$0x1E940] =	vst v63  }
0x95: {  	_ =	swait.ge [sflag:s19], $0x2800  }
0x96: {  	[sflag:s19] =	ssyncset.done $0x0  }
0x97: {  	s29 =	simm.s32 $0xA0;
	[sflag:s19] =	ssyncadd.s32 $0xFFFFD800  }
0x98: {  	[tilespmem:s20], [sflag:$0x3] =	stream.indirect.gather [hbm4b:s1+s16], $0x80, s29, s16, $0xb8;
	[tilespmem:$0x1E940] =	vst v63  }
0x99: {  	s29 =	simm.s32 $0x14A0  }
0x9a: {  	[spmem:s3] =	stream.indirect.scatter.add.f32 [tilespmem:s17], [sflag:$0x5], $0x80, s29, s16, $0xb8;
	[tilespmem:$0x1E940] =	vst v63  }
0x9b: {  	_ =	swait.ge [sflag:s14], $0x2800  }
0x9c: {  	[sflag:s14] =	ssyncset.done $0x0  }
0x9d: {  	[sflag:s14] =	ssyncadd.s32 $0xFFFFD800  }
0x9e: {  	_ =	swait.ge [sflag:s21], $0x2800  }
0x9f: {  	[sflag:s21] =	ssyncset.done $0x0  }
0xa0: {  	s29 =	simm.s32 $0xF0;
	[sflag:s21] =	ssyncadd.s32 $0xFFFFD800  }
0xa1: {  	[tilespmem:s17], [sflag:$0x1] =	stream.indirect.gather [hbm4b:s1+s16], $0x80, s29, s16, $0xb8;
	[tilespmem:$0x1E940] =	vst v63  }
0xa2: {  	s29 =	simm.s32 $0x14F0  }
0xa3: {  	[spmem:s3] =	stream.indirect.scatter.add.f32 [tilespmem:s18], [sflag:$0x5], $0x80, s29, s16, $0xb8;
	[tilespmem:$0x1E940] =	vst v63  }
0xa4: {  	_ =	swait.ge [sflag:s14], $0x2800  }
0xa5: {  	[sflag:s14] =	ssyncset.done $0x0  }
0xa6: {  	[sflag:s14] =	ssyncadd.s32 $0xFFFFD800  }
0xa7: {  	_ =	swait.ge [sflag:s22], $0x2800  }
0xa8: {  	[sflag:s22] =	ssyncset.done $0x0  }
0xa9: {  	s29 =	simm.s32 $0x140;
	[sflag:s22] =	ssyncadd.s32 $0xFFFFD800  }
0xaa: {  	[tilespmem:s18], [sflag:$0x2] =	stream.indirect.gather [hbm4b:s1+s16], $0x80, s29, s16, $0xb8;
	[tilespmem:$0x1E940] =	vst v63  }
0xab: {  	s29 =	simm.s32 $0x1540  }
0xac: {  	[spmem:s3] =	stream.indirect.scatter.add.f32 [tilespmem:s20], [sflag:$0x5], $0x80, s29, s16, $0xb8;
	[tilespmem:$0x1E940] =	vst v63  }
0xad: {  	_ =	swait.ge [sflag:s14], $0x2800  }
0xae: {  	s29 =	simm.s32 $0x3C0;
	[sflag:s14] =	ssyncset.done $0x0  }
.LBB2_8:
0xaf: {  	p0 =	sne.s32 s29, $0x4B00  }
0xb0: {  	[sflag:s14] =	ssyncadd.s32 $0xFFFFD800;
	s30 =	smov.u32 s29;
	s29 =	sadd.s32 $0x3C0, s29  }
0xb1: {  	_ = 	snop  }
0xb2: {  	_ =	swait.ge [sflag:s19], $0x2800  }
0xb3: {  	s30 =	sshra.s32 s30, $0x2;
	[sflag:s19] =	ssyncset.done $0x0  }
0xb4: {  	s31 =	sadd.s32 $0xA0, s30;
	[sflag:s19] =	ssyncadd.s32 $0xFFFFD800  }
0xb5: {  	[tilespmem:s20], [sflag:$0x3] =	stream.indirect.gather [hbm4b:s1+s16], $0x80, s31, s16, $0xb8;
	[tilespmem:$0x1E940] =	vst v63  }
0xb6: {  	s31 =	sadd.s32 $0x14A0, s30  }
0xb7: {  	[spmem:s3] =	stream.indirect.scatter.add.f32 [tilespmem:s17], [sflag:$0x5], $0x80, s31, s16, $0xb8;
	[tilespmem:$0x1E940] =	vst v63  }
0xb8: {  	_ =	swait.ge [sflag:s14], $0x2800  }
0xb9: {  	[sflag:s14] =	ssyncset.done $0x0  }
0xba: {  	[sflag:s14] =	ssyncadd.s32 $0xFFFFD800  }
0xbb: {  	_ =	swait.ge [sflag:s21], $0x2800  }
0xbc: {  	[sflag:s21] =	ssyncset.done $0x0  }
0xbd: {  	s31 =	sadd.s32 $0xF0, s30;
	[sflag:s21] =	ssyncadd.s32 $0xFFFFD800  }
0xbe: {  	[tilespmem:s17], [sflag:$0x1] =	stream.indirect.gather [hbm4b:s1+s16], $0x80, s31, s16, $0xb8;
	[tilespmem:$0x1E940] =	vst v63  }
0xbf: {  	s31 =	sadd.s32 $0x14F0, s30  }
0xc0: {  	[spmem:s3] =	stream.indirect.scatter.add.f32 [tilespmem:s18], [sflag:$0x5], $0x80, s31, s16, $0xb8;
	[tilespmem:$0x1E940] =	vst v63  }
0xc1: {  	_ =	swait.ge [sflag:s14], $0x2800  }
0xc2: {  	[sflag:s14] =	ssyncset.done $0x0  }
0xc3: {  	[sflag:s14] =	ssyncadd.s32 $0xFFFFD800  }
0xc4: {  	_ =	swait.ge [sflag:s22], $0x2800  }
0xc5: {  	[sflag:s22] =	ssyncset.done $0x0  }
0xc6: {  	s31 =	sadd.s32 $0x140, s30;
	[sflag:s22] =	ssyncadd.s32 $0xFFFFD800  }
0xc7: {  	[tilespmem:s18], [sflag:$0x2] =	stream.indirect.gather [hbm4b:s1+s16], $0x80, s31, s16, $0xb8;
	[tilespmem:$0x1E940] =	vst v63  }
.Ltmp3:
0xc8: {  	_ = 	snop;
	(pc) =	sbr.rel @p0 .LBB2_8-.Ltmp3, $4  }
0xc9: {  	s30 =	sadd.s32 $0x1540, s30  }
0xca: {  	[spmem:s3] =	stream.indirect.scatter.add.f32 [tilespmem:s20], [sflag:$0x5], $0x80, s30, s16, $0xb8;
	[tilespmem:$0x1E940] =	vst v63  }
0xcb: {  	_ =	swait.ge [sflag:s14], $0x2800  }
0xcc: {  	[sflag:s14] =	ssyncset.done $0x0  }
0xcd: {  	[sflag:s14] =	ssyncadd.s32 $0xFFFFD800  }
0xce: {  	_ =	swait.ge [sflag:s19], $0x2800  }
0xcf: {  	[sflag:s19] =	ssyncset.done $0x0  }
0xd0: {  	[sflag:s19] =	ssyncadd.s32 $0xFFFFD800  }
0xd1: {  	[tilespmem:s20], [sflag:$0x3] =	stream.indirect.gather [hbm4b:s1+s16], $0x80, s23, s16, $0xb8;
	[tilespmem:$0x1E940] =	vst v63  }
0xd2: {  	_ = 	snop  }
0xd3: {  	[spmem:s3] =	stream.indirect.scatter.add.f32 [tilespmem:s17], [sflag:$0x5], $0x80, s24, s16, $0xb8;
	[tilespmem:$0x1E940] =	vst v63  }
0xd4: {  	_ =	swait.ge [sflag:s14], $0x2800  }
0xd5: {  	[sflag:s14] =	ssyncset.done $0x0  }
0xd6: {  	[sflag:s14] =	ssyncadd.s32 $0xFFFFD800  }
0xd7: {  	_ =	swait.ge [sflag:s21], $0x2800  }
0xd8: {  	[sflag:s21] =	ssyncset.done $0x0  }
0xd9: {  	[sflag:s21] =	ssyncadd.s32 $0xFFFFD800  }
0xda: {  	[spmem:s3] =	stream.indirect.scatter.add.f32 [tilespmem:s18], [sflag:$0x5], $0x80, s25, s16, $0xb8;
	[tilespmem:$0x1E940] =	vst v63  }
0xdb: {  	_ =	swait.ge [sflag:s14], $0x2800  }
0xdc: {  	[sflag:s14] =	ssyncset.done $0x0  }
0xdd: {  	[sflag:s14] =	ssyncadd.s32 $0xFFFFD800  }
0xde: {  	_ =	swait.ge [sflag:s22], $0x2800  }
0xdf: {  	[sflag:s22] =	ssyncset.done $0x0  }
0xe0: {  	[sflag:s22] =	ssyncadd.s32 $0xFFFFD800  }
0xe1: {  	[spmem:s3] =	stream.indirect.scatter.add.f32 [tilespmem:s20], [sflag:$0x5], $0x80, s26, s16, $0xb8;
	[tilespmem:$0x1E940] =	vst v63  }
0xe2: {  	_ =	swait.ge [sflag:s14], $0x2800  }
0xe3: {  	s29 =	sshll.u32 s2, $0x6;
	s28 =	sadd.s32 $0x1, s28;
	[sflag:s14] =	ssyncset.done $0x0  }
0xe4: {  	s30 =	sshrl.u32 s7, $0x3;
	p0 =	sne.s32 s28, s11;
	[sflag:s14] =	ssyncadd.s32 $0xFFFFD800  }
.Ltmp4:
0xe5: {  	s29 =	sor.u32 $0x1C05, s29;
	[bflag:$0x0] =	sbarrier.arrive $0xFFFF;
	(pc) =	sbr.rel @p0 .LBB2_1-.Ltmp4, $4  }
0xe6: {  	[hbm:s10], [sflag:s29] =	dma.local [spmem:s30], $0x2800  }
0xe7: {  	_ =	swait.ge [sflag:s14], $0x2800  }
0xe8: {  	[sflag:s14] =	ssyncset.done $0x0  }
0xe9: {  	[sflag:s14] =	ssyncadd.s32 $0xFFFFD800  }
0xea: {  	_ =	sfence.sel $0x180000  }
0xeb: {  	[bflag:$0x0] =	sbarrier.arrive $0xFFFF  }
0xec: {  	p0 =	sne.s32 s2, $0x0;
	_ =	strace $0x90000047  }
0xed: {  	s0 =	sadd.s32 @!p0 $0x100000, s0;
	[bflag:$0x2] =	sbarrier.arrive $0xFFFF  }
0xee: {  	[sflag:s0] =	ssyncadd.tile.s32 @!p0 $0x1;
	_ =	shalt  }
.Lfunc_end2:
_tile_overlayer_lowered:
.L_overlay_start_2:
0xef: {  	(tag) =	ssettag $0x2  }
0xf0: {  	s0 =	rddreg [dreg:$0x0];
	s2 =	stileid.u32  }
0xf1: {  	s1 =	rddreg [dreg:$0x1];
	p0 =	sne.s32 s2, $0x0  }
0xf2: {  	s3 =	rddreg [dreg:$0x2];
	[bflag:$0x3] =	sbarrier.arrive $0xFFFF;
	s2 =	simm.s32 @!p0 $0x1C05  }
0xf3: {  	[timem:s3], [sflag:s2] =	dma.local @!p0 [hbm:s0], s1  }
0xf4: {  	s0 =	simm.s32 @!p0 $0x5  }
0xf5: {  	_ =	swait.ge @!p0 [sflag:s0], s1  }
0xf6: {  	s1 =	ssub.s32 @!p0 $0x0, s1;
	[sflag:s0] =	ssyncset.done @!p0 $0x0  }
0xf7: {  	[sflag:s0] =	ssyncadd.s32 @!p0 s1  }
0xf8: {  	[bflag:$0x3] =	sbarrier.arrive $0xFFFF  }
0xf9: {  	_ =	shalt  }

</sc_bundles>
